<compile_context>
chip_gen: v7x
topology: tpu7x:2x2x1
jax: 0.10.2.dev20260603
libtpu: 0.0.44.dev20260713+nightly
codegen_flags: <defaults>
</compile_context>

<pallas_src>
import functools

import jax
import jax.numpy as jnp
from jax import lax
from jax.experimental import pallas as pl
from jax.experimental.pallas import tpu as pltpu
from jax.experimental.pallas import tpu_sc as plsc

N_NODES = 10000
N_EDGES = 320000
D = 128

NC = 2
NS = 16
NW = NC * NS
CH = 128
NCHUNK = N_EDGES // CH
NPAD = 10240
ROWS_PT = NPAD // NS
CNT_PT = NPAD // NS

_MESH = plsc.VectorSubcoreMesh(core_axis_name="c", subcore_axis_name="s")


NB2 = 2
NB4 = 4
NOUT1 = 21


def _sc1_body(y_h, src_h, dst_h, zrow_h, zcnt_h,
              sums_h, cnt_h,
              acc_s,
              sidx_v, didx_v, rows_v, cntp_v,
              si_sem, di_sem, g_sem, s_sem):
    cid = lax.axis_index("c")
    sid = lax.axis_index("s")
    wid = sid * NC + cid
    ones16 = jnp.ones((16,), jnp.float32)

    pltpu.sync_copy(zrow_h, acc_s.at[pl.ds(sid * ROWS_PT, ROWS_PT)])
    pltpu.sync_copy(zcnt_h, cntp_v)
    plsc.subcore_barrier()

    def chunk_of(g):
        return g * NW + wid

    def launch_idx(g, b2, b4):
        @pl.when(chunk_of(g) < NCHUNK)
        def _():
            base = chunk_of(g) * CH
            pltpu.async_copy(src_h.at[pl.ds(base, CH)], sidx_v.at[b2],
                             si_sem.at[b2])
            pltpu.async_copy(dst_h.at[pl.ds(base, CH)], didx_v.at[b4],
                             di_sem.at[b4])

    launch_idx(0, 0, 0)

    def outer(j, carry):
        for b in range(NB4):
            g = j * NB4 + b
            c2 = b % NB2
            p2 = (b - 1) % NB2
            p4 = (b - 1) % NB4
            r4 = (b - 2) % NB4
            n2 = (b + 1) % NB2
            n4 = (b + 1) % NB4

            @pl.when((g >= 2) & (chunk_of(g - 2) < NCHUNK))
            def _():
                pltpu.make_async_copy(rows_v.at[c2], acc_s.at[didx_v.at[r4]],
                                      s_sem.at[c2]).wait()

            @pl.when(chunk_of(g) < NCHUNK)
            def _():
                pltpu.make_async_copy(src_h.at[pl.ds(0, CH)], sidx_v.at[c2],
                                      si_sem.at[c2]).wait()
                pltpu.async_copy(y_h.at[sidx_v.at[c2]], rows_v.at[c2],
                                 g_sem.at[c2])

            @pl.when((g >= 1) & (chunk_of(g - 1) < NCHUNK))
            def _():
                pltpu.make_async_copy(y_h.at[sidx_v.at[p2]],
                                      rows_v.at[p2],
                                      g_sem.at[p2]).wait()
                pltpu.make_async_copy(dst_h.at[pl.ds(0, CH)],
                                      didx_v.at[p4],
                                      di_sem.at[p4]).wait()
                pltpu.async_copy(rows_v.at[p2], acc_s.at[didx_v.at[p4]],
                                 s_sem.at[p2], add=True)
                for k in range(CH // 16):
                    idx16 = didx_v[p4, pl.ds(k * 16, 16)]
                    plsc.addupdate_scatter(cntp_v, [idx16], ones16)

            launch_idx(g + 1, n2, n4)
        return carry

    lax.fori_loop(0, NOUT1, outer, 0)
    plsc.subcore_barrier()

    pltpu.sync_copy(
        acc_s.at[pl.ds(sid * ROWS_PT, ROWS_PT)],
        sums_h.at[pl.ds(cid * NPAD + sid * ROWS_PT, ROWS_PT)])
    pltpu.sync_copy(cntp_v, cnt_h.at[pl.ds(wid * NPAD, NPAD)])


_sc1 = functools.partial(
    pl.kernel,
    mesh=_MESH,
    out_type=[
        jax.ShapeDtypeStruct((NC * NPAD, D), jnp.float32),
        jax.ShapeDtypeStruct((NW * NPAD,), jnp.float32),
    ],
    compiler_params=pltpu.CompilerParams(needs_layout_passes=False),
    scratch_types=[
        pltpu.VMEM_SHARED((NPAD, D), jnp.float32),
        pltpu.VMEM((NB2, CH), jnp.int32),
        pltpu.VMEM((NB4, CH), jnp.int32),
        pltpu.VMEM((NB2, CH, D), jnp.float32),
        pltpu.VMEM((NPAD,), jnp.float32),
        pltpu.SemaphoreType.DMA((NB2,)),
        pltpu.SemaphoreType.DMA((NB4,)),
        pltpu.SemaphoreType.DMA((NB2,)),
        pltpu.SemaphoreType.DMA((NB2,)),
    ],
)(_sc1_body)


G2 = 512
NG2 = N_EDGES // G2
NOUT2 = 10


def _sc2_body(s_h, src_h, dst_h, zcnt_h,
              out_h,
              acc_s,
              s_v, sidx_v, didx_v, vals_v,
              si_sem, di_sem):
    cid = lax.axis_index("c")
    sid = lax.axis_index("s")
    wid = sid * NC + cid

    pltpu.sync_copy(s_h, s_v)
    pltpu.sync_copy(zcnt_h, acc_s.at[pl.ds(sid * CNT_PT, CNT_PT)])
    plsc.subcore_barrier()

    def group_of(g):
        return g * NW + wid

    def launch_idx(g, b):
        @pl.when(group_of(g) < NG2)
        def _():
            base = group_of(g) * G2
            pltpu.async_copy(src_h.at[pl.ds(base, G2)], sidx_v.at[b],
                             si_sem.at[b])
            for k in range(G2 // CH):
                pltpu.async_copy(dst_h.at[pl.ds(base + k * CH, CH)],
                                 didx_v.at[b, k], di_sem.at[b])

    launch_idx(0, 0)

    def outer(j, carry):
        for b in range(2):
            g = j * 2 + b
            launch_idx(g + 1, 1 - b)

            @pl.when(group_of(g) < NG2)
            def _():
                pltpu.make_async_copy(src_h.at[pl.ds(0, G2)], sidx_v.at[b],
                                      si_sem.at[b]).wait()
                for k in range(G2 // CH):
                    pltpu.make_async_copy(dst_h.at[pl.ds(0, CH)],
                                          didx_v.at[b, k],
                                          di_sem.at[b]).wait()
                for k2 in range(G2 // CH):
                    for k in range(CH // 16):
                        off = k2 * CH + k * 16
                        idx16 = sidx_v[b, pl.ds(off, 16)]
                        vals_v[pl.ds(k * 16, 16)] = plsc.load_gather(
                            s_v, [idx16])
                    pltpu.sync_copy(vals_v, acc_s.at[didx_v.at[b, k2]],
                                    add=True)
        return carry

    lax.fori_loop(0, NOUT2, outer, 0)
    plsc.subcore_barrier()

    pltpu.sync_copy(
        acc_s.at[pl.ds(sid * CNT_PT, CNT_PT)],
        out_h.at[pl.ds(cid * NPAD + sid * CNT_PT, CNT_PT)])


_sc2 = functools.partial(
    pl.kernel,
    mesh=_MESH,
    out_type=[jax.ShapeDtypeStruct((NC * NPAD,), jnp.float32)],
    compiler_params=pltpu.CompilerParams(needs_layout_passes=False),
    scratch_types=[
        pltpu.VMEM_SHARED((NPAD,), jnp.float32),
        pltpu.VMEM((NPAD,), jnp.float32),
        pltpu.VMEM((2, G2), jnp.int32),
        pltpu.VMEM((2, G2 // CH, CH), jnp.int32),
        pltpu.VMEM((CH,), jnp.float32),
        pltpu.SemaphoreType.DMA((2,)),
        pltpu.SemaphoreType.DMA((2,)),
    ],
)(_sc2_body)


_RB1 = 1000
_RB2 = 1024


def _tc1_body(x_ref, wl_ref, wr_ref, b1_ref, y_ref, z_ref):
    xb = x_ref[...]
    y_ref[...] = jnp.dot(xb, wl_ref[...], preferred_element_type=jnp.float32)
    z_ref[...] = (jnp.dot(xb, wr_ref[...], preferred_element_type=jnp.float32)
                  + b1_ref[...])


def _tc1(x, wlT, wrT, b1):
    return pl.pallas_call(
        _tc1_body,
        grid=(N_NODES // _RB1,),
        in_specs=[
            pl.BlockSpec((_RB1, D), lambda i: (i, 0)),
            pl.BlockSpec((D, D), lambda i: (0, 0)),
            pl.BlockSpec((D, D), lambda i: (0, 0)),
            pl.BlockSpec((1, D), lambda i: (0, 0)),
        ],
        out_specs=[
            pl.BlockSpec((_RB1, D), lambda i: (i, 0)),
            pl.BlockSpec((_RB1, D), lambda i: (i, 0)),
        ],
        out_shape=[
            jax.ShapeDtypeStruct((NPAD, D), jnp.float32),
            jax.ShapeDtypeStruct((NPAD, D), jnp.float32),
        ],
    )(x, wlT, wrT, b1)


def _tc2_body(s0_ref, s1_ref, cm_ref, z_ref, w2l_ref, w2r_ref,
              h_ref, s_ref, t_ref, c_ref):
    ones_w = jnp.ones((NW, 1), jnp.float32)
    craw = lax.dot_general(cm_ref[...], ones_w, (((0,), (0,)), ((), ())),
                           preferred_element_type=jnp.float32)
    cnt = jnp.maximum(craw, 1.0)
    hb = (s0_ref[...] + s1_ref[...]) / cnt + z_ref[...]
    h_ref[...] = hb
    r = jnp.maximum(hb, 0.0)
    s_ref[...] = jnp.sum(r * w2l_ref[...], axis=1, keepdims=True)
    t_ref[...] = jnp.sum(r * w2r_ref[...], axis=1, keepdims=True)
    c_ref[...] = cnt


def _tc2(sums, cntmat, z, w2l, w2r):
    off = NPAD // _RB2
    return pl.pallas_call(
        _tc2_body,
        grid=(NPAD // _RB2,),
        in_specs=[
            pl.BlockSpec((_RB2, D), lambda i: (i, 0)),
            pl.BlockSpec((_RB2, D), lambda i, o=off: (i + o, 0)),
            pl.BlockSpec((NW, _RB2), lambda i: (0, i)),
            pl.BlockSpec((_RB2, D), lambda i: (i, 0)),
            pl.BlockSpec((1, D), lambda i: (0, 0)),
            pl.BlockSpec((1, D), lambda i: (0, 0)),
        ],
        out_specs=[
            pl.BlockSpec((_RB2, D), lambda i: (i, 0)),
            pl.BlockSpec((_RB2, 1), lambda i: (i, 0)),
            pl.BlockSpec((_RB2, 1), lambda i: (i, 0)),
            pl.BlockSpec((_RB2, 1), lambda i: (i, 0)),
        ],
        out_shape=[
            jax.ShapeDtypeStruct((NPAD, D), jnp.float32),
            jax.ShapeDtypeStruct((NPAD, 1), jnp.float32),
            jax.ShapeDtypeStruct((NPAD, 1), jnp.float32),
            jax.ShapeDtypeStruct((NPAD, 1), jnp.float32),
        ],
    )(sums, sums, cntmat, z, w2l, w2r)


def _tc3_body(a0_ref, a1_ref, c_ref, t_ref, b2_ref, o_ref):
    val = ((a0_ref[...] + a1_ref[...]) / c_ref[...] + b2_ref[0, 0]
           + t_ref[...])
    o_ref[...] = jax.nn.sigmoid(val)


def _tc3(a0, a1, c, tpad, b2):
    return pl.pallas_call(
        _tc3_body,
        grid=(1,),
        in_specs=[pl.BlockSpec((NPAD // D, D), lambda i: (0, 0))] * 4
        + [pl.BlockSpec((1, 1), lambda i: (0, 0), memory_space=pltpu.SMEM)],
        out_specs=pl.BlockSpec((NPAD // D, D), lambda i: (0, 0)),
        out_shape=jax.ShapeDtypeStruct((NPAD // D, D), jnp.float32),
    )(a0, a1, c, tpad, b2)


def kernel(x, edge_index, W1_l, b1_l, W1_r, W2_l, b2_l, W2_r):
    src = edge_index[0].astype(jnp.int32)
    dst = edge_index[1].astype(jnp.int32)

    zrow = jnp.zeros((ROWS_PT, D), jnp.float32)
    zcnt = jnp.zeros((CNT_PT,), jnp.float32)
    zcnt_full = jnp.zeros((NPAD,), jnp.float32)

    y, z = _tc1(x, W1_l.T, W1_r.T, b1_l.reshape(1, D))

    sums, cntflat = _sc1(y, src, dst, zrow, zcnt_full)

    h, s, t, c = _tc2(sums, cntflat.reshape(NW, NPAD), z,
                      W2_l.reshape(1, D), W2_r.reshape(1, D))

    (sum2,) = _sc2(s.reshape(NPAD), src, dst, zcnt)

    sum22 = sum2.reshape(NC, NPAD // D, D)
    o = _tc3(sum22[0], sum22[1], c.reshape(NPAD // D, D),
             t.reshape(NPAD // D, D), b2_l.reshape(1, 1))

    out = o.reshape(NPAD)[:N_NODES].reshape(N_NODES, 1)
    return (out, h[:N_NODES])

# --- scband reference (transcript-rebuilt; emitter-appended) ---
"""Pipeline reference for scband-pdr-89378269430400 (READ-ONLY COPY).

The authoritative reference and input builder live on the scoring server;
editing this copy changes nothing except your own understanding.
"""

import jax, jax.numpy as jnp
import numpy as np

N_NODES = 10000
N_EDGES = 320000
D_IN = 128
D_HID = 128


def _sage_conv(x, edge_index, W_l, b_l, W_r):
    # PyG SAGEConv with mean aggregation:
    #   out = lin_l(mean_{j in N(i)} x_j) + lin_r(x_i)
    # edge_index[0] = source nodes, edge_index[1] = destination nodes
    src = edge_index[0]
    dst = edge_index[1]
    n = x.shape[0]
    msgs = jnp.take(x, src, axis=0)
    summed = jax.ops.segment_sum(msgs, dst, num_segments=n)
    cnt = jax.ops.segment_sum(jnp.ones((src.shape[0],), dtype=x.dtype), dst, num_segments=n)
    mean = summed / jnp.clip(cnt, 1.0)[:, None]
    return mean @ W_l.T + b_l + x @ W_r.T


def setup_inputs(seed: int = 0) -> dict:
    key = jax.random.key(seed)
    k_x, k_e, k1, k2, k3, k4, k5 = jax.random.split(key, 7)
    x = jax.random.normal(k_x, (N_NODES, D_IN), dtype=jnp.float32)
    edge_index = jax.random.randint(k_e, (2, N_EDGES), 0, N_NODES, dtype=jnp.int64)
    s1 = 1.0 / np.sqrt(D_IN)
    s2 = 1.0 / np.sqrt(D_HID)
    W1_l = jax.random.uniform(k1, (D_HID, D_IN), jnp.float32, -s1, s1)
    b1_l = jnp.zeros((D_HID,), jnp.float32)
    W1_r = jax.random.uniform(k2, (D_HID, D_IN), jnp.float32, -s1, s1)
    W2_l = jax.random.uniform(k3, (1, D_HID), jnp.float32, -s2, s2)
    b2_l = jnp.zeros((1,), jnp.float32)
    W2_r = jax.random.uniform(k4, (1, D_HID), jnp.float32, -s2, s2)
    return {"x": x, "edge_index": edge_index, "W1_l": W1_l, "b1_l": b1_l, "W1_r": W1_r, "W2_l": W2_l, "b2_l": b2_l, "W2_r": W2_r}


def reference(x, edge_index, W1_l, b1_l, W1_r, W2_l, b2_l, W2_r):
    h = _sage_conv(x, edge_index, W1_l, b1_l, W1_r)
    out = jax.nn.relu(h)
    out = _sage_conv(out, edge_index, W2_l, b2_l, W2_r)
    out = jax.nn.sigmoid(out)
    return (out, h)

if __name__ == "__main__":
    import jax
    _d = setup_inputs()
    print(jax.jit(kernel)(*tuple(_d.values())))

</pallas_src>

<mosaic_0001>
#map = affine_map<(d0, d1) -> (0)>
module attributes {stable_mosaic.version = 14 : i64} {
  func.func @_sc2_body(%arg0: i32, %arg1: i32, %arg2: memref<10240xf32, #tpu.memory_space<hbm>>, %arg3: memref<320000xi32, #tpu.memory_space<hbm>>, %arg4: memref<320000xi32, #tpu.memory_space<hbm>>, %arg5: memref<640xf32, #tpu.memory_space<hbm>>, %arg6: memref<20480xf32, #tpu.memory_space<hbm>>, %arg7: memref<10240xf32, #tpu.memory_space<vmem_shared>>, %arg8: memref<10240xf32, #tpu.memory_space<vmem>>, %arg9: memref<2x512xi32, #tpu.memory_space<vmem>>, %arg10: memref<2x4x128xi32, #tpu.memory_space<vmem>>, %arg11: memref<128xf32, #tpu.memory_space<vmem>>, %arg12: memref<2x!tpu.dma_semaphore, #tpu.memory_space<semaphore_mem>>, %arg13: memref<2x!tpu.dma_semaphore, #tpu.memory_space<semaphore_mem>>) attributes {dimension_semantics = [#tpu.dimension_semantics<core_parallel>, #tpu.dimension_semantics<subcore_parallel>], iteration_bounds = array<i64: 2, 16>, scalar_prefetch = 0 : i64, scratch_operands = 7 : i64, tpu.core_type = #tpu.core_type<sc_vector_subcore>, window_params = [{transform_indices = #map}, {transform_indices = #map}, {transform_indices = #map}, {transform_indices = #map}, {transform_indices = #map}]} {
    %mul3A = arith.constant 2 : i32
    %mul3A_0 = arith.muli %arg1, %mul3A : i32
    %add3A = arith.addi %mul3A_0, %arg0 : i32
    "tpu.region"() ({
      %run_scoped3A = tpu.sem_alloc : memref<!tpu.dma_semaphore, #tpu.memory_space<semaphore_mem>>
      tpu.enqueue_dma source(%arg2 : memref<10240xf32, #tpu.memory_space<hbm>>) target(%arg8 : memref<10240xf32, #tpu.memory_space<vmem>>) target_semaphore(%run_scoped3A : memref<!tpu.dma_semaphore, #tpu.memory_space<semaphore_mem>>)
      tpu.wait_dma2 semaphore(%run_scoped3A : memref<!tpu.dma_semaphore, #tpu.memory_space<semaphore_mem>>) src(%arg2 : memref<10240xf32, #tpu.memory_space<hbm>>) dst(%arg8 : memref<10240xf32, #tpu.memory_space<vmem>>)
      tpu.yield
    }) : () -> ()
    %mul3A_1 = arith.constant 640 : i32
    %mul3A_2 = arith.muli %arg1, %mul3A_1 : i32
    "tpu.region"() ({
      %run_scoped3A = tpu.sem_alloc : memref<!tpu.dma_semaphore, #tpu.memory_space<semaphore_mem>>
      %dma_start3A = tpu.memref_slice %arg7[%mul3A_2] : memref<10240xf32, #tpu.memory_space<vmem_shared>> -> memref<640xf32, #tpu.memory_space<vmem_shared>>
      tpu.enqueue_dma source(%arg5 : memref<640xf32, #tpu.memory_space<hbm>>) target(%dma_start3A : memref<640xf32, #tpu.memory_space<vmem_shared>>) target_semaphore(%run_scoped3A : memref<!tpu.dma_semaphore, #tpu.memory_space<semaphore_mem>>)
      %dma_wait3A = tpu.memref_slice %arg7[%mul3A_2] : memref<10240xf32, #tpu.memory_space<vmem_shared>> -> memref<640xf32, #tpu.memory_space<vmem_shared>>
      tpu.wait_dma2 semaphore(%run_scoped3A : memref<!tpu.dma_semaphore, #tpu.memory_space<semaphore_mem>>) src(%arg5 : memref<640xf32, #tpu.memory_space<hbm>>) dst(%dma_wait3A : memref<640xf32, #tpu.memory_space<vmem_shared>>)
      tpu.yield
    }) : () -> ()
    %barrier3A = arith.constant 0 : index
    tpu.barrier barrier_id(%barrier3A)
    %add3A_3 = arith.constant 0 : i32
    %add3A_4 = arith.addi %add3A_3, %add3A : i32
    %lt3A = arith.constant 625 : i32
    %lt3A_5 = arith.cmpi slt, %add3A_4, %lt3A : i32
    %convert_element_type3A = arith.extui %lt3A_5 : i1 to i32
    %cond3A = arith.constant 0 : i32
    %cond3A_6 = arith.cmpi ne, %convert_element_type3A, %cond3A : i32
    scf.if %cond3A_6 {
      %add3A_20 = arith.constant 0 : i32
      %add3A_21 = arith.addi %add3A_20, %add3A : i32
      %mul3A_22 = arith.constant 512 : i32
      %mul3A_23 = arith.muli %add3A_21, %mul3A_22 : i32
      %dma_start3A = arith.constant 0 : i32
      %dma_start3A_24 = arith.constant 0 : i32
      %dma_start3A_25 = arith.constant 0 : i32
      %dma_start3A_26 = tpu.memref_slice %arg9[%dma_start3A, %dma_start3A_25] : memref<2x512xi32, #tpu.memory_space<vmem>> -> memref<1x512xi32, #tpu.memory_space<vmem>>
      %dma_start3A_27 = tpu.memref_squeeze %dma_start3A_26 : memref<1x512xi32, #tpu.memory_space<vmem>> -> memref<512xi32, #tpu.memory_space<vmem>>
      %dma_start3A_28 = tpu.memref_slice %arg3[%mul3A_23] : memref<320000xi32, #tpu.memory_space<hbm>> -> memref<512xi32, #tpu.memory_space<hbm>>
      %dma_start3A_29 = tpu.memref_slice %arg12[%dma_start3A_24] : memref<2x!tpu.dma_semaphore, #tpu.memory_space<semaphore_mem>> -> memref<1x!tpu.dma_semaphore, #tpu.memory_space<semaphore_mem>>
      %dma_start3A_30 = tpu.memref_squeeze %dma_start3A_29 : memref<1x!tpu.dma_semaphore, #tpu.memory_space<semaphore_mem>> -> memref<!tpu.dma_semaphore, #tpu.memory_space<semaphore_mem>>
      %dma_start3A_31 = arith.constant 0 : i32
      %dma_start3A_32 = tpu.memref_slice %arg9[%dma_start3A, %dma_start3A_31] : memref<2x512xi32, #tpu.memory_space<vmem>> -> memref<1x512xi32, #tpu.memory_space<vmem>>
      %dma_start3A_33 = tpu.memref_squeeze %dma_start3A_32 : memref<1x512xi32, #tpu.memory_space<vmem>> -> memref<512xi32, #tpu.memory_space<vmem>>
      %dma_start3A_34 = tpu.memref_slice %arg3[%mul3A_23] : memref<320000xi32, #tpu.memory_space<hbm>> -> memref<512xi32, #tpu.memory_space<hbm>>
      tpu.enqueue_dma source(%dma_start3A_34 : memref<512xi32, #tpu.memory_space<hbm>>) target(%dma_start3A_33 : memref<512xi32, #tpu.memory_space<vmem>>) target_semaphore(%dma_start3A_30 : memref<!tpu.dma_semaphore, #tpu.memory_space<semaphore_mem>>)
      %add3A_35 = arith.constant 0 : i32
      %add3A_36 = arith.addi %mul3A_23, %add3A_35 : i32
      %dma_start3A_37 = arith.constant 0 : i32
      %dma_start3A_38 = arith.constant 0 : i32
      %dma_start3A_39 = arith.constant 0 : i32
      %dma_start3A_40 = arith.constant 0 : i32
      %dma_start3A_41 = tpu.memref_slice %arg10[%dma_start3A_37, %dma_start3A_38, %dma_start3A_40] : memref<2x4x128xi32, #tpu.memory_space<vmem>> -> memref<1x1x128xi32, #tpu.memory_space<vmem>>
      %dma_start3A_42 = tpu.memref_squeeze %dma_start3A_41 : memref<1x1x128xi32, #tpu.memory_space<vmem>> -> memref<128xi32, #tpu.memory_space<vmem>>
      %dma_start3A_43 = tpu.memref_slice %arg4[%add3A_36] : memref<320000xi32, #tpu.memory_space<hbm>> -> memref<128xi32, #tpu.memory_space<hbm>>
      %dma_start3A_44 = tpu.memref_slice %arg13[%dma_start3A_39] : memref<2x!tpu.dma_semaphore, #tpu.memory_space<semaphore_mem>> -> memref<1x!tpu.dma_semaphore, #tpu.memory_space<semaphore_mem>>
      %dma_start3A_45 = tpu.memref_squeeze %dma_start3A_44 : memref<1x!tpu.dma_semaphore, #tpu.memory_space<semaphore_mem>> -> memref<!tpu.dma_semaphore, #tpu.memory_space<semaphore_mem>>
      %dma_start3A_46 = arith.constant 0 : i32
      %dma_start3A_47 = tpu.memref_slice %arg10[%dma_start3A_37, %dma_start3A_38, %dma_start3A_46] : memref<2x4x128xi32, #tpu.memory_space<vmem>> -> memref<1x1x128xi32, #tpu.memory_space<vmem>>
      %dma_start3A_48 = tpu.memref_squeeze %dma_start3A_47 : memref<1x1x128xi32, #tpu.memory_space<vmem>> -> memref<128xi32, #tpu.memory_space<vmem>>
      %dma_start3A_49 = tpu.memref_slice %arg4[%add3A_36] : memref<320000xi32, #tpu.memory_space<hbm>> -> memref<128xi32, #tpu.memory_space<hbm>>
      tpu.enqueue_dma source(%dma_start3A_49 : memref<128xi32, #tpu.memory_space<hbm>>) target(%dma_start3A_48 : memref<128xi32, #tpu.memory_space<vmem>>) target_semaphore(%dma_start3A_45 : memref<!tpu.dma_semaphore, #tpu.memory_space<semaphore_mem>>)
      %add3A_50 = arith.constant 128 : i32
      %add3A_51 = arith.addi %mul3A_23, %add3A_50 : i32
      %dma_start3A_52 = arith.constant 0 : i32
      %dma_start3A_53 = arith.constant 1 : i32
      %dma_start3A_54 = arith.constant 0 : i32
      %dma_start3A_55 = arith.constant 0 : i32
      %dma_start3A_56 = tpu.memref_slice %arg10[%dma_start3A_52, %dma_start3A_53, %dma_start3A_55] : memref<2x4x128xi32, #tpu.memory_space<vmem>> -> memref<1x1x128xi32, #tpu.memory_space<vmem>>
      %dma_start3A_57 = tpu.memref_squeeze %dma_start3A_56 : memref<1x1x128xi32, #tpu.memory_space<vmem>> -> memref<128xi32, #tpu.memory_space<vmem>>
      %dma_start3A_58 = tpu.memref_slice %arg4[%add3A_51] : memref<320000xi32, #tpu.memory_space<hbm>> -> memref<128xi32, #tpu.memory_space<hbm>>
      %dma_start3A_59 = tpu.memref_slice %arg13[%dma_start3A_54] : memref<2x!tpu.dma_semaphore, #tpu.memory_space<semaphore_mem>> -> memref<1x!tpu.dma_semaphore, #tpu.memory_space<semaphore_mem>>
      %dma_start3A_60 = tpu.memref_squeeze %dma_start3A_59 : memref<1x!tpu.dma_semaphore, #tpu.memory_space<semaphore_mem>> -> memref<!tpu.dma_semaphore, #tpu.memory_space<semaphore_mem>>
      %dma_start3A_61 = arith.constant 0 : i32
      %dma_start3A_62 = tpu.memref_slice %arg10[%dma_start3A_52, %dma_start3A_53, %dma_start3A_61] : memref<2x4x128xi32, #tpu.memory_space<vmem>> -> memref<1x1x128xi32, #tpu.memory_space<vmem>>
      %dma_start3A_63 = tpu.memref_squeeze %dma_start3A_62 : memref<1x1x128xi32, #tpu.memory_space<vmem>> -> memref<128xi32, #tpu.memory_space<vmem>>
      %dma_start3A_64 = tpu.memref_slice %arg4[%add3A_51] : memref<320000xi32, #tpu.memory_space<hbm>> -> memref<128xi32, #tpu.memory_space<hbm>>
      tpu.enqueue_dma source(%dma_start3A_64 : memref<128xi32, #tpu.memory_space<hbm>>) target(%dma_start3A_63 : memref<128xi32, #tpu.memory_space<vmem>>) target_semaphore(%dma_start3A_60 : memref<!tpu.dma_semaphore, #tpu.memory_space<semaphore_mem>>)
      %add3A_65 = arith.constant 256 : i32
      %add3A_66 = arith.addi %mul3A_23, %add3A_65 : i32
      %dma_start3A_67 = arith.constant 0 : i32
      %dma_start3A_68 = arith.constant 2 : i32
      %dma_start3A_69 = arith.constant 0 : i32
      %dma_start3A_70 = arith.constant 0 : i32
      %dma_start3A_71 = tpu.memref_slice %arg10[%dma_start3A_67, %dma_start3A_68, %dma_start3A_70] : memref<2x4x128xi32, #tpu.memory_space<vmem>> -> memref<1x1x128xi32, #tpu.memory_space<vmem>>
      %dma_start3A_72 = tpu.memref_squeeze %dma_start3A_71 : memref<1x1x128xi32, #tpu.memory_space<vmem>> -> memref<128xi32, #tpu.memory_space<vmem>>
      %dma_start3A_73 = tpu.memref_slice %arg4[%add3A_66] : memref<320000xi32, #tpu.memory_space<hbm>> -> memref<128xi32, #tpu.memory_space<hbm>>
      %dma_start3A_74 = tpu.memref_slice %arg13[%dma_start3A_69] : memref<2x!tpu.dma_semaphore, #tpu.memory_space<semaphore_mem>> -> memref<1x!tpu.dma_semaphore, #tpu.memory_space<semaphore_mem>>
      %dma_start3A_75 = tpu.memref_squeeze %dma_start3A_74 : memref<1x!tpu.dma_semaphore, #tpu.memory_space<semaphore_mem>> -> memref<!tpu.dma_semaphore, #tpu.memory_space<semaphore_mem>>
      %dma_start3A_76 = arith.constant 0 : i32
      %dma_start3A_77 = tpu.memref_slice %arg10[%dma_start3A_67, %dma_start3A_68, %dma_start3A_76] : memref<2x4x128xi32, #tpu.memory_space<vmem>> -> memref<1x1x128xi32, #tpu.memory_space<vmem>>
      %dma_start3A_78 = tpu.memref_squeeze %dma_start3A_77 : memref<1x1x128xi32, #tpu.memory_space<vmem>> -> memref<128xi32, #tpu.memory_space<vmem>>
      %dma_start3A_79 = tpu.memref_slice %arg4[%add3A_66] : memref<320000xi32, #tpu.memory_space<hbm>> -> memref<128xi32, #tpu.memory_space<hbm>>
      tpu.enqueue_dma source(%dma_start3A_79 : memref<128xi32, #tpu.memory_space<hbm>>) target(%dma_start3A_78 : memref<128xi32, #tpu.memory_space<vmem>>) target_semaphore(%dma_start3A_75 : memref<!tpu.dma_semaphore, #tpu.memory_space<semaphore_mem>>)
      %add3A_80 = arith.constant 384 : i32
      %add3A_81 = arith.addi %mul3A_23, %add3A_80 : i32
      %dma_start3A_82 = arith.constant 0 : i32
      %dma_start3A_83 = arith.constant 3 : i32
      %dma_start3A_84 = arith.constant 0 : i32
      %dma_start3A_85 = arith.constant 0 : i32
      %dma_start3A_86 = tpu.memref_slice %arg10[%dma_start3A_82, %dma_start3A_83, %dma_start3A_85] : memref<2x4x128xi32, #tpu.memory_space<vmem>> -> memref<1x1x128xi32, #tpu.memory_space<vmem>>
      %dma_start3A_87 = tpu.memref_squeeze %dma_start3A_86 : memref<1x1x128xi32, #tpu.memory_space<vmem>> -> memref<128xi32, #tpu.memory_space<vmem>>
      %dma_start3A_88 = tpu.memref_slice %arg4[%add3A_81] : memref<320000xi32, #tpu.memory_space<hbm>> -> memref<128xi32, #tpu.memory_space<hbm>>
      %dma_start3A_89 = tpu.memref_slice %arg13[%dma_start3A_84] : memref<2x!tpu.dma_semaphore, #tpu.memory_space<semaphore_mem>> -> memref<1x!tpu.dma_semaphore, #tpu.memory_space<semaphore_mem>>
      %dma_start3A_90 = tpu.memref_squeeze %dma_start3A_89 : memref<1x!tpu.dma_semaphore, #tpu.memory_space<semaphore_mem>> -> memref<!tpu.dma_semaphore, #tpu.memory_space<semaphore_mem>>
      %dma_start3A_91 = arith.constant 0 : i32
      %dma_start3A_92 = tpu.memref_slice %arg10[%dma_start3A_82, %dma_start3A_83, %dma_start3A_91] : memref<2x4x128xi32, #tpu.memory_space<vmem>> -> memref<1x1x128xi32, #tpu.memory_space<vmem>>
      %dma_start3A_93 = tpu.memref_squeeze %dma_start3A_92 : memref<1x1x128xi32, #tpu.memory_space<vmem>> -> memref<128xi32, #tpu.memory_space<vmem>>
      %dma_start3A_94 = tpu.memref_slice %arg4[%add3A_81] : memref<320000xi32, #tpu.memory_space<hbm>> -> memref<128xi32, #tpu.memory_space<hbm>>
      tpu.enqueue_dma source(%dma_start3A_94 : memref<128xi32, #tpu.memory_space<hbm>>) target(%dma_start3A_93 : memref<128xi32, #tpu.memory_space<vmem>>) target_semaphore(%dma_start3A_90 : memref<!tpu.dma_semaphore, #tpu.memory_space<semaphore_mem>>)
    } else {
    }
    %scan3A = arith.constant 0 : i32
    %scan3A_7 = arith.constant 0 : i32
    %scan3A_8 = arith.constant 10 : i32
    %scan3A_9 = arith.addi %scan3A_7, %scan3A_8 : i32
    %scan3A_10 = arith.constant 1 : i32
    scf.for %scan3A_20 = %scan3A_7 to %scan3A_9 step %scan3A_10  : i32 {
      %mul3A_21 = arith.constant 2 : i32
      %mul3A_22 = arith.muli %scan3A_20, %mul3A_21 : i32
      %add3A_23 = arith.constant 0 : i32
      %add3A_24 = arith.addi %mul3A_22, %add3A_23 : i32
      %add3A_25 = arith.constant 1 : i32
      %add3A_26 = arith.addi %add3A_24, %add3A_25 : i32
      %mul3A_27 = arith.constant 32 : i32
      %mul3A_28 = arith.muli %add3A_26, %mul3A_27 : i32
      %add3A_29 = arith.addi %mul3A_28, %add3A : i32
      %lt3A_30 = arith.constant 625 : i32
      %lt3A_31 = arith.cmpi slt, %add3A_29, %lt3A_30 : i32
      %convert_element_type3A_32 = arith.extui %lt3A_31 : i1 to i32
      %cond3A_33 = arith.constant 0 : i32
      %cond3A_34 = arith.cmpi ne, %convert_element_type3A_32, %cond3A_33 : i32
      scf.if %cond3A_34 {
        %mul3A_65 = arith.constant 32 : i32
        %mul3A_66 = arith.muli %add3A_26, %mul3A_65 : i32
        %add3A_67 = arith.addi %mul3A_66, %add3A : i32
        %mul3A_68 = arith.constant 512 : i32
        %mul3A_69 = arith.muli %add3A_67, %mul3A_68 : i32
        %dma_start3A = arith.constant 1 : i32
        %dma_start3A_70 = arith.constant 1 : i32
        %dma_start3A_71 = arith.constant 0 : i32
        %dma_start3A_72 = tpu.memref_slice %arg9[%dma_start3A, %dma_start3A_71] : memref<2x512xi32, #tpu.memory_space<vmem>> -> memref<1x512xi32, #tpu.memory_space<vmem>>
        %dma_start3A_73 = tpu.memref_squeeze %dma_start3A_72 : memref<1x512xi32, #tpu.memory_space<vmem>> -> memref<512xi32, #tpu.memory_space<vmem>>
        %dma_start3A_74 = tpu.memref_slice %arg3[%mul3A_69] : memref<320000xi32, #tpu.memory_space<hbm>> -> memref<512xi32, #tpu.memory_space<hbm>>
        %dma_start3A_75 = tpu.memref_slice %arg12[%dma_start3A_70] : memref<2x!tpu.dma_semaphore, #tpu.memory_space<semaphore_mem>> -> memref<1x!tpu.dma_semaphore, #tpu.memory_space<semaphore_mem>>
        %dma_start3A_76 = tpu.memref_squeeze %dma_start3A_75 : memref<1x!tpu.dma_semaphore, #tpu.memory_space<semaphore_mem>> -> memref<!tpu.dma_semaphore, #tpu.memory_space<semaphore_mem>>
        %dma_start3A_77 = arith.constant 0 : i32
        %dma_start3A_78 = tpu.memref_slice %arg9[%dma_start3A, %dma_start3A_77] : memref<2x512xi32, #tpu.memory_space<vmem>> -> memref<1x512xi32, #tpu.memory_space<vmem>>
        %dma_start3A_79 = tpu.memref_squeeze %dma_start3A_78 : memref<1x512xi32, #tpu.memory_space<vmem>> -> memref<512xi32, #tpu.memory_space<vmem>>
        %dma_start3A_80 = tpu.memref_slice %arg3[%mul3A_69] : memref<320000xi32, #tpu.memory_space<hbm>> -> memref<512xi32, #tpu.memory_space<hbm>>
        tpu.enqueue_dma source(%dma_start3A_80 : memref<512xi32, #tpu.memory_space<hbm>>) target(%dma_start3A_79 : memref<512xi32, #tpu.memory_space<vmem>>) target_semaphore(%dma_start3A_76 : memref<!tpu.dma_semaphore, #tpu.memory_space<semaphore_mem>>)
        %add3A_81 = arith.constant 0 : i32
        %add3A_82 = arith.addi %mul3A_69, %add3A_81 : i32
        %dma_start3A_83 = arith.constant 1 : i32
        %dma_start3A_84 = arith.constant 0 : i32
        %dma_start3A_85 = arith.constant 1 : i32
        %dma_start3A_86 = arith.constant 0 : i32
        %dma_start3A_87 = tpu.memref_slice %arg10[%dma_start3A_83, %dma_start3A_84, %dma_start3A_86] : memref<2x4x128xi32, #tpu.memory_space<vmem>> -> memref<1x1x128xi32, #tpu.memory_space<vmem>>
        %dma_start3A_88 = tpu.memref_squeeze %dma_start3A_87 : memref<1x1x128xi32, #tpu.memory_space<vmem>> -> memref<128xi32, #tpu.memory_space<vmem>>
        %dma_start3A_89 = tpu.memref_slice %arg4[%add3A_82] : memref<320000xi32, #tpu.memory_space<hbm>> -> memref<128xi32, #tpu.memory_space<hbm>>
        %dma_start3A_90 = tpu.memref_slice %arg13[%dma_start3A_85] : memref<2x!tpu.dma_semaphore, #tpu.memory_space<semaphore_mem>> -> memref<1x!tpu.dma_semaphore, #tpu.memory_space<semaphore_mem>>
        %dma_start3A_91 = tpu.memref_squeeze %dma_start3A_90 : memref<1x!tpu.dma_semaphore, #tpu.memory_space<semaphore_mem>> -> memref<!tpu.dma_semaphore, #tpu.memory_space<semaphore_mem>>
        %dma_start3A_92 = arith.constant 0 : i32
        %dma_start3A_93 = tpu.memref_slice %arg10[%dma_start3A_83, %dma_start3A_84, %dma_start3A_92] : memref<2x4x128xi32, #tpu.memory_space<vmem>> -> memref<1x1x128xi32, #tpu.memory_space<vmem>>
        %dma_start3A_94 = tpu.memref_squeeze %dma_start3A_93 : memref<1x1x128xi32, #tpu.memory_space<vmem>> -> memref<128xi32, #tpu.memory_space<vmem>>
        %dma_start3A_95 = tpu.memref_slice %arg4[%add3A_82] : memref<320000xi32, #tpu.memory_space<hbm>> -> memref<128xi32, #tpu.memory_space<hbm>>
        tpu.enqueue_dma source(%dma_start3A_95 : memref<128xi32, #tpu.memory_space<hbm>>) target(%dma_start3A_94 : memref<128xi32, #tpu.memory_space<vmem>>) target_semaphore(%dma_start3A_91 : memref<!tpu.dma_semaphore, #tpu.memory_space<semaphore_mem>>)
        %add3A_96 = arith.constant 128 : i32
        %add3A_97 = arith.addi %mul3A_69, %add3A_96 : i32
        %dma_start3A_98 = arith.constant 1 : i32
        %dma_start3A_99 = arith.constant 1 : i32
        %dma_start3A_100 = arith.constant 1 : i32
        %dma_start3A_101 = arith.constant 0 : i32
        %dma_start3A_102 = tpu.memref_slice %arg10[%dma_start3A_98, %dma_start3A_99, %dma_start3A_101] : memref<2x4x128xi32, #tpu.memory_space<vmem>> -> memref<1x1x128xi32, #tpu.memory_space<vmem>>
        %dma_start3A_103 = tpu.memref_squeeze %dma_start3A_102 : memref<1x1x128xi32, #tpu.memory_space<vmem>> -> memref<128xi32, #tpu.memory_space<vmem>>
        %dma_start3A_104 = tpu.memref_slice %arg4[%add3A_97] : memref<320000xi32, #tpu.memory_space<hbm>> -> memref<128xi32, #tpu.memory_space<hbm>>
        %dma_start3A_105 = tpu.memref_slice %arg13[%dma_start3A_100] : memref<2x!tpu.dma_semaphore, #tpu.memory_space<semaphore_mem>> -> memref<1x!tpu.dma_semaphore, #tpu.memory_space<semaphore_mem>>
        %dma_start3A_106 = tpu.memref_squeeze %dma_start3A_105 : memref<1x!tpu.dma_semaphore, #tpu.memory_space<semaphore_mem>> -> memref<!tpu.dma_semaphore, #tpu.memory_space<semaphore_mem>>
        %dma_start3A_107 = arith.constant 0 : i32
        %dma_start3A_108 = tpu.memref_slice %arg10[%dma_start3A_98, %dma_start3A_99, %dma_start3A_107] : memref<2x4x128xi32, #tpu.memory_space<vmem>> -> memref<1x1x128xi32, #tpu.memory_space<vmem>>
        %dma_start3A_109 = tpu.memref_squeeze %dma_start3A_108 : memref<1x1x128xi32, #tpu.memory_space<vmem>> -> memref<128xi32, #tpu.memory_space<vmem>>
        %dma_start3A_110 = tpu.memref_slice %arg4[%add3A_97] : memref<320000xi32, #tpu.memory_space<hbm>> -> memref<128xi32, #tpu.memory_space<hbm>>
        tpu.enqueue_dma source(%dma_start3A_110 : memref<128xi32, #tpu.memory_space<hbm>>) target(%dma_start3A_109 : memref<128xi32, #tpu.memory_space<vmem>>) target_semaphore(%dma_start3A_106 : memref<!tpu.dma_semaphore, #tpu.memory_space<semaphore_mem>>)
        %add3A_111 = arith.constant 256 : i32
        %add3A_112 = arith.addi %mul3A_69, %add3A_111 : i32
        %dma_start3A_113 = arith.constant 1 : i32
        %dma_start3A_114 = arith.constant 2 : i32
        %dma_start3A_115 = arith.constant 1 : i32
        %dma_start3A_116 = arith.constant 0 : i32
        %dma_start3A_117 = tpu.memref_slice %arg10[%dma_start3A_113, %dma_start3A_114, %dma_start3A_116] : memref<2x4x128xi32, #tpu.memory_space<vmem>> -> memref<1x1x128xi32, #tpu.memory_space<vmem>>
        %dma_start3A_118 = tpu.memref_squeeze %dma_start3A_117 : memref<1x1x128xi32, #tpu.memory_space<vmem>> -> memref<128xi32, #tpu.memory_space<vmem>>
        %dma_start3A_119 = tpu.memref_slice %arg4[%add3A_112] : memref<320000xi32, #tpu.memory_space<hbm>> -> memref<128xi32, #tpu.memory_space<hbm>>
        %dma_start3A_120 = tpu.memref_slice %arg13[%dma_start3A_115] : memref<2x!tpu.dma_semaphore, #tpu.memory_space<semaphore_mem>> -> memref<1x!tpu.dma_semaphore, #tpu.memory_space<semaphore_mem>>
        %dma_start3A_121 = tpu.memref_squeeze %dma_start3A_120 : memref<1x!tpu.dma_semaphore, #tpu.memory_space<semaphore_mem>> -> memref<!tpu.dma_semaphore, #tpu.memory_space<semaphore_mem>>
        %dma_start3A_122 = arith.constant 0 : i32
        %dma_start3A_123 = tpu.memref_slice %arg10[%dma_start3A_113, %dma_start3A_114, %dma_start3A_122] : memref<2x4x128xi32, #tpu.memory_space<vmem>> -> memref<1x1x128xi32, #tpu.memory_space<vmem>>
        %dma_start3A_124 = tpu.memref_squeeze %dma_start3A_123 : memref<1x1x128xi32, #tpu.memory_space<vmem>> -> memref<128xi32, #tpu.memory_space<vmem>>
        %dma_start3A_125 = tpu.memref_slice %arg4[%add3A_112] : memref<320000xi32, #tpu.memory_space<hbm>> -> memref<128xi32, #tpu.memory_space<hbm>>
        tpu.enqueue_dma source(%dma_start3A_125 : memref<128xi32, #tpu.memory_space<hbm>>) target(%dma_start3A_124 : memref<128xi32, #tpu.memory_space<vmem>>) target_semaphore(%dma_start3A_121 : memref<!tpu.dma_semaphore, #tpu.memory_space<semaphore_mem>>)
        %add3A_126 = arith.constant 384 : i32
        %add3A_127 = arith.addi %mul3A_69, %add3A_126 : i32
        %dma_start3A_128 = arith.constant 1 : i32
        %dma_start3A_129 = arith.constant 3 : i32
        %dma_start3A_130 = arith.constant 1 : i32
        %dma_start3A_131 = arith.constant 0 : i32
        %dma_start3A_132 = tpu.memref_slice %arg10[%dma_start3A_128, %dma_start3A_129, %dma_start3A_131] : memref<2x4x128xi32, #tpu.memory_space<vmem>> -> memref<1x1x128xi32, #tpu.memory_space<vmem>>
        %dma_start3A_133 = tpu.memref_squeeze %dma_start3A_132 : memref<1x1x128xi32, #tpu.memory_space<vmem>> -> memref<128xi32, #tpu.memory_space<vmem>>
        %dma_start3A_134 = tpu.memref_slice %arg4[%add3A_127] : memref<320000xi32, #tpu.memory_space<hbm>> -> memref<128xi32, #tpu.memory_space<hbm>>
        %dma_start3A_135 = tpu.memref_slice %arg13[%dma_start3A_130] : memref<2x!tpu.dma_semaphore, #tpu.memory_space<semaphore_mem>> -> memref<1x!tpu.dma_semaphore, #tpu.memory_space<semaphore_mem>>
        %dma_start3A_136 = tpu.memref_squeeze %dma_start3A_135 : memref<1x!tpu.dma_semaphore, #tpu.memory_space<semaphore_mem>> -> memref<!tpu.dma_semaphore, #tpu.memory_space<semaphore_mem>>
        %dma_start3A_137 = arith.constant 0 : i32
        %dma_start3A_138 = tpu.memref_slice %arg10[%dma_start3A_128, %dma_start3A_129, %dma_start3A_137] : memref<2x4x128xi32, #tpu.memory_space<vmem>> -> memref<1x1x128xi32, #tpu.memory_space<vmem>>
        %dma_start3A_139 = tpu.memref_squeeze %dma_start3A_138 : memref<1x1x128xi32, #tpu.memory_space<vmem>> -> memref<128xi32, #tpu.memory_space<vmem>>
        %dma_start3A_140 = tpu.memref_slice %arg4[%add3A_127] : memref<320000xi32, #tpu.memory_space<hbm>> -> memref<128xi32, #tpu.memory_space<hbm>>
        tpu.enqueue_dma source(%dma_start3A_140 : memref<128xi32, #tpu.memory_space<hbm>>) target(%dma_start3A_139 : memref<128xi32, #tpu.memory_space<vmem>>) target_semaphore(%dma_start3A_136 : memref<!tpu.dma_semaphore, #tpu.memory_space<semaphore_mem>>)
      } else {
      }
      %mul3A_35 = arith.constant 32 : i32
      %mul3A_36 = arith.muli %add3A_24, %mul3A_35 : i32
      %add3A_37 = arith.addi %mul3A_36, %add3A : i32
      %lt3A_38 = arith.constant 625 : i32
      %lt3A_39 = arith.cmpi slt, %add3A_37, %lt3A_38 : i32
      %convert_element_type3A_40 = arith.extui %lt3A_39 : i1 to i32
      %cond3A_41 = arith.constant 0 : i32
      %cond3A_42 = arith.cmpi ne, %convert_element_type3A_40, %cond3A_41 : i32
      scf.if %cond3A_42 {
        %dma_wait3A = arith.constant 0 : i32
        %dma_wait3A_65 = arith.constant 0 : i32
        %dma_wait3A_66 = arith.constant 0 : i32
        %dma_wait3A_67 = tpu.memref_slice %arg9[%dma_wait3A, %dma_wait3A_66] : memref<2x512xi32, #tpu.memory_space<vmem>> -> memref<1x512xi32, #tpu.memory_space<vmem>>
        %dma_wait3A_68 = tpu.memref_squeeze %dma_wait3A_67 : memref<1x512xi32, #tpu.memory_space<vmem>> -> memref<512xi32, #tpu.memory_space<vmem>>
        %dma_wait3A_69 = arith.constant 0 : i32
        %dma_wait3A_70 = tpu.memref_slice %arg3[%dma_wait3A_69] : memref<320000xi32, #tpu.memory_space<hbm>> -> memref<512xi32, #tpu.memory_space<hbm>>
        %dma_wait3A_71 = tpu.memref_slice %arg12[%dma_wait3A_65] : memref<2x!tpu.dma_semaphore, #tpu.memory_space<semaphore_mem>> -> memref<1x!tpu.dma_semaphore, #tpu.memory_space<semaphore_mem>>
        %dma_wait3A_72 = tpu.memref_squeeze %dma_wait3A_71 : memref<1x!tpu.dma_semaphore, #tpu.memory_space<semaphore_mem>> -> memref<!tpu.dma_semaphore, #tpu.memory_space<semaphore_mem>>
        %dma_wait3A_73 = arith.constant 0 : i32
        %dma_wait3A_74 = tpu.memref_slice %arg9[%dma_wait3A, %dma_wait3A_73] : memref<2x512xi32, #tpu.memory_space<vmem>> -> memref<1x512xi32, #tpu.memory_space<vmem>>
        %dma_wait3A_75 = tpu.memref_squeeze %dma_wait3A_74 : memref<1x512xi32, #tpu.memory_space<vmem>> -> memref<512xi32, #tpu.memory_space<vmem>>
        %dma_wait3A_76 = arith.constant 0 : i32
        %dma_wait3A_77 = tpu.memref_slice %arg3[%dma_wait3A_76] : memref<320000xi32, #tpu.memory_space<hbm>> -> memref<512xi32, #tpu.memory_space<hbm>>
        tpu.wait_dma2 semaphore(%dma_wait3A_72 : memref<!tpu.dma_semaphore, #tpu.memory_space<semaphore_mem>>) src(%dma_wait3A_77 : memref<512xi32, #tpu.memory_space<hbm>>) dst(%dma_wait3A_75 : memref<512xi32, #tpu.memory_space<vmem>>)
        %dma_wait3A_78 = arith.constant 0 : i32
        %dma_wait3A_79 = arith.constant 0 : i32
        %dma_wait3A_80 = arith.constant 0 : i32
        %dma_wait3A_81 = arith.constant 0 : i32
        %dma_wait3A_82 = tpu.memref_slice %arg10[%dma_wait3A_78, %dma_wait3A_79, %dma_wait3A_81] : memref<2x4x128xi32, #tpu.memory_space<vmem>> -> memref<1x1x128xi32, #tpu.memory_space<vmem>>
        %dma_wait3A_83 = tpu.memref_squeeze %dma_wait3A_82 : memref<1x1x128xi32, #tpu.memory_space<vmem>> -> memref<128xi32, #tpu.memory_space<vmem>>
        %dma_wait3A_84 = arith.constant 0 : i32
        %dma_wait3A_85 = tpu.memref_slice %arg4[%dma_wait3A_84] : memref<320000xi32, #tpu.memory_space<hbm>> -> memref<128xi32, #tpu.memory_space<hbm>>
        %dma_wait3A_86 = tpu.memref_slice %arg13[%dma_wait3A_80] : memref<2x!tpu.dma_semaphore, #tpu.memory_space<semaphore_mem>> -> memref<1x!tpu.dma_semaphore, #tpu.memory_space<semaphore_mem>>
        %dma_wait3A_87 = tpu.memref_squeeze %dma_wait3A_86 : memref<1x!tpu.dma_semaphore, #tpu.memory_space<semaphore_mem>> -> memref<!tpu.dma_semaphore, #tpu.memory_space<semaphore_mem>>
        %dma_wait3A_88 = arith.constant 0 : i32
        %dma_wait3A_89 = tpu.memref_slice %arg10[%dma_wait3A_78, %dma_wait3A_79, %dma_wait3A_88] : memref<2x4x128xi32, #tpu.memory_space<vmem>> -> memref<1x1x128xi32, #tpu.memory_space<vmem>>
        %dma_wait3A_90 = tpu.memref_squeeze %dma_wait3A_89 : memref<1x1x128xi32, #tpu.memory_space<vmem>> -> memref<128xi32, #tpu.memory_space<vmem>>
        %dma_wait3A_91 = arith.constant 0 : i32
        %dma_wait3A_92 = tpu.memref_slice %arg4[%dma_wait3A_91] : memref<320000xi32, #tpu.memory_space<hbm>> -> memref<128xi32, #tpu.memory_space<hbm>>
        tpu.wait_dma2 semaphore(%dma_wait3A_87 : memref<!tpu.dma_semaphore, #tpu.memory_space<semaphore_mem>>) src(%dma_wait3A_92 : memref<128xi32, #tpu.memory_space<hbm>>) dst(%dma_wait3A_90 : memref<128xi32, #tpu.memory_space<vmem>>)
        %dma_wait3A_93 = arith.constant 0 : i32
        %dma_wait3A_94 = arith.constant 1 : i32
        %dma_wait3A_95 = arith.constant 0 : i32
        %dma_wait3A_96 = arith.constant 0 : i32
        %dma_wait3A_97 = tpu.memref_slice %arg10[%dma_wait3A_93, %dma_wait3A_94, %dma_wait3A_96] : memref<2x4x128xi32, #tpu.memory_space<vmem>> -> memref<1x1x128xi32, #tpu.memory_space<vmem>>
        %dma_wait3A_98 = tpu.memref_squeeze %dma_wait3A_97 : memref<1x1x128xi32, #tpu.memory_space<vmem>> -> memref<128xi32, #tpu.memory_space<vmem>>
        %dma_wait3A_99 = arith.constant 0 : i32
        %dma_wait3A_100 = tpu.memref_slice %arg4[%dma_wait3A_99] : memref<320000xi32, #tpu.memory_space<hbm>> -> memref<128xi32, #tpu.memory_space<hbm>>
        %dma_wait3A_101 = tpu.memref_slice %arg13[%dma_wait3A_95] : memref<2x!tpu.dma_semaphore, #tpu.memory_space<semaphore_mem>> -> memref<1x!tpu.dma_semaphore, #tpu.memory_space<semaphore_mem>>
        %dma_wait3A_102 = tpu.memref_squeeze %dma_wait3A_101 : memref<1x!tpu.dma_semaphore, #tpu.memory_space<semaphore_mem>> -> memref<!tpu.dma_semaphore, #tpu.memory_space<semaphore_mem>>
        %dma_wait3A_103 = arith.constant 0 : i32
        %dma_wait3A_104 = tpu.memref_slice %arg10[%dma_wait3A_93, %dma_wait3A_94, %dma_wait3A_103] : memref<2x4x128xi32, #tpu.memory_space<vmem>> -> memref<1x1x128xi32, #tpu.memory_space<vmem>>
        %dma_wait3A_105 = tpu.memref_squeeze %dma_wait3A_104 : memref<1x1x128xi32, #tpu.memory_space<vmem>> -> memref<128xi32, #tpu.memory_space<vmem>>
        %dma_wait3A_106 = arith.constant 0 : i32
        %dma_wait3A_107 = tpu.memref_slice %arg4[%dma_wait3A_106] : memref<320000xi32, #tpu.memory_space<hbm>> -> memref<128xi32, #tpu.memory_space<hbm>>
        tpu.wait_dma2 semaphore(%dma_wait3A_102 : memref<!tpu.dma_semaphore, #tpu.memory_space<semaphore_mem>>) src(%dma_wait3A_107 : memref<128xi32, #tpu.memory_space<hbm>>) dst(%dma_wait3A_105 : memref<128xi32, #tpu.memory_space<vmem>>)
        %dma_wait3A_108 = arith.constant 0 : i32
        %dma_wait3A_109 = arith.constant 2 : i32
        %dma_wait3A_110 = arith.constant 0 : i32
        %dma_wait3A_111 = arith.constant 0 : i32
        %dma_wait3A_112 = tpu.memref_slice %arg10[%dma_wait3A_108, %dma_wait3A_109, %dma_wait3A_111] : memref<2x4x128xi32, #tpu.memory_space<vmem>> -> memref<1x1x128xi32, #tpu.memory_space<vmem>>
        %dma_wait3A_113 = tpu.memref_squeeze %dma_wait3A_112 : memref<1x1x128xi32, #tpu.memory_space<vmem>> -> memref<128xi32, #tpu.memory_space<vmem>>
        %dma_wait3A_114 = arith.constant 0 : i32
        %dma_wait3A_115 = tpu.memref_slice %arg4[%dma_wait3A_114] : memref<320000xi32, #tpu.memory_space<hbm>> -> memref<128xi32, #tpu.memory_space<hbm>>
        %dma_wait3A_116 = tpu.memref_slice %arg13[%dma_wait3A_110] : memref<2x!tpu.dma_semaphore, #tpu.memory_space<semaphore_mem>> -> memref<1x!tpu.dma_semaphore, #tpu.memory_space<semaphore_mem>>
        %dma_wait3A_117 = tpu.memref_squeeze %dma_wait3A_116 : memref<1x!tpu.dma_semaphore, #tpu.memory_space<semaphore_mem>> -> memref<!tpu.dma_semaphore, #tpu.memory_space<semaphore_mem>>
        %dma_wait3A_118 = arith.constant 0 : i32
        %dma_wait3A_119 = tpu.memref_slice %arg10[%dma_wait3A_108, %dma_wait3A_109, %dma_wait3A_118] : memref<2x4x128xi32, #tpu.memory_space<vmem>> -> memref<1x1x128xi32, #tpu.memory_space<vmem>>
        %dma_wait3A_120 = tpu.memref_squeeze %dma_wait3A_119 : memref<1x1x128xi32, #tpu.memory_space<vmem>> -> memref<128xi32, #tpu.memory_space<vmem>>
        %dma_wait3A_121 = arith.constant 0 : i32
        %dma_wait3A_122 = tpu.memref_slice %arg4[%dma_wait3A_121] : memref<320000xi32, #tpu.memory_space<hbm>> -> memref<128xi32, #tpu.memory_space<hbm>>
        tpu.wait_dma2 semaphore(%dma_wait3A_117 : memref<!tpu.dma_semaphore, #tpu.memory_space<semaphore_mem>>) src(%dma_wait3A_122 : memref<128xi32, #tpu.memory_space<hbm>>) dst(%dma_wait3A_120 : memref<128xi32, #tpu.memory_space<vmem>>)
        %dma_wait3A_123 = arith.constant 0 : i32
        %dma_wait3A_124 = arith.constant 3 : i32
        %dma_wait3A_125 = arith.constant 0 : i32
        %dma_wait3A_126 = arith.constant 0 : i32
        %dma_wait3A_127 = tpu.memref_slice %arg10[%dma_wait3A_123, %dma_wait3A_124, %dma_wait3A_126] : memref<2x4x128xi32, #tpu.memory_space<vmem>> -> memref<1x1x128xi32, #tpu.memory_space<vmem>>
        %dma_wait3A_128 = tpu.memref_squeeze %dma_wait3A_127 : memref<1x1x128xi32, #tpu.memory_space<vmem>> -> memref<128xi32, #tpu.memory_space<vmem>>
        %dma_wait3A_129 = arith.constant 0 : i32
        %dma_wait3A_130 = tpu.memref_slice %arg4[%dma_wait3A_129] : memref<320000xi32, #tpu.memory_space<hbm>> -> memref<128xi32, #tpu.memory_space<hbm>>
        %dma_wait3A_131 = tpu.memref_slice %arg13[%dma_wait3A_125] : memref<2x!tpu.dma_semaphore, #tpu.memory_space<semaphore_mem>> -> memref<1x!tpu.dma_semaphore, #tpu.memory_space<semaphore_mem>>
        %dma_wait3A_132 = tpu.memref_squeeze %dma_wait3A_131 : memref<1x!tpu.dma_semaphore, #tpu.memory_space<semaphore_mem>> -> memref<!tpu.dma_semaphore, #tpu.memory_space<semaphore_mem>>
        %dma_wait3A_133 = arith.constant 0 : i32
        %dma_wait3A_134 = tpu.memref_slice %arg10[%dma_wait3A_123, %dma_wait3A_124, %dma_wait3A_133] : memref<2x4x128xi32, #tpu.memory_space<vmem>> -> memref<1x1x128xi32, #tpu.memory_space<vmem>>
        %dma_wait3A_135 = tpu.memref_squeeze %dma_wait3A_134 : memref<1x1x128xi32, #tpu.memory_space<vmem>> -> memref<128xi32, #tpu.memory_space<vmem>>
        %dma_wait3A_136 = arith.constant 0 : i32
        %dma_wait3A_137 = tpu.memref_slice %arg4[%dma_wait3A_136] : memref<320000xi32, #tpu.memory_space<hbm>> -> memref<128xi32, #tpu.memory_space<hbm>>
        tpu.wait_dma2 semaphore(%dma_wait3A_132 : memref<!tpu.dma_semaphore, #tpu.memory_space<semaphore_mem>>) src(%dma_wait3A_137 : memref<128xi32, #tpu.memory_space<hbm>>) dst(%dma_wait3A_135 : memref<128xi32, #tpu.memory_space<vmem>>)
        %get3A = arith.constant 0 : i32
        %get3A_138 = arith.index_cast %get3A : i32 to index
        %get3A_139 = arith.constant 0 : index
        %get3A_140 = tpu.vector_load %arg9[%get3A_138, %get3A_139] {strides = array<i32>} : memref<2x512xi32, #tpu.memory_space<vmem>>, vector<16xi32>,
        %gather3A = tpu.vector_load_idx %arg8[%get3A_140] : memref<10240xf32, #tpu.memory_space<vmem>>[vector<16xi32>], vector<16xf32>,
        %swap3A = arith.constant 0 : index
        %swap3A_141 = tpu.vector_load %arg11[%swap3A] {strides = array<i32>} : memref<128xf32, #tpu.memory_space<vmem>>, vector<16xf32>,
        tpu.vector_store %arg11[%swap3A], %gather3A {strides = array<i32>} : memref<128xf32, #tpu.memory_space<vmem>>, vector<16xf32>,
        %get3A_142 = arith.constant 0 : i32
        %get3A_143 = arith.index_cast %get3A_142 : i32 to index
        %get3A_144 = arith.constant 16 : index
        %get3A_145 = tpu.vector_load %arg9[%get3A_143, %get3A_144] {strides = array<i32>} : memref<2x512xi32, #tpu.memory_space<vmem>>, vector<16xi32>,
        %gather3A_146 = tpu.vector_load_idx %arg8[%get3A_145] : memref<10240xf32, #tpu.memory_space<vmem>>[vector<16xi32>], vector<16xf32>,
        %swap3A_147 = arith.constant 16 : index
        %swap3A_148 = tpu.vector_load %arg11[%swap3A_147] {strides = array<i32>} : memref<128xf32, #tpu.memory_space<vmem>>, vector<16xf32>,
        tpu.vector_store %arg11[%swap3A_147], %gather3A_146 {strides = array<i32>} : memref<128xf32, #tpu.memory_space<vmem>>, vector<16xf32>,
        %get3A_149 = arith.constant 0 : i32
        %get3A_150 = arith.index_cast %get3A_149 : i32 to index
        %get3A_151 = arith.constant 32 : index
        %get3A_152 = tpu.vector_load %arg9[%get3A_150, %get3A_151] {strides = array<i32>} : memref<2x512xi32, #tpu.memory_space<vmem>>, vector<16xi32>,
        %gather3A_153 = tpu.vector_load_idx %arg8[%get3A_152] : memref<10240xf32, #tpu.memory_space<vmem>>[vector<16xi32>], vector<16xf32>,
        %swap3A_154 = arith.constant 32 : index
        %swap3A_155 = tpu.vector_load %arg11[%swap3A_154] {strides = array<i32>} : memref<128xf32, #tpu.memory_space<vmem>>, vector<16xf32>,
        tpu.vector_store %arg11[%swap3A_154], %gather3A_153 {strides = array<i32>} : memref<128xf32, #tpu.memory_space<vmem>>, vector<16xf32>,
        %get3A_156 = arith.constant 0 : i32
        %get3A_157 = arith.index_cast %get3A_156 : i32 to index
        %get3A_158 = arith.constant 48 : index
        %get3A_159 = tpu.vector_load %arg9[%get3A_157, %get3A_158] {strides = array<i32>} : memref<2x512xi32, #tpu.memory_space<vmem>>, vector<16xi32>,
        %gather3A_160 = tpu.vector_load_idx %arg8[%get3A_159] : memref<10240xf32, #tpu.memory_space<vmem>>[vector<16xi32>], vector<16xf32>,
        %swap3A_161 = arith.constant 48 : index
        %swap3A_162 = tpu.vector_load %arg11[%swap3A_161] {strides = array<i32>} : memref<128xf32, #tpu.memory_space<vmem>>, vector<16xf32>,
        tpu.vector_store %arg11[%swap3A_161], %gather3A_160 {strides = array<i32>} : memref<128xf32, #tpu.memory_space<vmem>>, vector<16xf32>,
        %get3A_163 = arith.constant 0 : i32
        %get3A_164 = arith.index_cast %get3A_163 : i32 to index
        %get3A_165 = arith.constant 64 : index
        %get3A_166 = tpu.vector_load %arg9[%get3A_164, %get3A_165] {strides = array<i32>} : memref<2x512xi32, #tpu.memory_space<vmem>>, vector<16xi32>,
        %gather3A_167 = tpu.vector_load_idx %arg8[%get3A_166] : memref<10240xf32, #tpu.memory_space<vmem>>[vector<16xi32>], vector<16xf32>,
        %swap3A_168 = arith.constant 64 : index
        %swap3A_169 = tpu.vector_load %arg11[%swap3A_168] {strides = array<i32>} : memref<128xf32, #tpu.memory_space<vmem>>, vector<16xf32>,
        tpu.vector_store %arg11[%swap3A_168], %gather3A_167 {strides = array<i32>} : memref<128xf32, #tpu.memory_space<vmem>>, vector<16xf32>,
        %get3A_170 = arith.constant 0 : i32
        %get3A_171 = arith.index_cast %get3A_170 : i32 to index
        %get3A_172 = arith.constant 80 : index
        %get3A_173 = tpu.vector_load %arg9[%get3A_171, %get3A_172] {strides = array<i32>} : memref<2x512xi32, #tpu.memory_space<vmem>>, vector<16xi32>,
        %gather3A_174 = tpu.vector_load_idx %arg8[%get3A_173] : memref<10240xf32, #tpu.memory_space<vmem>>[vector<16xi32>], vector<16xf32>,
        %swap3A_175 = arith.constant 80 : index
        %swap3A_176 = tpu.vector_load %arg11[%swap3A_175] {strides = array<i32>} : memref<128xf32, #tpu.memory_space<vmem>>, vector<16xf32>,
        tpu.vector_store %arg11[%swap3A_175], %gather3A_174 {strides = array<i32>} : memref<128xf32, #tpu.memory_space<vmem>>, vector<16xf32>,
        %get3A_177 = arith.constant 0 : i32
        %get3A_178 = arith.index_cast %get3A_177 : i32 to index
        %get3A_179 = arith.constant 96 : index
        %get3A_180 = tpu.vector_load %arg9[%get3A_178, %get3A_179] {strides = array<i32>} : memref<2x512xi32, #tpu.memory_space<vmem>>, vector<16xi32>,
        %gather3A_181 = tpu.vector_load_idx %arg8[%get3A_180] : memref<10240xf32, #tpu.memory_space<vmem>>[vector<16xi32>], vector<16xf32>,
        %swap3A_182 = arith.constant 96 : index
        %swap3A_183 = tpu.vector_load %arg11[%swap3A_182] {strides = array<i32>} : memref<128xf32, #tpu.memory_space<vmem>>, vector<16xf32>,
        tpu.vector_store %arg11[%swap3A_182], %gather3A_181 {strides = array<i32>} : memref<128xf32, #tpu.memory_space<vmem>>, vector<16xf32>,
        %get3A_184 = arith.constant 0 : i32
        %get3A_185 = arith.index_cast %get3A_184 : i32 to index
        %get3A_186 = arith.constant 112 : index
        %get3A_187 = tpu.vector_load %arg9[%get3A_185, %get3A_186] {strides = array<i32>} : memref<2x512xi32, #tpu.memory_space<vmem>>, vector<16xi32>,
        %gather3A_188 = tpu.vector_load_idx %arg8[%get3A_187] : memref<10240xf32, #tpu.memory_space<vmem>>[vector<16xi32>], vector<16xf32>,
        %swap3A_189 = arith.constant 112 : index
        %swap3A_190 = tpu.vector_load %arg11[%swap3A_189] {strides = array<i32>} : memref<128xf32, #tpu.memory_space<vmem>>, vector<16xf32>,
        tpu.vector_store %arg11[%swap3A_189], %gather3A_188 {strides = array<i32>} : memref<128xf32, #tpu.memory_space<vmem>>, vector<16xf32>,
        %run_scoped3A = arith.constant 0 : i32
        %run_scoped3A_191 = arith.constant 0 : i32
        "tpu.region"() ({
          %run_scoped3A_366 = tpu.sem_alloc : memref<!tpu.dma_semaphore, #tpu.memory_space<semaphore_mem>>
          %dma_start3A = arith.constant 0 : i32
          %dma_start3A_367 = tpu.memref_slice %arg10[%run_scoped3A, %run_scoped3A_191, %dma_start3A] : memref<2x4x128xi32, #tpu.memory_space<vmem>> -> memref<1x1x128xi32, #tpu.memory_space<vmem>>
          %dma_start3A_368 = tpu.memref_squeeze %dma_start3A_367 : memref<1x1x128xi32, #tpu.memory_space<vmem>> -> memref<128xi32, #tpu.memory_space<vmem>>
          %dma_start3A_369 = arith.constant 0 : i32
          %dma_start3A_370 = tpu.memref_slice %arg7[%dma_start3A_369] : memref<10240xf32, #tpu.memory_space<vmem_shared>> -> memref<10240xf32, #tpu.memory_space<vmem_shared>>
          tpu.enqueue_indirect_dma source(%arg11 : memref<128xf32, #tpu.memory_space<vmem>>) target(%dma_start3A_370 : memref<10240xf32, #tpu.memory_space<vmem_shared>>) offsets(%dma_start3A_368 : memref<128xi32, #tpu.memory_space<vmem>>) semaphore(%run_scoped3A_366 : memref<!tpu.dma_semaphore, #tpu.memory_space<semaphore_mem>>) {add = true}
          %dma_wait3A_371 = arith.constant 0 : i32
          %dma_wait3A_372 = tpu.memref_slice %arg10[%run_scoped3A, %run_scoped3A_191, %dma_wait3A_371] : memref<2x4x128xi32, #tpu.memory_space<vmem>> -> memref<1x1x128xi32, #tpu.memory_space<vmem>>
          %dma_wait3A_373 = tpu.memref_squeeze %dma_wait3A_372 : memref<1x1x128xi32, #tpu.memory_space<vmem>> -> memref<128xi32, #tpu.memory_space<vmem>>
          %dma_wait3A_374 = arith.constant 0 : i32
          %dma_wait3A_375 = tpu.memref_slice %arg7[%dma_wait3A_374] : memref<10240xf32, #tpu.memory_space<vmem_shared>> -> memref<10240xf32, #tpu.memory_space<vmem_shared>>
          tpu.wait_indirect_dma semaphore(%run_scoped3A_366 : memref<!tpu.dma_semaphore, #tpu.memory_space<semaphore_mem>>) src(%arg11 : memref<128xf32, #tpu.memory_space<vmem>>) dst(%dma_wait3A_375 : memref<10240xf32, #tpu.memory_space<vmem_shared>>)
          tpu.yield
        }) : () -> ()
        %get3A_192 = arith.constant 0 : i32
        %get3A_193 = arith.index_cast %get3A_192 : i32 to index
        %get3A_194 = arith.constant 128 : index
        %get3A_195 = tpu.vector_load %arg9[%get3A_193, %get3A_194] {strides = array<i32>} : memref<2x512xi32, #tpu.memory_space<vmem>>, vector<16xi32>,
        %gather3A_196 = tpu.vector_load_idx %arg8[%get3A_195] : memref<10240xf32, #tpu.memory_space<vmem>>[vector<16xi32>], vector<16xf32>,
        %swap3A_197 = arith.constant 0 : index
        %swap3A_198 = tpu.vector_load %arg11[%swap3A_197] {strides = array<i32>} : memref<128xf32, #tpu.memory_space<vmem>>, vector<16xf32>,
        tpu.vector_store %arg11[%swap3A_197], %gather3A_196 {strides = array<i32>} : memref<128xf32, #tpu.memory_space<vmem>>, vector<16xf32>,
        %get3A_199 = arith.constant 0 : i32
        %get3A_200 = arith.index_cast %get3A_199 : i32 to index
        %get3A_201 = arith.constant 144 : index
        %get3A_202 = tpu.vector_load %arg9[%get3A_200, %get3A_201] {strides = array<i32>} : memref<2x512xi32, #tpu.memory_space<vmem>>, vector<16xi32>,
        %gather3A_203 = tpu.vector_load_idx %arg8[%get3A_202] : memref<10240xf32, #tpu.memory_space<vmem>>[vector<16xi32>], vector<16xf32>,
        %swap3A_204 = arith.constant 16 : index
        %swap3A_205 = tpu.vector_load %arg11[%swap3A_204] {strides = array<i32>} : memref<128xf32, #tpu.memory_space<vmem>>, vector<16xf32>,
        tpu.vector_store %arg11[%swap3A_204], %gather3A_203 {strides = array<i32>} : memref<128xf32, #tpu.memory_space<vmem>>, vector<16xf32>,
        %get3A_206 = arith.constant 0 : i32
        %get3A_207 = arith.index_cast %get3A_206 : i32 to index
        %get3A_208 = arith.constant 160 : index
        %get3A_209 = tpu.vector_load %arg9[%get3A_207, %get3A_208] {strides = array<i32>} : memref<2x512xi32, #tpu.memory_space<vmem>>, vector<16xi32>,
        %gather3A_210 = tpu.vector_load_idx %arg8[%get3A_209] : memref<10240xf32, #tpu.memory_space<vmem>>[vector<16xi32>], vector<16xf32>,
        %swap3A_211 = arith.constant 32 : index
        %swap3A_212 = tpu.vector_load %arg11[%swap3A_211] {strides = array<i32>} : memref<128xf32, #tpu.memory_space<vmem>>, vector<16xf32>,
        tpu.vector_store %arg11[%swap3A_211], %gather3A_210 {strides = array<i32>} : memref<128xf32, #tpu.memory_space<vmem>>, vector<16xf32>,
        %get3A_213 = arith.constant 0 : i32
        %get3A_214 = arith.index_cast %get3A_213 : i32 to index
        %get3A_215 = arith.constant 176 : index
        %get3A_216 = tpu.vector_load %arg9[%get3A_214, %get3A_215] {strides = array<i32>} : memref<2x512xi32, #tpu.memory_space<vmem>>, vector<16xi32>,
        %gather3A_217 = tpu.vector_load_idx %arg8[%get3A_216] : memref<10240xf32, #tpu.memory_space<vmem>>[vector<16xi32>], vector<16xf32>,
        %swap3A_218 = arith.constant 48 : index
        %swap3A_219 = tpu.vector_load %arg11[%swap3A_218] {strides = array<i32>} : memref<128xf32, #tpu.memory_space<vmem>>, vector<16xf32>,
        tpu.vector_store %arg11[%swap3A_218], %gather3A_217 {strides = array<i32>} : memref<128xf32, #tpu.memory_space<vmem>>, vector<16xf32>,
        %get3A_220 = arith.constant 0 : i32
        %get3A_221 = arith.index_cast %get3A_220 : i32 to index
        %get3A_222 = arith.constant 192 : index
        %get3A_223 = tpu.vector_load %arg9[%get3A_221, %get3A_222] {strides = array<i32>} : memref<2x512xi32, #tpu.memory_space<vmem>>, vector<16xi32>,
        %gather3A_224 = tpu.vector_load_idx %arg8[%get3A_223] : memref<10240xf32, #tpu.memory_space<vmem>>[vector<16xi32>], vector<16xf32>,
        %swap3A_225 = arith.constant 64 : index
        %swap3A_226 = tpu.vector_load %arg11[%swap3A_225] {strides = array<i32>} : memref<128xf32, #tpu.memory_space<vmem>>, vector<16xf32>,
        tpu.vector_store %arg11[%swap3A_225], %gather3A_224 {strides = array<i32>} : memref<128xf32, #tpu.memory_space<vmem>>, vector<16xf32>,
        %get3A_227 = arith.constant 0 : i32
        %get3A_228 = arith.index_cast %get3A_227 : i32 to index
        %get3A_229 = arith.constant 208 : index
        %get3A_230 = tpu.vector_load %arg9[%get3A_228, %get3A_229] {strides = array<i32>} : memref<2x512xi32, #tpu.memory_space<vmem>>, vector<16xi32>,
        %gather3A_231 = tpu.vector_load_idx %arg8[%get3A_230] : memref<10240xf32, #tpu.memory_space<vmem>>[vector<16xi32>], vector<16xf32>,
        %swap3A_232 = arith.constant 80 : index
        %swap3A_233 = tpu.vector_load %arg11[%swap3A_232] {strides = array<i32>} : memref<128xf32, #tpu.memory_space<vmem>>, vector<16xf32>,
        tpu.vector_store %arg11[%swap3A_232], %gather3A_231 {strides = array<i32>} : memref<128xf32, #tpu.memory_space<vmem>>, vector<16xf32>,
        %get3A_234 = arith.constant 0 : i32
        %get3A_235 = arith.index_cast %get3A_234 : i32 to index
        %get3A_236 = arith.constant 224 : index
        %get3A_237 = tpu.vector_load %arg9[%get3A_235, %get3A_236] {strides = array<i32>} : memref<2x512xi32, #tpu.memory_space<vmem>>, vector<16xi32>,
        %gather3A_238 = tpu.vector_load_idx %arg8[%get3A_237] : memref<10240xf32, #tpu.memory_space<vmem>>[vector<16xi32>], vector<16xf32>,
        %swap3A_239 = arith.constant 96 : index
        %swap3A_240 = tpu.vector_load %arg11[%swap3A_239] {strides = array<i32>} : memref<128xf32, #tpu.memory_space<vmem>>, vector<16xf32>,
        tpu.vector_store %arg11[%swap3A_239], %gather3A_238 {strides = array<i32>} : memref<128xf32, #tpu.memory_space<vmem>>, vector<16xf32>,
        %get3A_241 = arith.constant 0 : i32
        %get3A_242 = arith.index_cast %get3A_241 : i32 to index
        %get3A_243 = arith.constant 240 : index
        %get3A_244 = tpu.vector_load %arg9[%get3A_242, %get3A_243] {strides = array<i32>} : memref<2x512xi32, #tpu.memory_space<vmem>>, vector<16xi32>,
        %gather3A_245 = tpu.vector_load_idx %arg8[%get3A_244] : memref<10240xf32, #tpu.memory_space<vmem>>[vector<16xi32>], vector<16xf32>,
        %swap3A_246 = arith.constant 112 : index
        %swap3A_247 = tpu.vector_load %arg11[%swap3A_246] {strides = array<i32>} : memref<128xf32, #tpu.memory_space<vmem>>, vector<16xf32>,
        tpu.vector_store %arg11[%swap3A_246], %gather3A_245 {strides = array<i32>} : memref<128xf32, #tpu.memory_space<vmem>>, vector<16xf32>,
        %run_scoped3A_248 = arith.constant 0 : i32
        %run_scoped3A_249 = arith.constant 1 : i32
        "tpu.region"() ({
          %run_scoped3A_366 = tpu.sem_alloc : memref<!tpu.dma_semaphore, #tpu.memory_space<semaphore_mem>>
          %dma_start3A = arith.constant 0 : i32
          %dma_start3A_367 = tpu.memref_slice %arg10[%run_scoped3A_248, %run_scoped3A_249, %dma_start3A] : memref<2x4x128xi32, #tpu.memory_space<vmem>> -> memref<1x1x128xi32, #tpu.memory_space<vmem>>
          %dma_start3A_368 = tpu.memref_squeeze %dma_start3A_367 : memref<1x1x128xi32, #tpu.memory_space<vmem>> -> memref<128xi32, #tpu.memory_space<vmem>>
          %dma_start3A_369 = arith.constant 0 : i32
          %dma_start3A_370 = tpu.memref_slice %arg7[%dma_start3A_369] : memref<10240xf32, #tpu.memory_space<vmem_shared>> -> memref<10240xf32, #tpu.memory_space<vmem_shared>>
          tpu.enqueue_indirect_dma source(%arg11 : memref<128xf32, #tpu.memory_space<vmem>>) target(%dma_start3A_370 : memref<10240xf32, #tpu.memory_space<vmem_shared>>) offsets(%dma_start3A_368 : memref<128xi32, #tpu.memory_space<vmem>>) semaphore(%run_scoped3A_366 : memref<!tpu.dma_semaphore, #tpu.memory_space<semaphore_mem>>) {add = true}
          %dma_wait3A_371 = arith.constant 0 : i32
          %dma_wait3A_372 = tpu.memref_slice %arg10[%run_scoped3A_248, %run_scoped3A_249, %dma_wait3A_371] : memref<2x4x128xi32, #tpu.memory_space<vmem>> -> memref<1x1x128xi32, #tpu.memory_space<vmem>>
          %dma_wait3A_373 = tpu.memref_squeeze %dma_wait3A_372 : memref<1x1x128xi32, #tpu.memory_space<vmem>> -> memref<128xi32, #tpu.memory_space<vmem>>
          %dma_wait3A_374 = arith.constant 0 : i32
          %dma_wait3A_375 = tpu.memref_slice %arg7[%dma_wait3A_374] : memref<10240xf32, #tpu.memory_space<vmem_shared>> -> memref<10240xf32, #tpu.memory_space<vmem_shared>>
          tpu.wait_indirect_dma semaphore(%run_scoped3A_366 : memref<!tpu.dma_semaphore, #tpu.memory_space<semaphore_mem>>) src(%arg11 : memref<128xf32, #tpu.memory_space<vmem>>) dst(%dma_wait3A_375 : memref<10240xf32, #tpu.memory_space<vmem_shared>>)
          tpu.yield
        }) : () -> ()
        %get3A_250 = arith.constant 0 : i32
        %get3A_251 = arith.index_cast %get3A_250 : i32 to index
        %get3A_252 = arith.constant 256 : index
        %get3A_253 = tpu.vector_load %arg9[%get3A_251, %get3A_252] {strides = array<i32>} : memref<2x512xi32, #tpu.memory_space<vmem>>, vector<16xi32>,
        %gather3A_254 = tpu.vector_load_idx %arg8[%get3A_253] : memref<10240xf32, #tpu.memory_space<vmem>>[vector<16xi32>], vector<16xf32>,
        %swap3A_255 = arith.constant 0 : index
        %swap3A_256 = tpu.vector_load %arg11[%swap3A_255] {strides = array<i32>} : memref<128xf32, #tpu.memory_space<vmem>>, vector<16xf32>,
        tpu.vector_store %arg11[%swap3A_255], %gather3A_254 {strides = array<i32>} : memref<128xf32, #tpu.memory_space<vmem>>, vector<16xf32>,
        %get3A_257 = arith.constant 0 : i32
        %get3A_258 = arith.index_cast %get3A_257 : i32 to index
        %get3A_259 = arith.constant 272 : index
        %get3A_260 = tpu.vector_load %arg9[%get3A_258, %get3A_259] {strides = array<i32>} : memref<2x512xi32, #tpu.memory_space<vmem>>, vector<16xi32>,
        %gather3A_261 = tpu.vector_load_idx %arg8[%get3A_260] : memref<10240xf32, #tpu.memory_space<vmem>>[vector<16xi32>], vector<16xf32>,
        %swap3A_262 = arith.constant 16 : index
        %swap3A_263 = tpu.vector_load %arg11[%swap3A_262] {strides = array<i32>} : memref<128xf32, #tpu.memory_space<vmem>>, vector<16xf32>,
        tpu.vector_store %arg11[%swap3A_262], %gather3A_261 {strides = array<i32>} : memref<128xf32, #tpu.memory_space<vmem>>, vector<16xf32>,
        %get3A_264 = arith.constant 0 : i32
        %get3A_265 = arith.index_cast %get3A_264 : i32 to index
        %get3A_266 = arith.constant 288 : index
        %get3A_267 = tpu.vector_load %arg9[%get3A_265, %get3A_266] {strides = array<i32>} : memref<2x512xi32, #tpu.memory_space<vmem>>, vector<16xi32>,
        %gather3A_268 = tpu.vector_load_idx %arg8[%get3A_267] : memref<10240xf32, #tpu.memory_space<vmem>>[vector<16xi32>], vector<16xf32>,
        %swap3A_269 = arith.constant 32 : index
        %swap3A_270 = tpu.vector_load %arg11[%swap3A_269] {strides = array<i32>} : memref<128xf32, #tpu.memory_space<vmem>>, vector<16xf32>,
        tpu.vector_store %arg11[%swap3A_269], %gather3A_268 {strides = array<i32>} : memref<128xf32, #tpu.memory_space<vmem>>, vector<16xf32>,
        %get3A_271 = arith.constant 0 : i32
        %get3A_272 = arith.index_cast %get3A_271 : i32 to index
        %get3A_273 = arith.constant 304 : index
        %get3A_274 = tpu.vector_load %arg9[%get3A_272, %get3A_273] {strides = array<i32>} : memref<2x512xi32, #tpu.memory_space<vmem>>, vector<16xi32>,
        %gather3A_275 = tpu.vector_load_idx %arg8[%get3A_274] : memref<10240xf32, #tpu.memory_space<vmem>>[vector<16xi32>], vector<16xf32>,
        %swap3A_276 = arith.constant 48 : index
        %swap3A_277 = tpu.vector_load %arg11[%swap3A_276] {strides = array<i32>} : memref<128xf32, #tpu.memory_space<vmem>>, vector<16xf32>,
        tpu.vector_store %arg11[%swap3A_276], %gather3A_275 {strides = array<i32>} : memref<128xf32, #tpu.memory_space<vmem>>, vector<16xf32>,
        %get3A_278 = arith.constant 0 : i32
        %get3A_279 = arith.index_cast %get3A_278 : i32 to index
        %get3A_280 = arith.constant 320 : index
        %get3A_281 = tpu.vector_load %arg9[%get3A_279, %get3A_280] {strides = array<i32>} : memref<2x512xi32, #tpu.memory_space<vmem>>, vector<16xi32>,
        %gather3A_282 = tpu.vector_load_idx %arg8[%get3A_281] : memref<10240xf32, #tpu.memory_space<vmem>>[vector<16xi32>], vector<16xf32>,
        %swap3A_283 = arith.constant 64 : index
        %swap3A_284 = tpu.vector_load %arg11[%swap3A_283] {strides = array<i32>} : memref<128xf32, #tpu.memory_space<vmem>>, vector<16xf32>,
        tpu.vector_store %arg11[%swap3A_283], %gather3A_282 {strides = array<i32>} : memref<128xf32, #tpu.memory_space<vmem>>, vector<16xf32>,
        %get3A_285 = arith.constant 0 : i32
        %get3A_286 = arith.index_cast %get3A_285 : i32 to index
        %get3A_287 = arith.constant 336 : index
        %get3A_288 = tpu.vector_load %arg9[%get3A_286, %get3A_287] {strides = array<i32>} : memref<2x512xi32, #tpu.memory_space<vmem>>, vector<16xi32>,
        %gather3A_289 = tpu.vector_load_idx %arg8[%get3A_288] : memref<10240xf32, #tpu.memory_space<vmem>>[vector<16xi32>], vector<16xf32>,
        %swap3A_290 = arith.constant 80 : index
        %swap3A_291 = tpu.vector_load %arg11[%swap3A_290] {strides = array<i32>} : memref<128xf32, #tpu.memory_space<vmem>>, vector<16xf32>,
        tpu.vector_store %arg11[%swap3A_290], %gather3A_289 {strides = array<i32>} : memref<128xf32, #tpu.memory_space<vmem>>, vector<16xf32>,
        %get3A_292 = arith.constant 0 : i32
        %get3A_293 = arith.index_cast %get3A_292 : i32 to index
        %get3A_294 = arith.constant 352 : index
        %get3A_295 = tpu.vector_load %arg9[%get3A_293, %get3A_294] {strides = array<i32>} : memref<2x512xi32, #tpu.memory_space<vmem>>, vector<16xi32>,
        %gather3A_296 = tpu.vector_load_idx %arg8[%get3A_295] : memref<10240xf32, #tpu.memory_space<vmem>>[vector<16xi32>], vector<16xf32>,
        %swap3A_297 = arith.constant 96 : index
        %swap3A_298 = tpu.vector_load %arg11[%swap3A_297] {strides = array<i32>} : memref<128xf32, #tpu.memory_space<vmem>>, vector<16xf32>,
        tpu.vector_store %arg11[%swap3A_297], %gather3A_296 {strides = array<i32>} : memref<128xf32, #tpu.memory_space<vmem>>, vector<16xf32>,
        %get3A_299 = arith.constant 0 : i32
        %get3A_300 = arith.index_cast %get3A_299 : i32 to index
        %get3A_301 = arith.constant 368 : index
        %get3A_302 = tpu.vector_load %arg9[%get3A_300, %get3A_301] {strides = array<i32>} : memref<2x512xi32, #tpu.memory_space<vmem>>, vector<16xi32>,
        %gather3A_303 = tpu.vector_load_idx %arg8[%get3A_302] : memref<10240xf32, #tpu.memory_space<vmem>>[vector<16xi32>], vector<16xf32>,
        %swap3A_304 = arith.constant 112 : index
        %swap3A_305 = tpu.vector_load %arg11[%swap3A_304] {strides = array<i32>} : memref<128xf32, #tpu.memory_space<vmem>>, vector<16xf32>,
        tpu.vector_store %arg11[%swap3A_304], %gather3A_303 {strides = array<i32>} : memref<128xf32, #tpu.memory_space<vmem>>, vector<16xf32>,
        %run_scoped3A_306 = arith.constant 0 : i32
        %run_scoped3A_307 = arith.constant 2 : i32
        "tpu.region"() ({
          %run_scoped3A_366 = tpu.sem_alloc : memref<!tpu.dma_semaphore, #tpu.memory_space<semaphore_mem>>
          %dma_start3A = arith.constant 0 : i32
          %dma_start3A_367 = tpu.memref_slice %arg10[%run_scoped3A_306, %run_scoped3A_307, %dma_start3A] : memref<2x4x128xi32, #tpu.memory_space<vmem>> -> memref<1x1x128xi32, #tpu.memory_space<vmem>>
          %dma_start3A_368 = tpu.memref_squeeze %dma_start3A_367 : memref<1x1x128xi32, #tpu.memory_space<vmem>> -> memref<128xi32, #tpu.memory_space<vmem>>
          %dma_start3A_369 = arith.constant 0 : i32
          %dma_start3A_370 = tpu.memref_slice %arg7[%dma_start3A_369] : memref<10240xf32, #tpu.memory_space<vmem_shared>> -> memref<10240xf32, #tpu.memory_space<vmem_shared>>
          tpu.enqueue_indirect_dma source(%arg11 : memref<128xf32, #tpu.memory_space<vmem>>) target(%dma_start3A_370 : memref<10240xf32, #tpu.memory_space<vmem_shared>>) offsets(%dma_start3A_368 : memref<128xi32, #tpu.memory_space<vmem>>) semaphore(%run_scoped3A_366 : memref<!tpu.dma_semaphore, #tpu.memory_space<semaphore_mem>>) {add = true}
          %dma_wait3A_371 = arith.constant 0 : i32
          %dma_wait3A_372 = tpu.memref_slice %arg10[%run_scoped3A_306, %run_scoped3A_307, %dma_wait3A_371] : memref<2x4x128xi32, #tpu.memory_space<vmem>> -> memref<1x1x128xi32, #tpu.memory_space<vmem>>
          %dma_wait3A_373 = tpu.memref_squeeze %dma_wait3A_372 : memref<1x1x128xi32, #tpu.memory_space<vmem>> -> memref<128xi32, #tpu.memory_space<vmem>>
          %dma_wait3A_374 = arith.constant 0 : i32
          %dma_wait3A_375 = tpu.memref_slice %arg7[%dma_wait3A_374] : memref<10240xf32, #tpu.memory_space<vmem_shared>> -> memref<10240xf32, #tpu.memory_space<vmem_shared>>
          tpu.wait_indirect_dma semaphore(%run_scoped3A_366 : memref<!tpu.dma_semaphore, #tpu.memory_space<semaphore_mem>>) src(%arg11 : memref<128xf32, #tpu.memory_space<vmem>>) dst(%dma_wait3A_375 : memref<10240xf32, #tpu.memory_space<vmem_shared>>)
          tpu.yield
        }) : () -> ()
        %get3A_308 = arith.constant 0 : i32
        %get3A_309 = arith.index_cast %get3A_308 : i32 to index
        %get3A_310 = arith.constant 384 : index
        %get3A_311 = tpu.vector_load %arg9[%get3A_309, %get3A_310] {strides = array<i32>} : memref<2x512xi32, #tpu.memory_space<vmem>>, vector<16xi32>,
        %gather3A_312 = tpu.vector_load_idx %arg8[%get3A_311] : memref<10240xf32, #tpu.memory_space<vmem>>[vector<16xi32>], vector<16xf32>,
        %swap3A_313 = arith.constant 0 : index
        %swap3A_314 = tpu.vector_load %arg11[%swap3A_313] {strides = array<i32>} : memref<128xf32, #tpu.memory_space<vmem>>, vector<16xf32>,
        tpu.vector_store %arg11[%swap3A_313], %gather3A_312 {strides = array<i32>} : memref<128xf32, #tpu.memory_space<vmem>>, vector<16xf32>,
        %get3A_315 = arith.constant 0 : i32
        %get3A_316 = arith.index_cast %get3A_315 : i32 to index
        %get3A_317 = arith.constant 400 : index
        %get3A_318 = tpu.vector_load %arg9[%get3A_316, %get3A_317] {strides = array<i32>} : memref<2x512xi32, #tpu.memory_space<vmem>>, vector<16xi32>,
        %gather3A_319 = tpu.vector_load_idx %arg8[%get3A_318] : memref<10240xf32, #tpu.memory_space<vmem>>[vector<16xi32>], vector<16xf32>,
        %swap3A_320 = arith.constant 16 : index
        %swap3A_321 = tpu.vector_load %arg11[%swap3A_320] {strides = array<i32>} : memref<128xf32, #tpu.memory_space<vmem>>, vector<16xf32>,
        tpu.vector_store %arg11[%swap3A_320], %gather3A_319 {strides = array<i32>} : memref<128xf32, #tpu.memory_space<vmem>>, vector<16xf32>,
        %get3A_322 = arith.constant 0 : i32
        %get3A_323 = arith.index_cast %get3A_322 : i32 to index
        %get3A_324 = arith.constant 416 : index
        %get3A_325 = tpu.vector_load %arg9[%get3A_323, %get3A_324] {strides = array<i32>} : memref<2x512xi32, #tpu.memory_space<vmem>>, vector<16xi32>,
        %gather3A_326 = tpu.vector_load_idx %arg8[%get3A_325] : memref<10240xf32, #tpu.memory_space<vmem>>[vector<16xi32>], vector<16xf32>,
        %swap3A_327 = arith.constant 32 : index
        %swap3A_328 = tpu.vector_load %arg11[%swap3A_327] {strides = array<i32>} : memref<128xf32, #tpu.memory_space<vmem>>, vector<16xf32>,
        tpu.vector_store %arg11[%swap3A_327], %gather3A_326 {strides = array<i32>} : memref<128xf32, #tpu.memory_space<vmem>>, vector<16xf32>,
        %get3A_329 = arith.constant 0 : i32
        %get3A_330 = arith.index_cast %get3A_329 : i32 to index
        %get3A_331 = arith.constant 432 : index
        %get3A_332 = tpu.vector_load %arg9[%get3A_330, %get3A_331] {strides = array<i32>} : memref<2x512xi32, #tpu.memory_space<vmem>>, vector<16xi32>,
        %gather3A_333 = tpu.vector_load_idx %arg8[%get3A_332] : memref<10240xf32, #tpu.memory_space<vmem>>[vector<16xi32>], vector<16xf32>,
        %swap3A_334 = arith.constant 48 : index
        %swap3A_335 = tpu.vector_load %arg11[%swap3A_334] {strides = array<i32>} : memref<128xf32, #tpu.memory_space<vmem>>, vector<16xf32>,
        tpu.vector_store %arg11[%swap3A_334], %gather3A_333 {strides = array<i32>} : memref<128xf32, #tpu.memory_space<vmem>>, vector<16xf32>,
        %get3A_336 = arith.constant 0 : i32
        %get3A_337 = arith.index_cast %get3A_336 : i32 to index
        %get3A_338 = arith.constant 448 : index
        %get3A_339 = tpu.vector_load %arg9[%get3A_337, %get3A_338] {strides = array<i32>} : memref<2x512xi32, #tpu.memory_space<vmem>>, vector<16xi32>,
        %gather3A_340 = tpu.vector_load_idx %arg8[%get3A_339] : memref<10240xf32, #tpu.memory_space<vmem>>[vector<16xi32>], vector<16xf32>,
        %swap3A_341 = arith.constant 64 : index
        %swap3A_342 = tpu.vector_load %arg11[%swap3A_341] {strides = array<i32>} : memref<128xf32, #tpu.memory_space<vmem>>, vector<16xf32>,
        tpu.vector_store %arg11[%swap3A_341], %gather3A_340 {strides = array<i32>} : memref<128xf32, #tpu.memory_space<vmem>>, vector<16xf32>,
        %get3A_343 = arith.constant 0 : i32
        %get3A_344 = arith.index_cast %get3A_343 : i32 to index
        %get3A_345 = arith.constant 464 : index
        %get3A_346 = tpu.vector_load %arg9[%get3A_344, %get3A_345] {strides = array<i32>} : memref<2x512xi32, #tpu.memory_space<vmem>>, vector<16xi32>,
        %gather3A_347 = tpu.vector_load_idx %arg8[%get3A_346] : memref<10240xf32, #tpu.memory_space<vmem>>[vector<16xi32>], vector<16xf32>,
        %swap3A_348 = arith.constant 80 : index
        %swap3A_349 = tpu.vector_load %arg11[%swap3A_348] {strides = array<i32>} : memref<128xf32, #tpu.memory_space<vmem>>, vector<16xf32>,
        tpu.vector_store %arg11[%swap3A_348], %gather3A_347 {strides = array<i32>} : memref<128xf32, #tpu.memory_space<vmem>>, vector<16xf32>,
        %get3A_350 = arith.constant 0 : i32
        %get3A_351 = arith.index_cast %get3A_350 : i32 to index
        %get3A_352 = arith.constant 480 : index
        %get3A_353 = tpu.vector_load %arg9[%get3A_351, %get3A_352] {strides = array<i32>} : memref<2x512xi32, #tpu.memory_space<vmem>>, vector<16xi32>,
        %gather3A_354 = tpu.vector_load_idx %arg8[%get3A_353] : memref<10240xf32, #tpu.memory_space<vmem>>[vector<16xi32>], vector<16xf32>,
        %swap3A_355 = arith.constant 96 : index
        %swap3A_356 = tpu.vector_load %arg11[%swap3A_355] {strides = array<i32>} : memref<128xf32, #tpu.memory_space<vmem>>, vector<16xf32>,
        tpu.vector_store %arg11[%swap3A_355], %gather3A_354 {strides = array<i32>} : memref<128xf32, #tpu.memory_space<vmem>>, vector<16xf32>,
        %get3A_357 = arith.constant 0 : i32
        %get3A_358 = arith.index_cast %get3A_357 : i32 to index
        %get3A_359 = arith.constant 496 : index
        %get3A_360 = tpu.vector_load %arg9[%get3A_358, %get3A_359] {strides = array<i32>} : memref<2x512xi32, #tpu.memory_space<vmem>>, vector<16xi32>,
        %gather3A_361 = tpu.vector_load_idx %arg8[%get3A_360] : memref<10240xf32, #tpu.memory_space<vmem>>[vector<16xi32>], vector<16xf32>,
        %swap3A_362 = arith.constant 112 : index
        %swap3A_363 = tpu.vector_load %arg11[%swap3A_362] {strides = array<i32>} : memref<128xf32, #tpu.memory_space<vmem>>, vector<16xf32>,
        tpu.vector_store %arg11[%swap3A_362], %gather3A_361 {strides = array<i32>} : memref<128xf32, #tpu.memory_space<vmem>>, vector<16xf32>,
        %run_scoped3A_364 = arith.constant 0 : i32
        %run_scoped3A_365 = arith.constant 3 : i32
        "tpu.region"() ({
          %run_scoped3A_366 = tpu.sem_alloc : memref<!tpu.dma_semaphore, #tpu.memory_space<semaphore_mem>>
          %dma_start3A = arith.constant 0 : i32
          %dma_start3A_367 = tpu.memref_slice %arg10[%run_scoped3A_364, %run_scoped3A_365, %dma_start3A] : memref<2x4x128xi32, #tpu.memory_space<vmem>> -> memref<1x1x128xi32, #tpu.memory_space<vmem>>
          %dma_start3A_368 = tpu.memref_squeeze %dma_start3A_367 : memref<1x1x128xi32, #tpu.memory_space<vmem>> -> memref<128xi32, #tpu.memory_space<vmem>>
          %dma_start3A_369 = arith.constant 0 : i32
          %dma_start3A_370 = tpu.memref_slice %arg7[%dma_start3A_369] : memref<10240xf32, #tpu.memory_space<vmem_shared>> -> memref<10240xf32, #tpu.memory_space<vmem_shared>>
          tpu.enqueue_indirect_dma source(%arg11 : memref<128xf32, #tpu.memory_space<vmem>>) target(%dma_start3A_370 : memref<10240xf32, #tpu.memory_space<vmem_shared>>) offsets(%dma_start3A_368 : memref<128xi32, #tpu.memory_space<vmem>>) semaphore(%run_scoped3A_366 : memref<!tpu.dma_semaphore, #tpu.memory_space<semaphore_mem>>) {add = true}
          %dma_wait3A_371 = arith.constant 0 : i32
          %dma_wait3A_372 = tpu.memref_slice %arg10[%run_scoped3A_364, %run_scoped3A_365, %dma_wait3A_371] : memref<2x4x128xi32, #tpu.memory_space<vmem>> -> memref<1x1x128xi32, #tpu.memory_space<vmem>>
          %dma_wait3A_373 = tpu.memref_squeeze %dma_wait3A_372 : memref<1x1x128xi32, #tpu.memory_space<vmem>> -> memref<128xi32, #tpu.memory_space<vmem>>
          %dma_wait3A_374 = arith.constant 0 : i32
          %dma_wait3A_375 = tpu.memref_slice %arg7[%dma_wait3A_374] : memref<10240xf32, #tpu.memory_space<vmem_shared>> -> memref<10240xf32, #tpu.memory_space<vmem_shared>>
          tpu.wait_indirect_dma semaphore(%run_scoped3A_366 : memref<!tpu.dma_semaphore, #tpu.memory_space<semaphore_mem>>) src(%arg11 : memref<128xf32, #tpu.memory_space<vmem>>) dst(%dma_wait3A_375 : memref<10240xf32, #tpu.memory_space<vmem_shared>>)
          tpu.yield
        }) : () -> ()
      } else {
      }
      %mul3A_43 = arith.constant 2 : i32
      %mul3A_44 = arith.muli %scan3A_20, %mul3A_43 : i32
      %add3A_45 = arith.constant 1 : i32
      %add3A_46 = arith.addi %mul3A_44, %add3A_45 : i32
      %add3A_47 = arith.constant 1 : i32
      %add3A_48 = arith.addi %add3A_46, %add3A_47 : i32
      %mul3A_49 = arith.constant 32 : i32
      %mul3A_50 = arith.muli %add3A_48, %mul3A_49 : i32
      %add3A_51 = arith.addi %mul3A_50, %add3A : i32
      %lt3A_52 = arith.constant 625 : i32
      %lt3A_53 = arith.cmpi slt, %add3A_51, %lt3A_52 : i32
      %convert_element_type3A_54 = arith.extui %lt3A_53 : i1 to i32
      %cond3A_55 = arith.constant 0 : i32
      %cond3A_56 = arith.cmpi ne, %convert_element_type3A_54, %cond3A_55 : i32
      scf.if %cond3A_56 {
        %mul3A_65 = arith.constant 32 : i32
        %mul3A_66 = arith.muli %add3A_48, %mul3A_65 : i32
        %add3A_67 = arith.addi %mul3A_66, %add3A : i32
        %mul3A_68 = arith.constant 512 : i32
        %mul3A_69 = arith.muli %add3A_67, %mul3A_68 : i32
        %dma_start3A = arith.constant 0 : i32
        %dma_start3A_70 = arith.constant 0 : i32
        %dma_start3A_71 = arith.constant 0 : i32
        %dma_start3A_72 = tpu.memref_slice %arg9[%dma_start3A, %dma_start3A_71] : memref<2x512xi32, #tpu.memory_space<vmem>> -> memref<1x512xi32, #tpu.memory_space<vmem>>
        %dma_start3A_73 = tpu.memref_squeeze %dma_start3A_72 : memref<1x512xi32, #tpu.memory_space<vmem>> -> memref<512xi32, #tpu.memory_space<vmem>>
        %dma_start3A_74 = tpu.memref_slice %arg3[%mul3A_69] : memref<320000xi32, #tpu.memory_space<hbm>> -> memref<512xi32, #tpu.memory_space<hbm>>
        %dma_start3A_75 = tpu.memref_slice %arg12[%dma_start3A_70] : memref<2x!tpu.dma_semaphore, #tpu.memory_space<semaphore_mem>> -> memref<1x!tpu.dma_semaphore, #tpu.memory_space<semaphore_mem>>
        %dma_start3A_76 = tpu.memref_squeeze %dma_start3A_75 : memref<1x!tpu.dma_semaphore, #tpu.memory_space<semaphore_mem>> -> memref<!tpu.dma_semaphore, #tpu.memory_space<semaphore_mem>>
        %dma_start3A_77 = arith.constant 0 : i32
        %dma_start3A_78 = tpu.memref_slice %arg9[%dma_start3A, %dma_start3A_77] : memref<2x512xi32, #tpu.memory_space<vmem>> -> memref<1x512xi32, #tpu.memory_space<vmem>>
        %dma_start3A_79 = tpu.memref_squeeze %dma_start3A_78 : memref<1x512xi32, #tpu.memory_space<vmem>> -> memref<512xi32, #tpu.memory_space<vmem>>
        %dma_start3A_80 = tpu.memref_slice %arg3[%mul3A_69] : memref<320000xi32, #tpu.memory_space<hbm>> -> memref<512xi32, #tpu.memory_space<hbm>>
        tpu.enqueue_dma source(%dma_start3A_80 : memref<512xi32, #tpu.memory_space<hbm>>) target(%dma_start3A_79 : memref<512xi32, #tpu.memory_space<vmem>>) target_semaphore(%dma_start3A_76 : memref<!tpu.dma_semaphore, #tpu.memory_space<semaphore_mem>>)
        %add3A_81 = arith.constant 0 : i32
        %add3A_82 = arith.addi %mul3A_69, %add3A_81 : i32
        %dma_start3A_83 = arith.constant 0 : i32
        %dma_start3A_84 = arith.constant 0 : i32
        %dma_start3A_85 = arith.constant 0 : i32
        %dma_start3A_86 = arith.constant 0 : i32
        %dma_start3A_87 = tpu.memref_slice %arg10[%dma_start3A_83, %dma_start3A_84, %dma_start3A_86] : memref<2x4x128xi32, #tpu.memory_space<vmem>> -> memref<1x1x128xi32, #tpu.memory_space<vmem>>
        %dma_start3A_88 = tpu.memref_squeeze %dma_start3A_87 : memref<1x1x128xi32, #tpu.memory_space<vmem>> -> memref<128xi32, #tpu.memory_space<vmem>>
        %dma_start3A_89 = tpu.memref_slice %arg4[%add3A_82] : memref<320000xi32, #tpu.memory_space<hbm>> -> memref<128xi32, #tpu.memory_space<hbm>>
        %dma_start3A_90 = tpu.memref_slice %arg13[%dma_start3A_85] : memref<2x!tpu.dma_semaphore, #tpu.memory_space<semaphore_mem>> -> memref<1x!tpu.dma_semaphore, #tpu.memory_space<semaphore_mem>>
        %dma_start3A_91 = tpu.memref_squeeze %dma_start3A_90 : memref<1x!tpu.dma_semaphore, #tpu.memory_space<semaphore_mem>> -> memref<!tpu.dma_semaphore, #tpu.memory_space<semaphore_mem>>
        %dma_start3A_92 = arith.constant 0 : i32
        %dma_start3A_93 = tpu.memref_slice %arg10[%dma_start3A_83, %dma_start3A_84, %dma_start3A_92] : memref<2x4x128xi32, #tpu.memory_space<vmem>> -> memref<1x1x128xi32, #tpu.memory_space<vmem>>
        %dma_start3A_94 = tpu.memref_squeeze %dma_start3A_93 : memref<1x1x128xi32, #tpu.memory_space<vmem>> -> memref<128xi32, #tpu.memory_space<vmem>>
        %dma_start3A_95 = tpu.memref_slice %arg4[%add3A_82] : memref<320000xi32, #tpu.memory_space<hbm>> -> memref<128xi32, #tpu.memory_space<hbm>>
        tpu.enqueue_dma source(%dma_start3A_95 : memref<128xi32, #tpu.memory_space<hbm>>) target(%dma_start3A_94 : memref<128xi32, #tpu.memory_space<vmem>>) target_semaphore(%dma_start3A_91 : memref<!tpu.dma_semaphore, #tpu.memory_space<semaphore_mem>>)
        %add3A_96 = arith.constant 128 : i32
        %add3A_97 = arith.addi %mul3A_69, %add3A_96 : i32
        %dma_start3A_98 = arith.constant 0 : i32
        %dma_start3A_99 = arith.constant 1 : i32
        %dma_start3A_100 = arith.constant 0 : i32
        %dma_start3A_101 = arith.constant 0 : i32
        %dma_start3A_102 = tpu.memref_slice %arg10[%dma_start3A_98, %dma_start3A_99, %dma_start3A_101] : memref<2x4x128xi32, #tpu.memory_space<vmem>> -> memref<1x1x128xi32, #tpu.memory_space<vmem>>
        %dma_start3A_103 = tpu.memref_squeeze %dma_start3A_102 : memref<1x1x128xi32, #tpu.memory_space<vmem>> -> memref<128xi32, #tpu.memory_space<vmem>>
        %dma_start3A_104 = tpu.memref_slice %arg4[%add3A_97] : memref<320000xi32, #tpu.memory_space<hbm>> -> memref<128xi32, #tpu.memory_space<hbm>>
        %dma_start3A_105 = tpu.memref_slice %arg13[%dma_start3A_100] : memref<2x!tpu.dma_semaphore, #tpu.memory_space<semaphore_mem>> -> memref<1x!tpu.dma_semaphore, #tpu.memory_space<semaphore_mem>>
        %dma_start3A_106 = tpu.memref_squeeze %dma_start3A_105 : memref<1x!tpu.dma_semaphore, #tpu.memory_space<semaphore_mem>> -> memref<!tpu.dma_semaphore, #tpu.memory_space<semaphore_mem>>
        %dma_start3A_107 = arith.constant 0 : i32
        %dma_start3A_108 = tpu.memref_slice %arg10[%dma_start3A_98, %dma_start3A_99, %dma_start3A_107] : memref<2x4x128xi32, #tpu.memory_space<vmem>> -> memref<1x1x128xi32, #tpu.memory_space<vmem>>
        %dma_start3A_109 = tpu.memref_squeeze %dma_start3A_108 : memref<1x1x128xi32, #tpu.memory_space<vmem>> -> memref<128xi32, #tpu.memory_space<vmem>>
        %dma_start3A_110 = tpu.memref_slice %arg4[%add3A_97] : memref<320000xi32, #tpu.memory_space<hbm>> -> memref<128xi32, #tpu.memory_space<hbm>>
        tpu.enqueue_dma source(%dma_start3A_110 : memref<128xi32, #tpu.memory_space<hbm>>) target(%dma_start3A_109 : memref<128xi32, #tpu.memory_space<vmem>>) target_semaphore(%dma_start3A_106 : memref<!tpu.dma_semaphore, #tpu.memory_space<semaphore_mem>>)
        %add3A_111 = arith.constant 256 : i32
        %add3A_112 = arith.addi %mul3A_69, %add3A_111 : i32
        %dma_start3A_113 = arith.constant 0 : i32
        %dma_start3A_114 = arith.constant 2 : i32
        %dma_start3A_115 = arith.constant 0 : i32
        %dma_start3A_116 = arith.constant 0 : i32
        %dma_start3A_117 = tpu.memref_slice %arg10[%dma_start3A_113, %dma_start3A_114, %dma_start3A_116] : memref<2x4x128xi32, #tpu.memory_space<vmem>> -> memref<1x1x128xi32, #tpu.memory_space<vmem>>
        %dma_start3A_118 = tpu.memref_squeeze %dma_start3A_117 : memref<1x1x128xi32, #tpu.memory_space<vmem>> -> memref<128xi32, #tpu.memory_space<vmem>>
        %dma_start3A_119 = tpu.memref_slice %arg4[%add3A_112] : memref<320000xi32, #tpu.memory_space<hbm>> -> memref<128xi32, #tpu.memory_space<hbm>>
        %dma_start3A_120 = tpu.memref_slice %arg13[%dma_start3A_115] : memref<2x!tpu.dma_semaphore, #tpu.memory_space<semaphore_mem>> -> memref<1x!tpu.dma_semaphore, #tpu.memory_space<semaphore_mem>>
        %dma_start3A_121 = tpu.memref_squeeze %dma_start3A_120 : memref<1x!tpu.dma_semaphore, #tpu.memory_space<semaphore_mem>> -> memref<!tpu.dma_semaphore, #tpu.memory_space<semaphore_mem>>
        %dma_start3A_122 = arith.constant 0 : i32
        %dma_start3A_123 = tpu.memref_slice %arg10[%dma_start3A_113, %dma_start3A_114, %dma_start3A_122] : memref<2x4x128xi32, #tpu.memory_space<vmem>> -> memref<1x1x128xi32, #tpu.memory_space<vmem>>
        %dma_start3A_124 = tpu.memref_squeeze %dma_start3A_123 : memref<1x1x128xi32, #tpu.memory_space<vmem>> -> memref<128xi32, #tpu.memory_space<vmem>>
        %dma_start3A_125 = tpu.memref_slice %arg4[%add3A_112] : memref<320000xi32, #tpu.memory_space<hbm>> -> memref<128xi32, #tpu.memory_space<hbm>>
        tpu.enqueue_dma source(%dma_start3A_125 : memref<128xi32, #tpu.memory_space<hbm>>) target(%dma_start3A_124 : memref<128xi32, #tpu.memory_space<vmem>>) target_semaphore(%dma_start3A_121 : memref<!tpu.dma_semaphore, #tpu.memory_space<semaphore_mem>>)
        %add3A_126 = arith.constant 384 : i32
        %add3A_127 = arith.addi %mul3A_69, %add3A_126 : i32
        %dma_start3A_128 = arith.constant 0 : i32
        %dma_start3A_129 = arith.constant 3 : i32
        %dma_start3A_130 = arith.constant 0 : i32
        %dma_start3A_131 = arith.constant 0 : i32
        %dma_start3A_132 = tpu.memref_slice %arg10[%dma_start3A_128, %dma_start3A_129, %dma_start3A_131] : memref<2x4x128xi32, #tpu.memory_space<vmem>> -> memref<1x1x128xi32, #tpu.memory_space<vmem>>
        %dma_start3A_133 = tpu.memref_squeeze %dma_start3A_132 : memref<1x1x128xi32, #tpu.memory_space<vmem>> -> memref<128xi32, #tpu.memory_space<vmem>>
        %dma_start3A_134 = tpu.memref_slice %arg4[%add3A_127] : memref<320000xi32, #tpu.memory_space<hbm>> -> memref<128xi32, #tpu.memory_space<hbm>>
        %dma_start3A_135 = tpu.memref_slice %arg13[%dma_start3A_130] : memref<2x!tpu.dma_semaphore, #tpu.memory_space<semaphore_mem>> -> memref<1x!tpu.dma_semaphore, #tpu.memory_space<semaphore_mem>>
        %dma_start3A_136 = tpu.memref_squeeze %dma_start3A_135 : memref<1x!tpu.dma_semaphore, #tpu.memory_space<semaphore_mem>> -> memref<!tpu.dma_semaphore, #tpu.memory_space<semaphore_mem>>
        %dma_start3A_137 = arith.constant 0 : i32
        %dma_start3A_138 = tpu.memref_slice %arg10[%dma_start3A_128, %dma_start3A_129, %dma_start3A_137] : memref<2x4x128xi32, #tpu.memory_space<vmem>> -> memref<1x1x128xi32, #tpu.memory_space<vmem>>
        %dma_start3A_139 = tpu.memref_squeeze %dma_start3A_138 : memref<1x1x128xi32, #tpu.memory_space<vmem>> -> memref<128xi32, #tpu.memory_space<vmem>>
        %dma_start3A_140 = tpu.memref_slice %arg4[%add3A_127] : memref<320000xi32, #tpu.memory_space<hbm>> -> memref<128xi32, #tpu.memory_space<hbm>>
        tpu.enqueue_dma source(%dma_start3A_140 : memref<128xi32, #tpu.memory_space<hbm>>) target(%dma_start3A_139 : memref<128xi32, #tpu.memory_space<vmem>>) target_semaphore(%dma_start3A_136 : memref<!tpu.dma_semaphore, #tpu.memory_space<semaphore_mem>>)
      } else {
      }
      %mul3A_57 = arith.constant 32 : i32
      %mul3A_58 = arith.muli %add3A_46, %mul3A_57 : i32
      %add3A_59 = arith.addi %mul3A_58, %add3A : i32
      %lt3A_60 = arith.constant 625 : i32
      %lt3A_61 = arith.cmpi slt, %add3A_59, %lt3A_60 : i32
      %convert_element_type3A_62 = arith.extui %lt3A_61 : i1 to i32
      %cond3A_63 = arith.constant 0 : i32
      %cond3A_64 = arith.cmpi ne, %convert_element_type3A_62, %cond3A_63 : i32
      scf.if %cond3A_64 {
        %dma_wait3A = arith.constant 1 : i32
        %dma_wait3A_65 = arith.constant 1 : i32
        %dma_wait3A_66 = arith.constant 0 : i32
        %dma_wait3A_67 = tpu.memref_slice %arg9[%dma_wait3A, %dma_wait3A_66] : memref<2x512xi32, #tpu.memory_space<vmem>> -> memref<1x512xi32, #tpu.memory_space<vmem>>
        %dma_wait3A_68 = tpu.memref_squeeze %dma_wait3A_67 : memref<1x512xi32, #tpu.memory_space<vmem>> -> memref<512xi32, #tpu.memory_space<vmem>>
        %dma_wait3A_69 = arith.constant 0 : i32
        %dma_wait3A_70 = tpu.memref_slice %arg3[%dma_wait3A_69] : memref<320000xi32, #tpu.memory_space<hbm>> -> memref<512xi32, #tpu.memory_space<hbm>>
        %dma_wait3A_71 = tpu.memref_slice %arg12[%dma_wait3A_65] : memref<2x!tpu.dma_semaphore, #tpu.memory_space<semaphore_mem>> -> memref<1x!tpu.dma_semaphore, #tpu.memory_space<semaphore_mem>>
        %dma_wait3A_72 = tpu.memref_squeeze %dma_wait3A_71 : memref<1x!tpu.dma_semaphore, #tpu.memory_space<semaphore_mem>> -> memref<!tpu.dma_semaphore, #tpu.memory_space<semaphore_mem>>
        %dma_wait3A_73 = arith.constant 0 : i32
        %dma_wait3A_74 = tpu.memref_slice %arg9[%dma_wait3A, %dma_wait3A_73] : memref<2x512xi32, #tpu.memory_space<vmem>> -> memref<1x512xi32, #tpu.memory_space<vmem>>
        %dma_wait3A_75 = tpu.memref_squeeze %dma_wait3A_74 : memref<1x512xi32, #tpu.memory_space<vmem>> -> memref<512xi32, #tpu.memory_space<vmem>>
        %dma_wait3A_76 = arith.constant 0 : i32
        %dma_wait3A_77 = tpu.memref_slice %arg3[%dma_wait3A_76] : memref<320000xi32, #tpu.memory_space<hbm>> -> memref<512xi32, #tpu.memory_space<hbm>>
        tpu.wait_dma2 semaphore(%dma_wait3A_72 : memref<!tpu.dma_semaphore, #tpu.memory_space<semaphore_mem>>) src(%dma_wait3A_77 : memref<512xi32, #tpu.memory_space<hbm>>) dst(%dma_wait3A_75 : memref<512xi32, #tpu.memory_space<vmem>>)
        %dma_wait3A_78 = arith.constant 1 : i32
        %dma_wait3A_79 = arith.constant 0 : i32
        %dma_wait3A_80 = arith.constant 1 : i32
        %dma_wait3A_81 = arith.constant 0 : i32
        %dma_wait3A_82 = tpu.memref_slice %arg10[%dma_wait3A_78, %dma_wait3A_79, %dma_wait3A_81] : memref<2x4x128xi32, #tpu.memory_space<vmem>> -> memref<1x1x128xi32, #tpu.memory_space<vmem>>
        %dma_wait3A_83 = tpu.memref_squeeze %dma_wait3A_82 : memref<1x1x128xi32, #tpu.memory_space<vmem>> -> memref<128xi32, #tpu.memory_space<vmem>>
        %dma_wait3A_84 = arith.constant 0 : i32
        %dma_wait3A_85 = tpu.memref_slice %arg4[%dma_wait3A_84] : memref<320000xi32, #tpu.memory_space<hbm>> -> memref<128xi32, #tpu.memory_space<hbm>>
        %dma_wait3A_86 = tpu.memref_slice %arg13[%dma_wait3A_80] : memref<2x!tpu.dma_semaphore, #tpu.memory_space<semaphore_mem>> -> memref<1x!tpu.dma_semaphore, #tpu.memory_space<semaphore_mem>>
        %dma_wait3A_87 = tpu.memref_squeeze %dma_wait3A_86 : memref<1x!tpu.dma_semaphore, #tpu.memory_space<semaphore_mem>> -> memref<!tpu.dma_semaphore, #tpu.memory_space<semaphore_mem>>
        %dma_wait3A_88 = arith.constant 0 : i32
        %dma_wait3A_89 = tpu.memref_slice %arg10[%dma_wait3A_78, %dma_wait3A_79, %dma_wait3A_88] : memref<2x4x128xi32, #tpu.memory_space<vmem>> -> memref<1x1x128xi32, #tpu.memory_space<vmem>>
        %dma_wait3A_90 = tpu.memref_squeeze %dma_wait3A_89 : memref<1x1x128xi32, #tpu.memory_space<vmem>> -> memref<128xi32, #tpu.memory_space<vmem>>
        %dma_wait3A_91 = arith.constant 0 : i32
        %dma_wait3A_92 = tpu.memref_slice %arg4[%dma_wait3A_91] : memref<320000xi32, #tpu.memory_space<hbm>> -> memref<128xi32, #tpu.memory_space<hbm>>
        tpu.wait_dma2 semaphore(%dma_wait3A_87 : memref<!tpu.dma_semaphore, #tpu.memory_space<semaphore_mem>>) src(%dma_wait3A_92 : memref<128xi32, #tpu.memory_space<hbm>>) dst(%dma_wait3A_90 : memref<128xi32, #tpu.memory_space<vmem>>)
        %dma_wait3A_93 = arith.constant 1 : i32
        %dma_wait3A_94 = arith.constant 1 : i32
        %dma_wait3A_95 = arith.constant 1 : i32
        %dma_wait3A_96 = arith.constant 0 : i32
        %dma_wait3A_97 = tpu.memref_slice %arg10[%dma_wait3A_93, %dma_wait3A_94, %dma_wait3A_96] : memref<2x4x128xi32, #tpu.memory_space<vmem>> -> memref<1x1x128xi32, #tpu.memory_space<vmem>>
        %dma_wait3A_98 = tpu.memref_squeeze %dma_wait3A_97 : memref<1x1x128xi32, #tpu.memory_space<vmem>> -> memref<128xi32, #tpu.memory_space<vmem>>
        %dma_wait3A_99 = arith.constant 0 : i32
        %dma_wait3A_100 = tpu.memref_slice %arg4[%dma_wait3A_99] : memref<320000xi32, #tpu.memory_space<hbm>> -> memref<128xi32, #tpu.memory_space<hbm>>
        %dma_wait3A_101 = tpu.memref_slice %arg13[%dma_wait3A_95] : memref<2x!tpu.dma_semaphore, #tpu.memory_space<semaphore_mem>> -> memref<1x!tpu.dma_semaphore, #tpu.memory_space<semaphore_mem>>
        %dma_wait3A_102 = tpu.memref_squeeze %dma_wait3A_101 : memref<1x!tpu.dma_semaphore, #tpu.memory_space<semaphore_mem>> -> memref<!tpu.dma_semaphore, #tpu.memory_space<semaphore_mem>>
        %dma_wait3A_103 = arith.constant 0 : i32
        %dma_wait3A_104 = tpu.memref_slice %arg10[%dma_wait3A_93, %dma_wait3A_94, %dma_wait3A_103] : memref<2x4x128xi32, #tpu.memory_space<vmem>> -> memref<1x1x128xi32, #tpu.memory_space<vmem>>
        %dma_wait3A_105 = tpu.memref_squeeze %dma_wait3A_104 : memref<1x1x128xi32, #tpu.memory_space<vmem>> -> memref<128xi32, #tpu.memory_space<vmem>>
        %dma_wait3A_106 = arith.constant 0 : i32
        %dma_wait3A_107 = tpu.memref_slice %arg4[%dma_wait3A_106] : memref<320000xi32, #tpu.memory_space<hbm>> -> memref<128xi32, #tpu.memory_space<hbm>>
        tpu.wait_dma2 semaphore(%dma_wait3A_102 : memref<!tpu.dma_semaphore, #tpu.memory_space<semaphore_mem>>) src(%dma_wait3A_107 : memref<128xi32, #tpu.memory_space<hbm>>) dst(%dma_wait3A_105 : memref<128xi32, #tpu.memory_space<vmem>>)
        %dma_wait3A_108 = arith.constant 1 : i32
        %dma_wait3A_109 = arith.constant 2 : i32
        %dma_wait3A_110 = arith.constant 1 : i32
        %dma_wait3A_111 = arith.constant 0 : i32
        %dma_wait3A_112 = tpu.memref_slice %arg10[%dma_wait3A_108, %dma_wait3A_109, %dma_wait3A_111] : memref<2x4x128xi32, #tpu.memory_space<vmem>> -> memref<1x1x128xi32, #tpu.memory_space<vmem>>
        %dma_wait3A_113 = tpu.memref_squeeze %dma_wait3A_112 : memref<1x1x128xi32, #tpu.memory_space<vmem>> -> memref<128xi32, #tpu.memory_space<vmem>>
        %dma_wait3A_114 = arith.constant 0 : i32
        %dma_wait3A_115 = tpu.memref_slice %arg4[%dma_wait3A_114] : memref<320000xi32, #tpu.memory_space<hbm>> -> memref<128xi32, #tpu.memory_space<hbm>>
        %dma_wait3A_116 = tpu.memref_slice %arg13[%dma_wait3A_110] : memref<2x!tpu.dma_semaphore, #tpu.memory_space<semaphore_mem>> -> memref<1x!tpu.dma_semaphore, #tpu.memory_space<semaphore_mem>>
        %dma_wait3A_117 = tpu.memref_squeeze %dma_wait3A_116 : memref<1x!tpu.dma_semaphore, #tpu.memory_space<semaphore_mem>> -> memref<!tpu.dma_semaphore, #tpu.memory_space<semaphore_mem>>
        %dma_wait3A_118 = arith.constant 0 : i32
        %dma_wait3A_119 = tpu.memref_slice %arg10[%dma_wait3A_108, %dma_wait3A_109, %dma_wait3A_118] : memref<2x4x128xi32, #tpu.memory_space<vmem>> -> memref<1x1x128xi32, #tpu.memory_space<vmem>>
        %dma_wait3A_120 = tpu.memref_squeeze %dma_wait3A_119 : memref<1x1x128xi32, #tpu.memory_space<vmem>> -> memref<128xi32, #tpu.memory_space<vmem>>
        %dma_wait3A_121 = arith.constant 0 : i32
        %dma_wait3A_122 = tpu.memref_slice %arg4[%dma_wait3A_121] : memref<320000xi32, #tpu.memory_space<hbm>> -> memref<128xi32, #tpu.memory_space<hbm>>
        tpu.wait_dma2 semaphore(%dma_wait3A_117 : memref<!tpu.dma_semaphore, #tpu.memory_space<semaphore_mem>>) src(%dma_wait3A_122 : memref<128xi32, #tpu.memory_space<hbm>>) dst(%dma_wait3A_120 : memref<128xi32, #tpu.memory_space<vmem>>)
        %dma_wait3A_123 = arith.constant 1 : i32
        %dma_wait3A_124 = arith.constant 3 : i32
        %dma_wait3A_125 = arith.constant 1 : i32
        %dma_wait3A_126 = arith.constant 0 : i32
        %dma_wait3A_127 = tpu.memref_slice %arg10[%dma_wait3A_123, %dma_wait3A_124, %dma_wait3A_126] : memref<2x4x128xi32, #tpu.memory_space<vmem>> -> memref<1x1x128xi32, #tpu.memory_space<vmem>>
        %dma_wait3A_128 = tpu.memref_squeeze %dma_wait3A_127 : memref<1x1x128xi32, #tpu.memory_space<vmem>> -> memref<128xi32, #tpu.memory_space<vmem>>
        %dma_wait3A_129 = arith.constant 0 : i32
        %dma_wait3A_130 = tpu.memref_slice %arg4[%dma_wait3A_129] : memref<320000xi32, #tpu.memory_space<hbm>> -> memref<128xi32, #tpu.memory_space<hbm>>
        %dma_wait3A_131 = tpu.memref_slice %arg13[%dma_wait3A_125] : memref<2x!tpu.dma_semaphore, #tpu.memory_space<semaphore_mem>> -> memref<1x!tpu.dma_semaphore, #tpu.memory_space<semaphore_mem>>
        %dma_wait3A_132 = tpu.memref_squeeze %dma_wait3A_131 : memref<1x!tpu.dma_semaphore, #tpu.memory_space<semaphore_mem>> -> memref<!tpu.dma_semaphore, #tpu.memory_space<semaphore_mem>>
        %dma_wait3A_133 = arith.constant 0 : i32
        %dma_wait3A_134 = tpu.memref_slice %arg10[%dma_wait3A_123, %dma_wait3A_124, %dma_wait3A_133] : memref<2x4x128xi32, #tpu.memory_space<vmem>> -> memref<1x1x128xi32, #tpu.memory_space<vmem>>
        %dma_wait3A_135 = tpu.memref_squeeze %dma_wait3A_134 : memref<1x1x128xi32, #tpu.memory_space<vmem>> -> memref<128xi32, #tpu.memory_space<vmem>>
        %dma_wait3A_136 = arith.constant 0 : i32
        %dma_wait3A_137 = tpu.memref_slice %arg4[%dma_wait3A_136] : memref<320000xi32, #tpu.memory_space<hbm>> -> memref<128xi32, #tpu.memory_space<hbm>>
        tpu.wait_dma2 semaphore(%dma_wait3A_132 : memref<!tpu.dma_semaphore, #tpu.memory_space<semaphore_mem>>) src(%dma_wait3A_137 : memref<128xi32, #tpu.memory_space<hbm>>) dst(%dma_wait3A_135 : memref<128xi32, #tpu.memory_space<vmem>>)
        %get3A = arith.constant 1 : i32
        %get3A_138 = arith.index_cast %get3A : i32 to index
        %get3A_139 = arith.constant 0 : index
        %get3A_140 = tpu.vector_load %arg9[%get3A_138, %get3A_139] {strides = array<i32>} : memref<2x512xi32, #tpu.memory_space<vmem>>, vector<16xi32>,
        %gather3A = tpu.vector_load_idx %arg8[%get3A_140] : memref<10240xf32, #tpu.memory_space<vmem>>[vector<16xi32>], vector<16xf32>,
        %swap3A = arith.constant 0 : index
        %swap3A_141 = tpu.vector_load %arg11[%swap3A] {strides = array<i32>} : memref<128xf32, #tpu.memory_space<vmem>>, vector<16xf32>,
        tpu.vector_store %arg11[%swap3A], %gather3A {strides = array<i32>} : memref<128xf32, #tpu.memory_space<vmem>>, vector<16xf32>,
        %get3A_142 = arith.constant 1 : i32
        %get3A_143 = arith.index_cast %get3A_142 : i32 to index
        %get3A_144 = arith.constant 16 : index
        %get3A_145 = tpu.vector_load %arg9[%get3A_143, %get3A_144] {strides = array<i32>} : memref<2x512xi32, #tpu.memory_space<vmem>>, vector<16xi32>,
        %gather3A_146 = tpu.vector_load_idx %arg8[%get3A_145] : memref<10240xf32, #tpu.memory_space<vmem>>[vector<16xi32>], vector<16xf32>,
        %swap3A_147 = arith.constant 16 : index
        %swap3A_148 = tpu.vector_load %arg11[%swap3A_147] {strides = array<i32>} : memref<128xf32, #tpu.memory_space<vmem>>, vector<16xf32>,
        tpu.vector_store %arg11[%swap3A_147], %gather3A_146 {strides = array<i32>} : memref<128xf32, #tpu.memory_space<vmem>>, vector<16xf32>,
        %get3A_149 = arith.constant 1 : i32
        %get3A_150 = arith.index_cast %get3A_149 : i32 to index
        %get3A_151 = arith.constant 32 : index
        %get3A_152 = tpu.vector_load %arg9[%get3A_150, %get3A_151] {strides = array<i32>} : memref<2x512xi32, #tpu.memory_space<vmem>>, vector<16xi32>,
        %gather3A_153 = tpu.vector_load_idx %arg8[%get3A_152] : memref<10240xf32, #tpu.memory_space<vmem>>[vector<16xi32>], vector<16xf32>,
        %swap3A_154 = arith.constant 32 : index
        %swap3A_155 = tpu.vector_load %arg11[%swap3A_154] {strides = array<i32>} : memref<128xf32, #tpu.memory_space<vmem>>, vector<16xf32>,
        tpu.vector_store %arg11[%swap3A_154], %gather3A_153 {strides = array<i32>} : memref<128xf32, #tpu.memory_space<vmem>>, vector<16xf32>,
        %get3A_156 = arith.constant 1 : i32
        %get3A_157 = arith.index_cast %get3A_156 : i32 to index
        %get3A_158 = arith.constant 48 : index
        %get3A_159 = tpu.vector_load %arg9[%get3A_157, %get3A_158] {strides = array<i32>} : memref<2x512xi32, #tpu.memory_space<vmem>>, vector<16xi32>,
        %gather3A_160 = tpu.vector_load_idx %arg8[%get3A_159] : memref<10240xf32, #tpu.memory_space<vmem>>[vector<16xi32>], vector<16xf32>,
        %swap3A_161 = arith.constant 48 : index
        %swap3A_162 = tpu.vector_load %arg11[%swap3A_161] {strides = array<i32>} : memref<128xf32, #tpu.memory_space<vmem>>, vector<16xf32>,
        tpu.vector_store %arg11[%swap3A_161], %gather3A_160 {strides = array<i32>} : memref<128xf32, #tpu.memory_space<vmem>>, vector<16xf32>,
        %get3A_163 = arith.constant 1 : i32
        %get3A_164 = arith.index_cast %get3A_163 : i32 to index
        %get3A_165 = arith.constant 64 : index
        %get3A_166 = tpu.vector_load %arg9[%get3A_164, %get3A_165] {strides = array<i32>} : memref<2x512xi32, #tpu.memory_space<vmem>>, vector<16xi32>,
        %gather3A_167 = tpu.vector_load_idx %arg8[%get3A_166] : memref<10240xf32, #tpu.memory_space<vmem>>[vector<16xi32>], vector<16xf32>,
        %swap3A_168 = arith.constant 64 : index
        %swap3A_169 = tpu.vector_load %arg11[%swap3A_168] {strides = array<i32>} : memref<128xf32, #tpu.memory_space<vmem>>, vector<16xf32>,
        tpu.vector_store %arg11[%swap3A_168], %gather3A_167 {strides = array<i32>} : memref<128xf32, #tpu.memory_space<vmem>>, vector<16xf32>,
        %get3A_170 = arith.constant 1 : i32
        %get3A_171 = arith.index_cast %get3A_170 : i32 to index
        %get3A_172 = arith.constant 80 : index
        %get3A_173 = tpu.vector_load %arg9[%get3A_171, %get3A_172] {strides = array<i32>} : memref<2x512xi32, #tpu.memory_space<vmem>>, vector<16xi32>,
        %gather3A_174 = tpu.vector_load_idx %arg8[%get3A_173] : memref<10240xf32, #tpu.memory_space<vmem>>[vector<16xi32>], vector<16xf32>,
        %swap3A_175 = arith.constant 80 : index
        %swap3A_176 = tpu.vector_load %arg11[%swap3A_175] {strides = array<i32>} : memref<128xf32, #tpu.memory_space<vmem>>, vector<16xf32>,
        tpu.vector_store %arg11[%swap3A_175], %gather3A_174 {strides = array<i32>} : memref<128xf32, #tpu.memory_space<vmem>>, vector<16xf32>,
        %get3A_177 = arith.constant 1 : i32
        %get3A_178 = arith.index_cast %get3A_177 : i32 to index
        %get3A_179 = arith.constant 96 : index
        %get3A_180 = tpu.vector_load %arg9[%get3A_178, %get3A_179] {strides = array<i32>} : memref<2x512xi32, #tpu.memory_space<vmem>>, vector<16xi32>,
        %gather3A_181 = tpu.vector_load_idx %arg8[%get3A_180] : memref<10240xf32, #tpu.memory_space<vmem>>[vector<16xi32>], vector<16xf32>,
        %swap3A_182 = arith.constant 96 : index
        %swap3A_183 = tpu.vector_load %arg11[%swap3A_182] {strides = array<i32>} : memref<128xf32, #tpu.memory_space<vmem>>, vector<16xf32>,
        tpu.vector_store %arg11[%swap3A_182], %gather3A_181 {strides = array<i32>} : memref<128xf32, #tpu.memory_space<vmem>>, vector<16xf32>,
        %get3A_184 = arith.constant 1 : i32
        %get3A_185 = arith.index_cast %get3A_184 : i32 to index
        %get3A_186 = arith.constant 112 : index
        %get3A_187 = tpu.vector_load %arg9[%get3A_185, %get3A_186] {strides = array<i32>} : memref<2x512xi32, #tpu.memory_space<vmem>>, vector<16xi32>,
        %gather3A_188 = tpu.vector_load_idx %arg8[%get3A_187] : memref<10240xf32, #tpu.memory_space<vmem>>[vector<16xi32>], vector<16xf32>,
        %swap3A_189 = arith.constant 112 : index
        %swap3A_190 = tpu.vector_load %arg11[%swap3A_189] {strides = array<i32>} : memref<128xf32, #tpu.memory_space<vmem>>, vector<16xf32>,
        tpu.vector_store %arg11[%swap3A_189], %gather3A_188 {strides = array<i32>} : memref<128xf32, #tpu.memory_space<vmem>>, vector<16xf32>,
        %run_scoped3A = arith.constant 1 : i32
        %run_scoped3A_191 = arith.constant 0 : i32
        "tpu.region"() ({
          %run_scoped3A_366 = tpu.sem_alloc : memref<!tpu.dma_semaphore, #tpu.memory_space<semaphore_mem>>
          %dma_start3A = arith.constant 0 : i32
          %dma_start3A_367 = tpu.memref_slice %arg10[%run_scoped3A, %run_scoped3A_191, %dma_start3A] : memref<2x4x128xi32, #tpu.memory_space<vmem>> -> memref<1x1x128xi32, #tpu.memory_space<vmem>>
          %dma_start3A_368 = tpu.memref_squeeze %dma_start3A_367 : memref<1x1x128xi32, #tpu.memory_space<vmem>> -> memref<128xi32, #tpu.memory_space<vmem>>
          %dma_start3A_369 = arith.constant 0 : i32
          %dma_start3A_370 = tpu.memref_slice %arg7[%dma_start3A_369] : memref<10240xf32, #tpu.memory_space<vmem_shared>> -> memref<10240xf32, #tpu.memory_space<vmem_shared>>
          tpu.enqueue_indirect_dma source(%arg11 : memref<128xf32, #tpu.memory_space<vmem>>) target(%dma_start3A_370 : memref<10240xf32, #tpu.memory_space<vmem_shared>>) offsets(%dma_start3A_368 : memref<128xi32, #tpu.memory_space<vmem>>) semaphore(%run_scoped3A_366 : memref<!tpu.dma_semaphore, #tpu.memory_space<semaphore_mem>>) {add = true}
          %dma_wait3A_371 = arith.constant 0 : i32
          %dma_wait3A_372 = tpu.memref_slice %arg10[%run_scoped3A, %run_scoped3A_191, %dma_wait3A_371] : memref<2x4x128xi32, #tpu.memory_space<vmem>> -> memref<1x1x128xi32, #tpu.memory_space<vmem>>
          %dma_wait3A_373 = tpu.memref_squeeze %dma_wait3A_372 : memref<1x1x128xi32, #tpu.memory_space<vmem>> -> memref<128xi32, #tpu.memory_space<vmem>>
          %dma_wait3A_374 = arith.constant 0 : i32
          %dma_wait3A_375 = tpu.memref_slice %arg7[%dma_wait3A_374] : memref<10240xf32, #tpu.memory_space<vmem_shared>> -> memref<10240xf32, #tpu.memory_space<vmem_shared>>
          tpu.wait_indirect_dma semaphore(%run_scoped3A_366 : memref<!tpu.dma_semaphore, #tpu.memory_space<semaphore_mem>>) src(%arg11 : memref<128xf32, #tpu.memory_space<vmem>>) dst(%dma_wait3A_375 : memref<10240xf32, #tpu.memory_space<vmem_shared>>)
          tpu.yield
        }) : () -> ()
        %get3A_192 = arith.constant 1 : i32
        %get3A_193 = arith.index_cast %get3A_192 : i32 to index
        %get3A_194 = arith.constant 128 : index
        %get3A_195 = tpu.vector_load %arg9[%get3A_193, %get3A_194] {strides = array<i32>} : memref<2x512xi32, #tpu.memory_space<vmem>>, vector<16xi32>,
        %gather3A_196 = tpu.vector_load_idx %arg8[%get3A_195] : memref<10240xf32, #tpu.memory_space<vmem>>[vector<16xi32>], vector<16xf32>,
        %swap3A_197 = arith.constant 0 : index
        %swap3A_198 = tpu.vector_load %arg11[%swap3A_197] {strides = array<i32>} : memref<128xf32, #tpu.memory_space<vmem>>, vector<16xf32>,
        tpu.vector_store %arg11[%swap3A_197], %gather3A_196 {strides = array<i32>} : memref<128xf32, #tpu.memory_space<vmem>>, vector<16xf32>,
        %get3A_199 = arith.constant 1 : i32
        %get3A_200 = arith.index_cast %get3A_199 : i32 to index
        %get3A_201 = arith.constant 144 : index
        %get3A_202 = tpu.vector_load %arg9[%get3A_200, %get3A_201] {strides = array<i32>} : memref<2x512xi32, #tpu.memory_space<vmem>>, vector<16xi32>,
        %gather3A_203 = tpu.vector_load_idx %arg8[%get3A_202] : memref<10240xf32, #tpu.memory_space<vmem>>[vector<16xi32>], vector<16xf32>,
        %swap3A_204 = arith.constant 16 : index
        %swap3A_205 = tpu.vector_load %arg11[%swap3A_204] {strides = array<i32>} : memref<128xf32, #tpu.memory_space<vmem>>, vector<16xf32>,
        tpu.vector_store %arg11[%swap3A_204], %gather3A_203 {strides = array<i32>} : memref<128xf32, #tpu.memory_space<vmem>>, vector<16xf32>,
        %get3A_206 = arith.constant 1 : i32
        %get3A_207 = arith.index_cast %get3A_206 : i32 to index
        %get3A_208 = arith.constant 160 : index
        %get3A_209 = tpu.vector_load %arg9[%get3A_207, %get3A_208] {strides = array<i32>} : memref<2x512xi32, #tpu.memory_space<vmem>>, vector<16xi32>,
        %gather3A_210 = tpu.vector_load_idx %arg8[%get3A_209] : memref<10240xf32, #tpu.memory_space<vmem>>[vector<16xi32>], vector<16xf32>,
        %swap3A_211 = arith.constant 32 : index
        %swap3A_212 = tpu.vector_load %arg11[%swap3A_211] {strides = array<i32>} : memref<128xf32, #tpu.memory_space<vmem>>, vector<16xf32>,
        tpu.vector_store %arg11[%swap3A_211], %gather3A_210 {strides = array<i32>} : memref<128xf32, #tpu.memory_space<vmem>>, vector<16xf32>,
        %get3A_213 = arith.constant 1 : i32
        %get3A_214 = arith.index_cast %get3A_213 : i32 to index
        %get3A_215 = arith.constant 176 : index
        %get3A_216 = tpu.vector_load %arg9[%get3A_214, %get3A_215] {strides = array<i32>} : memref<2x512xi32, #tpu.memory_space<vmem>>, vector<16xi32>,
        %gather3A_217 = tpu.vector_load_idx %arg8[%get3A_216] : memref<10240xf32, #tpu.memory_space<vmem>>[vector<16xi32>], vector<16xf32>,
        %swap3A_218 = arith.constant 48 : index
        %swap3A_219 = tpu.vector_load %arg11[%swap3A_218] {strides = array<i32>} : memref<128xf32, #tpu.memory_space<vmem>>, vector<16xf32>,
        tpu.vector_store %arg11[%swap3A_218], %gather3A_217 {strides = array<i32>} : memref<128xf32, #tpu.memory_space<vmem>>, vector<16xf32>,
        %get3A_220 = arith.constant 1 : i32
        %get3A_221 = arith.index_cast %get3A_220 : i32 to index
        %get3A_222 = arith.constant 192 : index
        %get3A_223 = tpu.vector_load %arg9[%get3A_221, %get3A_222] {strides = array<i32>} : memref<2x512xi32, #tpu.memory_space<vmem>>, vector<16xi32>,
        %gather3A_224 = tpu.vector_load_idx %arg8[%get3A_223] : memref<10240xf32, #tpu.memory_space<vmem>>[vector<16xi32>], vector<16xf32>,
        %swap3A_225 = arith.constant 64 : index
        %swap3A_226 = tpu.vector_load %arg11[%swap3A_225] {strides = array<i32>} : memref<128xf32, #tpu.memory_space<vmem>>, vector<16xf32>,
        tpu.vector_store %arg11[%swap3A_225], %gather3A_224 {strides = array<i32>} : memref<128xf32, #tpu.memory_space<vmem>>, vector<16xf32>,
        %get3A_227 = arith.constant 1 : i32
        %get3A_228 = arith.index_cast %get3A_227 : i32 to index
        %get3A_229 = arith.constant 208 : index
        %get3A_230 = tpu.vector_load %arg9[%get3A_228, %get3A_229] {strides = array<i32>} : memref<2x512xi32, #tpu.memory_space<vmem>>, vector<16xi32>,
        %gather3A_231 = tpu.vector_load_idx %arg8[%get3A_230] : memref<10240xf32, #tpu.memory_space<vmem>>[vector<16xi32>], vector<16xf32>,
        %swap3A_232 = arith.constant 80 : index
        %swap3A_233 = tpu.vector_load %arg11[%swap3A_232] {strides = array<i32>} : memref<128xf32, #tpu.memory_space<vmem>>, vector<16xf32>,
        tpu.vector_store %arg11[%swap3A_232], %gather3A_231 {strides = array<i32>} : memref<128xf32, #tpu.memory_space<vmem>>, vector<16xf32>,
        %get3A_234 = arith.constant 1 : i32
        %get3A_235 = arith.index_cast %get3A_234 : i32 to index
        %get3A_236 = arith.constant 224 : index
        %get3A_237 = tpu.vector_load %arg9[%get3A_235, %get3A_236] {strides = array<i32>} : memref<2x512xi32, #tpu.memory_space<vmem>>, vector<16xi32>,
        %gather3A_238 = tpu.vector_load_idx %arg8[%get3A_237] : memref<10240xf32, #tpu.memory_space<vmem>>[vector<16xi32>], vector<16xf32>,
        %swap3A_239 = arith.constant 96 : index
        %swap3A_240 = tpu.vector_load %arg11[%swap3A_239] {strides = array<i32>} : memref<128xf32, #tpu.memory_space<vmem>>, vector<16xf32>,
        tpu.vector_store %arg11[%swap3A_239], %gather3A_238 {strides = array<i32>} : memref<128xf32, #tpu.memory_space<vmem>>, vector<16xf32>,
        %get3A_241 = arith.constant 1 : i32
        %get3A_242 = arith.index_cast %get3A_241 : i32 to index
        %get3A_243 = arith.constant 240 : index
        %get3A_244 = tpu.vector_load %arg9[%get3A_242, %get3A_243] {strides = array<i32>} : memref<2x512xi32, #tpu.memory_space<vmem>>, vector<16xi32>,
        %gather3A_245 = tpu.vector_load_idx %arg8[%get3A_244] : memref<10240xf32, #tpu.memory_space<vmem>>[vector<16xi32>], vector<16xf32>,
        %swap3A_246 = arith.constant 112 : index
        %swap3A_247 = tpu.vector_load %arg11[%swap3A_246] {strides = array<i32>} : memref<128xf32, #tpu.memory_space<vmem>>, vector<16xf32>,
        tpu.vector_store %arg11[%swap3A_246], %gather3A_245 {strides = array<i32>} : memref<128xf32, #tpu.memory_space<vmem>>, vector<16xf32>,
        %run_scoped3A_248 = arith.constant 1 : i32
        %run_scoped3A_249 = arith.constant 1 : i32
        "tpu.region"() ({
          %run_scoped3A_366 = tpu.sem_alloc : memref<!tpu.dma_semaphore, #tpu.memory_space<semaphore_mem>>
          %dma_start3A = arith.constant 0 : i32
          %dma_start3A_367 = tpu.memref_slice %arg10[%run_scoped3A_248, %run_scoped3A_249, %dma_start3A] : memref<2x4x128xi32, #tpu.memory_space<vmem>> -> memref<1x1x128xi32, #tpu.memory_space<vmem>>
          %dma_start3A_368 = tpu.memref_squeeze %dma_start3A_367 : memref<1x1x128xi32, #tpu.memory_space<vmem>> -> memref<128xi32, #tpu.memory_space<vmem>>
          %dma_start3A_369 = arith.constant 0 : i32
          %dma_start3A_370 = tpu.memref_slice %arg7[%dma_start3A_369] : memref<10240xf32, #tpu.memory_space<vmem_shared>> -> memref<10240xf32, #tpu.memory_space<vmem_shared>>
          tpu.enqueue_indirect_dma source(%arg11 : memref<128xf32, #tpu.memory_space<vmem>>) target(%dma_start3A_370 : memref<10240xf32, #tpu.memory_space<vmem_shared>>) offsets(%dma_start3A_368 : memref<128xi32, #tpu.memory_space<vmem>>) semaphore(%run_scoped3A_366 : memref<!tpu.dma_semaphore, #tpu.memory_space<semaphore_mem>>) {add = true}
          %dma_wait3A_371 = arith.constant 0 : i32
          %dma_wait3A_372 = tpu.memref_slice %arg10[%run_scoped3A_248, %run_scoped3A_249, %dma_wait3A_371] : memref<2x4x128xi32, #tpu.memory_space<vmem>> -> memref<1x1x128xi32, #tpu.memory_space<vmem>>
          %dma_wait3A_373 = tpu.memref_squeeze %dma_wait3A_372 : memref<1x1x128xi32, #tpu.memory_space<vmem>> -> memref<128xi32, #tpu.memory_space<vmem>>
          %dma_wait3A_374 = arith.constant 0 : i32
          %dma_wait3A_375 = tpu.memref_slice %arg7[%dma_wait3A_374] : memref<10240xf32, #tpu.memory_space<vmem_shared>> -> memref<10240xf32, #tpu.memory_space<vmem_shared>>
          tpu.wait_indirect_dma semaphore(%run_scoped3A_366 : memref<!tpu.dma_semaphore, #tpu.memory_space<semaphore_mem>>) src(%arg11 : memref<128xf32, #tpu.memory_space<vmem>>) dst(%dma_wait3A_375 : memref<10240xf32, #tpu.memory_space<vmem_shared>>)
          tpu.yield
        }) : () -> ()
        %get3A_250 = arith.constant 1 : i32
        %get3A_251 = arith.index_cast %get3A_250 : i32 to index
        %get3A_252 = arith.constant 256 : index
        %get3A_253 = tpu.vector_load %arg9[%get3A_251, %get3A_252] {strides = array<i32>} : memref<2x512xi32, #tpu.memory_space<vmem>>, vector<16xi32>,
        %gather3A_254 = tpu.vector_load_idx %arg8[%get3A_253] : memref<10240xf32, #tpu.memory_space<vmem>>[vector<16xi32>], vector<16xf32>,
        %swap3A_255 = arith.constant 0 : index
        %swap3A_256 = tpu.vector_load %arg11[%swap3A_255] {strides = array<i32>} : memref<128xf32, #tpu.memory_space<vmem>>, vector<16xf32>,
        tpu.vector_store %arg11[%swap3A_255], %gather3A_254 {strides = array<i32>} : memref<128xf32, #tpu.memory_space<vmem>>, vector<16xf32>,
        %get3A_257 = arith.constant 1 : i32
        %get3A_258 = arith.index_cast %get3A_257 : i32 to index
        %get3A_259 = arith.constant 272 : index
        %get3A_260 = tpu.vector_load %arg9[%get3A_258, %get3A_259] {strides = array<i32>} : memref<2x512xi32, #tpu.memory_space<vmem>>, vector<16xi32>,
        %gather3A_261 = tpu.vector_load_idx %arg8[%get3A_260] : memref<10240xf32, #tpu.memory_space<vmem>>[vector<16xi32>], vector<16xf32>,
        %swap3A_262 = arith.constant 16 : index
        %swap3A_263 = tpu.vector_load %arg11[%swap3A_262] {strides = array<i32>} : memref<128xf32, #tpu.memory_space<vmem>>, vector<16xf32>,
        tpu.vector_store %arg11[%swap3A_262], %gather3A_261 {strides = array<i32>} : memref<128xf32, #tpu.memory_space<vmem>>, vector<16xf32>,
        %get3A_264 = arith.constant 1 : i32
        %get3A_265 = arith.index_cast %get3A_264 : i32 to index
        %get3A_266 = arith.constant 288 : index
        %get3A_267 = tpu.vector_load %arg9[%get3A_265, %get3A_266] {strides = array<i32>} : memref<2x512xi32, #tpu.memory_space<vmem>>, vector<16xi32>,
        %gather3A_268 = tpu.vector_load_idx %arg8[%get3A_267] : memref<10240xf32, #tpu.memory_space<vmem>>[vector<16xi32>], vector<16xf32>,
        %swap3A_269 = arith.constant 32 : index
        %swap3A_270 = tpu.vector_load %arg11[%swap3A_269] {strides = array<i32>} : memref<128xf32, #tpu.memory_space<vmem>>, vector<16xf32>,
        tpu.vector_store %arg11[%swap3A_269], %gather3A_268 {strides = array<i32>} : memref<128xf32, #tpu.memory_space<vmem>>, vector<16xf32>,
        %get3A_271 = arith.constant 1 : i32
        %get3A_272 = arith.index_cast %get3A_271 : i32 to index
        %get3A_273 = arith.constant 304 : index
        %get3A_274 = tpu.vector_load %arg9[%get3A_272, %get3A_273] {strides = array<i32>} : memref<2x512xi32, #tpu.memory_space<vmem>>, vector<16xi32>,
        %gather3A_275 = tpu.vector_load_idx %arg8[%get3A_274] : memref<10240xf32, #tpu.memory_space<vmem>>[vector<16xi32>], vector<16xf32>,
        %swap3A_276 = arith.constant 48 : index
        %swap3A_277 = tpu.vector_load %arg11[%swap3A_276] {strides = array<i32>} : memref<128xf32, #tpu.memory_space<vmem>>, vector<16xf32>,
        tpu.vector_store %arg11[%swap3A_276], %gather3A_275 {strides = array<i32>} : memref<128xf32, #tpu.memory_space<vmem>>, vector<16xf32>,
        %get3A_278 = arith.constant 1 : i32
        %get3A_279 = arith.index_cast %get3A_278 : i32 to index
        %get3A_280 = arith.constant 320 : index
        %get3A_281 = tpu.vector_load %arg9[%get3A_279, %get3A_280] {strides = array<i32>} : memref<2x512xi32, #tpu.memory_space<vmem>>, vector<16xi32>,
        %gather3A_282 = tpu.vector_load_idx %arg8[%get3A_281] : memref<10240xf32, #tpu.memory_space<vmem>>[vector<16xi32>], vector<16xf32>,
        %swap3A_283 = arith.constant 64 : index
        %swap3A_284 = tpu.vector_load %arg11[%swap3A_283] {strides = array<i32>} : memref<128xf32, #tpu.memory_space<vmem>>, vector<16xf32>,
        tpu.vector_store %arg11[%swap3A_283], %gather3A_282 {strides = array<i32>} : memref<128xf32, #tpu.memory_space<vmem>>, vector<16xf32>,
        %get3A_285 = arith.constant 1 : i32
        %get3A_286 = arith.index_cast %get3A_285 : i32 to index
        %get3A_287 = arith.constant 336 : index
        %get3A_288 = tpu.vector_load %arg9[%get3A_286, %get3A_287] {strides = array<i32>} : memref<2x512xi32, #tpu.memory_space<vmem>>, vector<16xi32>,
        %gather3A_289 = tpu.vector_load_idx %arg8[%get3A_288] : memref<10240xf32, #tpu.memory_space<vmem>>[vector<16xi32>], vector<16xf32>,
        %swap3A_290 = arith.constant 80 : index
        %swap3A_291 = tpu.vector_load %arg11[%swap3A_290] {strides = array<i32>} : memref<128xf32, #tpu.memory_space<vmem>>, vector<16xf32>,
        tpu.vector_store %arg11[%swap3A_290], %gather3A_289 {strides = array<i32>} : memref<128xf32, #tpu.memory_space<vmem>>, vector<16xf32>,
        %get3A_292 = arith.constant 1 : i32
        %get3A_293 = arith.index_cast %get3A_292 : i32 to index
        %get3A_294 = arith.constant 352 : index
        %get3A_295 = tpu.vector_load %arg9[%get3A_293, %get3A_294] {strides = array<i32>} : memref<2x512xi32, #tpu.memory_space<vmem>>, vector<16xi32>,
        %gather3A_296 = tpu.vector_load_idx %arg8[%get3A_295] : memref<10240xf32, #tpu.memory_space<vmem>>[vector<16xi32>], vector<16xf32>,
        %swap3A_297 = arith.constant 96 : index
        %swap3A_298 = tpu.vector_load %arg11[%swap3A_297] {strides = array<i32>} : memref<128xf32, #tpu.memory_space<vmem>>, vector<16xf32>,
        tpu.vector_store %arg11[%swap3A_297], %gather3A_296 {strides = array<i32>} : memref<128xf32, #tpu.memory_space<vmem>>, vector<16xf32>,
        %get3A_299 = arith.constant 1 : i32
        %get3A_300 = arith.index_cast %get3A_299 : i32 to index
        %get3A_301 = arith.constant 368 : index
        %get3A_302 = tpu.vector_load %arg9[%get3A_300, %get3A_301] {strides = array<i32>} : memref<2x512xi32, #tpu.memory_space<vmem>>, vector<16xi32>,
        %gather3A_303 = tpu.vector_load_idx %arg8[%get3A_302] : memref<10240xf32, #tpu.memory_space<vmem>>[vector<16xi32>], vector<16xf32>,
        %swap3A_304 = arith.constant 112 : index
        %swap3A_305 = tpu.vector_load %arg11[%swap3A_304] {strides = array<i32>} : memref<128xf32, #tpu.memory_space<vmem>>, vector<16xf32>,
        tpu.vector_store %arg11[%swap3A_304], %gather3A_303 {strides = array<i32>} : memref<128xf32, #tpu.memory_space<vmem>>, vector<16xf32>,
        %run_scoped3A_306 = arith.constant 1 : i32
        %run_scoped3A_307 = arith.constant 2 : i32
        "tpu.region"() ({
          %run_scoped3A_366 = tpu.sem_alloc : memref<!tpu.dma_semaphore, #tpu.memory_space<semaphore_mem>>
          %dma_start3A = arith.constant 0 : i32
          %dma_start3A_367 = tpu.memref_slice %arg10[%run_scoped3A_306, %run_scoped3A_307, %dma_start3A] : memref<2x4x128xi32, #tpu.memory_space<vmem>> -> memref<1x1x128xi32, #tpu.memory_space<vmem>>
          %dma_start3A_368 = tpu.memref_squeeze %dma_start3A_367 : memref<1x1x128xi32, #tpu.memory_space<vmem>> -> memref<128xi32, #tpu.memory_space<vmem>>
          %dma_start3A_369 = arith.constant 0 : i32
          %dma_start3A_370 = tpu.memref_slice %arg7[%dma_start3A_369] : memref<10240xf32, #tpu.memory_space<vmem_shared>> -> memref<10240xf32, #tpu.memory_space<vmem_shared>>
          tpu.enqueue_indirect_dma source(%arg11 : memref<128xf32, #tpu.memory_space<vmem>>) target(%dma_start3A_370 : memref<10240xf32, #tpu.memory_space<vmem_shared>>) offsets(%dma_start3A_368 : memref<128xi32, #tpu.memory_space<vmem>>) semaphore(%run_scoped3A_366 : memref<!tpu.dma_semaphore, #tpu.memory_space<semaphore_mem>>) {add = true}
          %dma_wait3A_371 = arith.constant 0 : i32
          %dma_wait3A_372 = tpu.memref_slice %arg10[%run_scoped3A_306, %run_scoped3A_307, %dma_wait3A_371] : memref<2x4x128xi32, #tpu.memory_space<vmem>> -> memref<1x1x128xi32, #tpu.memory_space<vmem>>
          %dma_wait3A_373 = tpu.memref_squeeze %dma_wait3A_372 : memref<1x1x128xi32, #tpu.memory_space<vmem>> -> memref<128xi32, #tpu.memory_space<vmem>>
          %dma_wait3A_374 = arith.constant 0 : i32
          %dma_wait3A_375 = tpu.memref_slice %arg7[%dma_wait3A_374] : memref<10240xf32, #tpu.memory_space<vmem_shared>> -> memref<10240xf32, #tpu.memory_space<vmem_shared>>
          tpu.wait_indirect_dma semaphore(%run_scoped3A_366 : memref<!tpu.dma_semaphore, #tpu.memory_space<semaphore_mem>>) src(%arg11 : memref<128xf32, #tpu.memory_space<vmem>>) dst(%dma_wait3A_375 : memref<10240xf32, #tpu.memory_space<vmem_shared>>)
          tpu.yield
        }) : () -> ()
        %get3A_308 = arith.constant 1 : i32
        %get3A_309 = arith.index_cast %get3A_308 : i32 to index
        %get3A_310 = arith.constant 384 : index
        %get3A_311 = tpu.vector_load %arg9[%get3A_309, %get3A_310] {strides = array<i32>} : memref<2x512xi32, #tpu.memory_space<vmem>>, vector<16xi32>,
        %gather3A_312 = tpu.vector_load_idx %arg8[%get3A_311] : memref<10240xf32, #tpu.memory_space<vmem>>[vector<16xi32>], vector<16xf32>,
        %swap3A_313 = arith.constant 0 : index
        %swap3A_314 = tpu.vector_load %arg11[%swap3A_313] {strides = array<i32>} : memref<128xf32, #tpu.memory_space<vmem>>, vector<16xf32>,
        tpu.vector_store %arg11[%swap3A_313], %gather3A_312 {strides = array<i32>} : memref<128xf32, #tpu.memory_space<vmem>>, vector<16xf32>,
        %get3A_315 = arith.constant 1 : i32
        %get3A_316 = arith.index_cast %get3A_315 : i32 to index
        %get3A_317 = arith.constant 400 : index
        %get3A_318 = tpu.vector_load %arg9[%get3A_316, %get3A_317] {strides = array<i32>} : memref<2x512xi32, #tpu.memory_space<vmem>>, vector<16xi32>,
        %gather3A_319 = tpu.vector_load_idx %arg8[%get3A_318] : memref<10240xf32, #tpu.memory_space<vmem>>[vector<16xi32>], vector<16xf32>,
        %swap3A_320 = arith.constant 16 : index
        %swap3A_321 = tpu.vector_load %arg11[%swap3A_320] {strides = array<i32>} : memref<128xf32, #tpu.memory_space<vmem>>, vector<16xf32>,
        tpu.vector_store %arg11[%swap3A_320], %gather3A_319 {strides = array<i32>} : memref<128xf32, #tpu.memory_space<vmem>>, vector<16xf32>,
        %get3A_322 = arith.constant 1 : i32
        %get3A_323 = arith.index_cast %get3A_322 : i32 to index
        %get3A_324 = arith.constant 416 : index
        %get3A_325 = tpu.vector_load %arg9[%get3A_323, %get3A_324] {strides = array<i32>} : memref<2x512xi32, #tpu.memory_space<vmem>>, vector<16xi32>,
        %gather3A_326 = tpu.vector_load_idx %arg8[%get3A_325] : memref<10240xf32, #tpu.memory_space<vmem>>[vector<16xi32>], vector<16xf32>,
        %swap3A_327 = arith.constant 32 : index
        %swap3A_328 = tpu.vector_load %arg11[%swap3A_327] {strides = array<i32>} : memref<128xf32, #tpu.memory_space<vmem>>, vector<16xf32>,
        tpu.vector_store %arg11[%swap3A_327], %gather3A_326 {strides = array<i32>} : memref<128xf32, #tpu.memory_space<vmem>>, vector<16xf32>,
        %get3A_329 = arith.constant 1 : i32
        %get3A_330 = arith.index_cast %get3A_329 : i32 to index
        %get3A_331 = arith.constant 432 : index
        %get3A_332 = tpu.vector_load %arg9[%get3A_330, %get3A_331] {strides = array<i32>} : memref<2x512xi32, #tpu.memory_space<vmem>>, vector<16xi32>,
        %gather3A_333 = tpu.vector_load_idx %arg8[%get3A_332] : memref<10240xf32, #tpu.memory_space<vmem>>[vector<16xi32>], vector<16xf32>,
        %swap3A_334 = arith.constant 48 : index
        %swap3A_335 = tpu.vector_load %arg11[%swap3A_334] {strides = array<i32>} : memref<128xf32, #tpu.memory_space<vmem>>, vector<16xf32>,
        tpu.vector_store %arg11[%swap3A_334], %gather3A_333 {strides = array<i32>} : memref<128xf32, #tpu.memory_space<vmem>>, vector<16xf32>,
        %get3A_336 = arith.constant 1 : i32
        %get3A_337 = arith.index_cast %get3A_336 : i32 to index
        %get3A_338 = arith.constant 448 : index
        %get3A_339 = tpu.vector_load %arg9[%get3A_337, %get3A_338] {strides = array<i32>} : memref<2x512xi32, #tpu.memory_space<vmem>>, vector<16xi32>,
        %gather3A_340 = tpu.vector_load_idx %arg8[%get3A_339] : memref<10240xf32, #tpu.memory_space<vmem>>[vector<16xi32>], vector<16xf32>,
        %swap3A_341 = arith.constant 64 : index
        %swap3A_342 = tpu.vector_load %arg11[%swap3A_341] {strides = array<i32>} : memref<128xf32, #tpu.memory_space<vmem>>, vector<16xf32>,
        tpu.vector_store %arg11[%swap3A_341], %gather3A_340 {strides = array<i32>} : memref<128xf32, #tpu.memory_space<vmem>>, vector<16xf32>,
        %get3A_343 = arith.constant 1 : i32
        %get3A_344 = arith.index_cast %get3A_343 : i32 to index
        %get3A_345 = arith.constant 464 : index
        %get3A_346 = tpu.vector_load %arg9[%get3A_344, %get3A_345] {strides = array<i32>} : memref<2x512xi32, #tpu.memory_space<vmem>>, vector<16xi32>,
        %gather3A_347 = tpu.vector_load_idx %arg8[%get3A_346] : memref<10240xf32, #tpu.memory_space<vmem>>[vector<16xi32>], vector<16xf32>,
        %swap3A_348 = arith.constant 80 : index
        %swap3A_349 = tpu.vector_load %arg11[%swap3A_348] {strides = array<i32>} : memref<128xf32, #tpu.memory_space<vmem>>, vector<16xf32>,
        tpu.vector_store %arg11[%swap3A_348], %gather3A_347 {strides = array<i32>} : memref<128xf32, #tpu.memory_space<vmem>>, vector<16xf32>,
        %get3A_350 = arith.constant 1 : i32
        %get3A_351 = arith.index_cast %get3A_350 : i32 to index
        %get3A_352 = arith.constant 480 : index
        %get3A_353 = tpu.vector_load %arg9[%get3A_351, %get3A_352] {strides = array<i32>} : memref<2x512xi32, #tpu.memory_space<vmem>>, vector<16xi32>,
        %gather3A_354 = tpu.vector_load_idx %arg8[%get3A_353] : memref<10240xf32, #tpu.memory_space<vmem>>[vector<16xi32>], vector<16xf32>,
        %swap3A_355 = arith.constant 96 : index
        %swap3A_356 = tpu.vector_load %arg11[%swap3A_355] {strides = array<i32>} : memref<128xf32, #tpu.memory_space<vmem>>, vector<16xf32>,
        tpu.vector_store %arg11[%swap3A_355], %gather3A_354 {strides = array<i32>} : memref<128xf32, #tpu.memory_space<vmem>>, vector<16xf32>,
        %get3A_357 = arith.constant 1 : i32
        %get3A_358 = arith.index_cast %get3A_357 : i32 to index
        %get3A_359 = arith.constant 496 : index
        %get3A_360 = tpu.vector_load %arg9[%get3A_358, %get3A_359] {strides = array<i32>} : memref<2x512xi32, #tpu.memory_space<vmem>>, vector<16xi32>,
        %gather3A_361 = tpu.vector_load_idx %arg8[%get3A_360] : memref<10240xf32, #tpu.memory_space<vmem>>[vector<16xi32>], vector<16xf32>,
        %swap3A_362 = arith.constant 112 : index
        %swap3A_363 = tpu.vector_load %arg11[%swap3A_362] {strides = array<i32>} : memref<128xf32, #tpu.memory_space<vmem>>, vector<16xf32>,
        tpu.vector_store %arg11[%swap3A_362], %gather3A_361 {strides = array<i32>} : memref<128xf32, #tpu.memory_space<vmem>>, vector<16xf32>,
        %run_scoped3A_364 = arith.constant 1 : i32
        %run_scoped3A_365 = arith.constant 3 : i32
        "tpu.region"() ({
          %run_scoped3A_366 = tpu.sem_alloc : memref<!tpu.dma_semaphore, #tpu.memory_space<semaphore_mem>>
          %dma_start3A = arith.constant 0 : i32
          %dma_start3A_367 = tpu.memref_slice %arg10[%run_scoped3A_364, %run_scoped3A_365, %dma_start3A] : memref<2x4x128xi32, #tpu.memory_space<vmem>> -> memref<1x1x128xi32, #tpu.memory_space<vmem>>
          %dma_start3A_368 = tpu.memref_squeeze %dma_start3A_367 : memref<1x1x128xi32, #tpu.memory_space<vmem>> -> memref<128xi32, #tpu.memory_space<vmem>>
          %dma_start3A_369 = arith.constant 0 : i32
          %dma_start3A_370 = tpu.memref_slice %arg7[%dma_start3A_369] : memref<10240xf32, #tpu.memory_space<vmem_shared>> -> memref<10240xf32, #tpu.memory_space<vmem_shared>>
          tpu.enqueue_indirect_dma source(%arg11 : memref<128xf32, #tpu.memory_space<vmem>>) target(%dma_start3A_370 : memref<10240xf32, #tpu.memory_space<vmem_shared>>) offsets(%dma_start3A_368 : memref<128xi32, #tpu.memory_space<vmem>>) semaphore(%run_scoped3A_366 : memref<!tpu.dma_semaphore, #tpu.memory_space<semaphore_mem>>) {add = true}
          %dma_wait3A_371 = arith.constant 0 : i32
          %dma_wait3A_372 = tpu.memref_slice %arg10[%run_scoped3A_364, %run_scoped3A_365, %dma_wait3A_371] : memref<2x4x128xi32, #tpu.memory_space<vmem>> -> memref<1x1x128xi32, #tpu.memory_space<vmem>>
          %dma_wait3A_373 = tpu.memref_squeeze %dma_wait3A_372 : memref<1x1x128xi32, #tpu.memory_space<vmem>> -> memref<128xi32, #tpu.memory_space<vmem>>
          %dma_wait3A_374 = arith.constant 0 : i32
          %dma_wait3A_375 = tpu.memref_slice %arg7[%dma_wait3A_374] : memref<10240xf32, #tpu.memory_space<vmem_shared>> -> memref<10240xf32, #tpu.memory_space<vmem_shared>>
          tpu.wait_indirect_dma semaphore(%run_scoped3A_366 : memref<!tpu.dma_semaphore, #tpu.memory_space<semaphore_mem>>) src(%arg11 : memref<128xf32, #tpu.memory_space<vmem>>) dst(%dma_wait3A_375 : memref<10240xf32, #tpu.memory_space<vmem_shared>>)
          tpu.yield
        }) : () -> ()
      } else {
      }
    }
    %scan3A_11 = arith.constant 10 : i32
    %barrier3A_12 = arith.constant 0 : index
    tpu.barrier barrier_id(%barrier3A_12)
    %mul3A_13 = arith.constant 640 : i32
    %mul3A_14 = arith.muli %arg1, %mul3A_13 : i32
    %mul3A_15 = arith.constant 10240 : i32
    %mul3A_16 = arith.muli %arg0, %mul3A_15 : i32
    %mul3A_17 = arith.constant 640 : i32
    %mul3A_18 = arith.muli %arg1, %mul3A_17 : i32
    %add3A_19 = arith.addi %mul3A_16, %mul3A_18 : i32
    "tpu.region"() ({
      %run_scoped3A = tpu.sem_alloc : memref<!tpu.dma_semaphore, #tpu.memory_space<semaphore_mem>>
      %dma_start3A = tpu.memref_slice %arg6[%add3A_19] : memref<20480xf32, #tpu.memory_space<hbm>> -> memref<640xf32, #tpu.memory_space<hbm>>
      %dma_start3A_20 = tpu.memref_slice %arg7[%mul3A_14] : memref<10240xf32, #tpu.memory_space<vmem_shared>> -> memref<640xf32, #tpu.memory_space<vmem_shared>>
      tpu.enqueue_dma source(%dma_start3A_20 : memref<640xf32, #tpu.memory_space<vmem_shared>>) target(%dma_start3A : memref<640xf32, #tpu.memory_space<hbm>>) target_semaphore(%run_scoped3A : memref<!tpu.dma_semaphore, #tpu.memory_space<semaphore_mem>>)
      %dma_wait3A = tpu.memref_slice %arg6[%add3A_19] : memref<20480xf32, #tpu.memory_space<hbm>> -> memref<640xf32, #tpu.memory_space<hbm>>
      %dma_wait3A_21 = tpu.memref_slice %arg7[%mul3A_14] : memref<10240xf32, #tpu.memory_space<vmem_shared>> -> memref<640xf32, #tpu.memory_space<vmem_shared>>
      tpu.wait_dma2 semaphore(%run_scoped3A : memref<!tpu.dma_semaphore, #tpu.memory_space<semaphore_mem>>) src(%dma_wait3A_21 : memref<640xf32, #tpu.memory_space<vmem_shared>>) dst(%dma_wait3A : memref<640xf32, #tpu.memory_space<hbm>>)
      tpu.yield
    }) : () -> ()
    return
  }
}

#map = affine_map<(d0, d1) -> (0, 0)>
#map1 = affine_map<(d0, d1) -> (0)>
module attributes {stable_mosaic.version = 14 : i64} {
  func.func @_sc1_body(%arg0: i32, %arg1: i32, %arg2: memref<10240x128xf32, #tpu.memory_space<hbm>>, %arg3: memref<320000xi32, #tpu.memory_space<hbm>>, %arg4: memref<320000xi32, #tpu.memory_space<hbm>>, %arg5: memref<640x128xf32, #tpu.memory_space<hbm>>, %arg6: memref<10240xf32, #tpu.memory_space<hbm>>, %arg7: memref<20480x128xf32, #tpu.memory_space<hbm>>, %arg8: memref<327680xf32, #tpu.memory_space<hbm>>, %arg9: memref<10240x128xf32, #tpu.memory_space<vmem_shared>>, %arg10: memref<2x128xi32, #tpu.memory_space<vmem>>, %arg11: memref<4x128xi32, #tpu.memory_space<vmem>>, %arg12: memref<2x128x128xf32, #tpu.memory_space<vmem>>, %arg13: memref<10240xf32, #tpu.memory_space<vmem>>, %arg14: memref<2x!tpu.dma_semaphore, #tpu.memory_space<semaphore_mem>>, %arg15: memref<4x!tpu.dma_semaphore, #tpu.memory_space<semaphore_mem>>, %arg16: memref<2x!tpu.dma_semaphore, #tpu.memory_space<semaphore_mem>>, %arg17: memref<2x!tpu.dma_semaphore, #tpu.memory_space<semaphore_mem>>) attributes {dimension_semantics = [#tpu.dimension_semantics<core_parallel>, #tpu.dimension_semantics<subcore_parallel>], iteration_bounds = array<i64: 2, 16>, scalar_prefetch = 0 : i64, scratch_operands = 9 : i64, tpu.core_type = #tpu.core_type<sc_vector_subcore>, window_params = [{transform_indices = #map}, {transform_indices = #map1}, {transform_indices = #map1}, {transform_indices = #map}, {transform_indices = #map1}, {transform_indices = #map}, {transform_indices = #map1}]} {
    %mul3A = arith.constant 2 : i32
    %mul3A_0 = arith.muli %arg1, %mul3A : i32
    %add3A = arith.addi %mul3A_0, %arg0 : i32
    %broadcast_in_dim3A = arith.constant 1.000000e+00 : f32
    %broadcast_in_dim3A_1 = vector.broadcast %broadcast_in_dim3A : f32 to vector<16xf32>
    %mul3A_2 = arith.constant 640 : i32
    %mul3A_3 = arith.muli %arg1, %mul3A_2 : i32
    "tpu.region"() ({
      %run_scoped3A = tpu.sem_alloc : memref<!tpu.dma_semaphore, #tpu.memory_space<semaphore_mem>>
      %dma_start3A = arith.constant 0 : i32
      %dma_start3A_23 = tpu.memref_slice %arg9[%mul3A_3, %dma_start3A] : memref<10240x128xf32, #tpu.memory_space<vmem_shared>> -> memref<640x128xf32, #tpu.memory_space<vmem_shared>>
      tpu.enqueue_dma source(%arg5 : memref<640x128xf32, #tpu.memory_space<hbm>>) target(%dma_start3A_23 : memref<640x128xf32, #tpu.memory_space<vmem_shared>>) target_semaphore(%run_scoped3A : memref<!tpu.dma_semaphore, #tpu.memory_space<semaphore_mem>>)
      %dma_wait3A = arith.constant 0 : i32
      %dma_wait3A_24 = tpu.memref_slice %arg9[%mul3A_3, %dma_wait3A] : memref<10240x128xf32, #tpu.memory_space<vmem_shared>> -> memref<640x128xf32, #tpu.memory_space<vmem_shared>>
      tpu.wait_dma2 semaphore(%run_scoped3A : memref<!tpu.dma_semaphore, #tpu.memory_space<semaphore_mem>>) src(%arg5 : memref<640x128xf32, #tpu.memory_space<hbm>>) dst(%dma_wait3A_24 : memref<640x128xf32, #tpu.memory_space<vmem_shared>>)
      tpu.yield
    }) : () -> ()
    "tpu.region"() ({
      %run_scoped3A = tpu.sem_alloc : memref<!tpu.dma_semaphore, #tpu.memory_space<semaphore_mem>>
      tpu.enqueue_dma source(%arg6 : memref<10240xf32, #tpu.memory_space<hbm>>) target(%arg13 : memref<10240xf32, #tpu.memory_space<vmem>>) target_semaphore(%run_scoped3A : memref<!tpu.dma_semaphore, #tpu.memory_space<semaphore_mem>>)
      tpu.wait_dma2 semaphore(%run_scoped3A : memref<!tpu.dma_semaphore, #tpu.memory_space<semaphore_mem>>) src(%arg6 : memref<10240xf32, #tpu.memory_space<hbm>>) dst(%arg13 : memref<10240xf32, #tpu.memory_space<vmem>>)
      tpu.yield
    }) : () -> ()
    %barrier3A = arith.constant 0 : index
    tpu.barrier barrier_id(%barrier3A)
    %add3A_4 = arith.constant 0 : i32
    %add3A_5 = arith.addi %add3A_4, %add3A : i32
    %lt3A = arith.constant 2500 : i32
    %lt3A_6 = arith.cmpi slt, %add3A_5, %lt3A : i32
    %convert_element_type3A = arith.extui %lt3A_6 : i1 to i32
    %cond3A = arith.constant 0 : i32
    %cond3A_7 = arith.cmpi ne, %convert_element_type3A, %cond3A : i32
    scf.if %cond3A_7 {
      %add3A_23 = arith.constant 0 : i32
      %add3A_24 = arith.addi %add3A_23, %add3A : i32
      %mul3A_25 = arith.constant 128 : i32
      %mul3A_26 = arith.muli %add3A_24, %mul3A_25 : i32
      %dma_start3A = arith.constant 0 : i32
      %dma_start3A_27 = arith.constant 0 : i32
      %dma_start3A_28 = arith.constant 0 : i32
      %dma_start3A_29 = tpu.memref_slice %arg10[%dma_start3A, %dma_start3A_28] : memref<2x128xi32, #tpu.memory_space<vmem>> -> memref<1x128xi32, #tpu.memory_space<vmem>>
      %dma_start3A_30 = tpu.memref_squeeze %dma_start3A_29 : memref<1x128xi32, #tpu.memory_space<vmem>> -> memref<128xi32, #tpu.memory_space<vmem>>
      %dma_start3A_31 = tpu.memref_slice %arg3[%mul3A_26] : memref<320000xi32, #tpu.memory_space<hbm>> -> memref<128xi32, #tpu.memory_space<hbm>>
      %dma_start3A_32 = tpu.memref_slice %arg14[%dma_start3A_27] : memref<2x!tpu.dma_semaphore, #tpu.memory_space<semaphore_mem>> -> memref<1x!tpu.dma_semaphore, #tpu.memory_space<semaphore_mem>>
      %dma_start3A_33 = tpu.memref_squeeze %dma_start3A_32 : memref<1x!tpu.dma_semaphore, #tpu.memory_space<semaphore_mem>> -> memref<!tpu.dma_semaphore, #tpu.memory_space<semaphore_mem>>
      %dma_start3A_34 = arith.constant 0 : i32
      %dma_start3A_35 = tpu.memref_slice %arg10[%dma_start3A, %dma_start3A_34] : memref<2x128xi32, #tpu.memory_space<vmem>> -> memref<1x128xi32, #tpu.memory_space<vmem>>
      %dma_start3A_36 = tpu.memref_squeeze %dma_start3A_35 : memref<1x128xi32, #tpu.memory_space<vmem>> -> memref<128xi32, #tpu.memory_space<vmem>>
      %dma_start3A_37 = tpu.memref_slice %arg3[%mul3A_26] : memref<320000xi32, #tpu.memory_space<hbm>> -> memref<128xi32, #tpu.memory_space<hbm>>
      tpu.enqueue_dma source(%dma_start3A_37 : memref<128xi32, #tpu.memory_space<hbm>>) target(%dma_start3A_36 : memref<128xi32, #tpu.memory_space<vmem>>) target_semaphore(%dma_start3A_33 : memref<!tpu.dma_semaphore, #tpu.memory_space<semaphore_mem>>)
      %dma_start3A_38 = arith.constant 0 : i32
      %dma_start3A_39 = arith.constant 0 : i32
      %dma_start3A_40 = arith.constant 0 : i32
      %dma_start3A_41 = tpu.memref_slice %arg11[%dma_start3A_38, %dma_start3A_40] : memref<4x128xi32, #tpu.memory_space<vmem>> -> memref<1x128xi32, #tpu.memory_space<vmem>>
      %dma_start3A_42 = tpu.memref_squeeze %dma_start3A_41 : memref<1x128xi32, #tpu.memory_space<vmem>> -> memref<128xi32, #tpu.memory_space<vmem>>
      %dma_start3A_43 = tpu.memref_slice %arg4[%mul3A_26] : memref<320000xi32, #tpu.memory_space<hbm>> -> memref<128xi32, #tpu.memory_space<hbm>>
      %dma_start3A_44 = tpu.memref_slice %arg15[%dma_start3A_39] : memref<4x!tpu.dma_semaphore, #tpu.memory_space<semaphore_mem>> -> memref<1x!tpu.dma_semaphore, #tpu.memory_space<semaphore_mem>>
      %dma_start3A_45 = tpu.memref_squeeze %dma_start3A_44 : memref<1x!tpu.dma_semaphore, #tpu.memory_space<semaphore_mem>> -> memref<!tpu.dma_semaphore, #tpu.memory_space<semaphore_mem>>
      %dma_start3A_46 = arith.constant 0 : i32
      %dma_start3A_47 = tpu.memref_slice %arg11[%dma_start3A_38, %dma_start3A_46] : memref<4x128xi32, #tpu.memory_space<vmem>> -> memref<1x128xi32, #tpu.memory_space<vmem>>
      %dma_start3A_48 = tpu.memref_squeeze %dma_start3A_47 : memref<1x128xi32, #tpu.memory_space<vmem>> -> memref<128xi32, #tpu.memory_space<vmem>>
      %dma_start3A_49 = tpu.memref_slice %arg4[%mul3A_26] : memref<320000xi32, #tpu.memory_space<hbm>> -> memref<128xi32, #tpu.memory_space<hbm>>
      tpu.enqueue_dma source(%dma_start3A_49 : memref<128xi32, #tpu.memory_space<hbm>>) target(%dma_start3A_48 : memref<128xi32, #tpu.memory_space<vmem>>) target_semaphore(%dma_start3A_45 : memref<!tpu.dma_semaphore, #tpu.memory_space<semaphore_mem>>)
    } else {
    }
    %scan3A = arith.constant 0 : i32
    %scan3A_8 = arith.constant 0 : i32
    %scan3A_9 = arith.constant 21 : i32
    %scan3A_10 = arith.addi %scan3A_8, %scan3A_9 : i32
    %scan3A_11 = arith.constant 1 : i32
    scf.for %scan3A_23 = %scan3A_8 to %scan3A_10 step %scan3A_11  : i32 {
      %mul3A_24 = arith.constant 4 : i32
      %mul3A_25 = arith.muli %scan3A_23, %mul3A_24 : i32
      %add3A_26 = arith.constant 0 : i32
      %add3A_27 = arith.addi %mul3A_25, %add3A_26 : i32
      %ge3A = arith.constant 2 : i32
      %ge3A_28 = arith.cmpi sge, %add3A_27, %ge3A : i32
      %sub3A = arith.constant 2 : i32
      %sub3A_29 = arith.subi %add3A_27, %sub3A : i32
      %mul3A_30 = arith.constant 32 : i32
      %mul3A_31 = arith.muli %sub3A_29, %mul3A_30 : i32
      %add3A_32 = arith.addi %mul3A_31, %add3A : i32
      %lt3A_33 = arith.constant 2500 : i32
      %lt3A_34 = arith.cmpi slt, %add3A_32, %lt3A_33 : i32
      %and3A = arith.andi %ge3A_28, %lt3A_34 : i1
      %convert_element_type3A_35 = arith.extui %and3A : i1 to i32
      %cond3A_36 = arith.constant 0 : i32
      %cond3A_37 = arith.cmpi ne, %convert_element_type3A_35, %cond3A_36 : i32
      scf.if %cond3A_37 {
        %dma_wait3A = arith.constant 0 : i32
        %dma_wait3A_213 = arith.constant 2 : i32
        %dma_wait3A_214 = arith.constant 0 : i32
        %dma_wait3A_215 = arith.constant 0 : i32
        %dma_wait3A_216 = arith.constant 0 : i32
        %dma_wait3A_217 = tpu.memref_slice %arg12[%dma_wait3A, %dma_wait3A_215, %dma_wait3A_216] : memref<2x128x128xf32, #tpu.memory_space<vmem>> -> memref<1x128x128xf32, #tpu.memory_space<vmem>>
        %dma_wait3A_218 = tpu.memref_squeeze %dma_wait3A_217 : memref<1x128x128xf32, #tpu.memory_space<vmem>> -> memref<128x128xf32, #tpu.memory_space<vmem>>
        %dma_wait3A_219 = arith.constant 0 : i32
        %dma_wait3A_220 = tpu.memref_slice %arg11[%dma_wait3A_213, %dma_wait3A_219] : memref<4x128xi32, #tpu.memory_space<vmem>> -> memref<1x128xi32, #tpu.memory_space<vmem>>
        %dma_wait3A_221 = tpu.memref_squeeze %dma_wait3A_220 : memref<1x128xi32, #tpu.memory_space<vmem>> -> memref<128xi32, #tpu.memory_space<vmem>>
        %dma_wait3A_222 = arith.constant 0 : i32
        %dma_wait3A_223 = arith.constant 0 : i32
        %dma_wait3A_224 = tpu.memref_slice %arg9[%dma_wait3A_222, %dma_wait3A_223] : memref<10240x128xf32, #tpu.memory_space<vmem_shared>> -> memref<10240x128xf32, #tpu.memory_space<vmem_shared>>
        %dma_wait3A_225 = tpu.memref_slice %arg17[%dma_wait3A_214] : memref<2x!tpu.dma_semaphore, #tpu.memory_space<semaphore_mem>> -> memref<1x!tpu.dma_semaphore, #tpu.memory_space<semaphore_mem>>
        %dma_wait3A_226 = tpu.memref_squeeze %dma_wait3A_225 : memref<1x!tpu.dma_semaphore, #tpu.memory_space<semaphore_mem>> -> memref<!tpu.dma_semaphore, #tpu.memory_space<semaphore_mem>>
        tpu.wait_indirect_dma semaphore(%dma_wait3A_226 : memref<!tpu.dma_semaphore, #tpu.memory_space<semaphore_mem>>) src(%dma_wait3A_218 : memref<128x128xf32, #tpu.memory_space<vmem>>) dst(%dma_wait3A_224 : memref<10240x128xf32, #tpu.memory_space<vmem_shared>>)
      } else {
      }
      %mul3A_38 = arith.constant 32 : i32
      %mul3A_39 = arith.muli %add3A_27, %mul3A_38 : i32
      %add3A_40 = arith.addi %mul3A_39, %add3A : i32
      %lt3A_41 = arith.constant 2500 : i32
      %lt3A_42 = arith.cmpi slt, %add3A_40, %lt3A_41 : i32
      %convert_element_type3A_43 = arith.extui %lt3A_42 : i1 to i32
      %cond3A_44 = arith.constant 0 : i32
      %cond3A_45 = arith.cmpi ne, %convert_element_type3A_43, %cond3A_44 : i32
      scf.if %cond3A_45 {
        %dma_wait3A = arith.constant 0 : i32
        %dma_wait3A_213 = arith.constant 0 : i32
        %dma_wait3A_214 = arith.constant 0 : i32
        %dma_wait3A_215 = tpu.memref_slice %arg10[%dma_wait3A, %dma_wait3A_214] : memref<2x128xi32, #tpu.memory_space<vmem>> -> memref<1x128xi32, #tpu.memory_space<vmem>>
        %dma_wait3A_216 = tpu.memref_squeeze %dma_wait3A_215 : memref<1x128xi32, #tpu.memory_space<vmem>> -> memref<128xi32, #tpu.memory_space<vmem>>
        %dma_wait3A_217 = arith.constant 0 : i32
        %dma_wait3A_218 = tpu.memref_slice %arg3[%dma_wait3A_217] : memref<320000xi32, #tpu.memory_space<hbm>> -> memref<128xi32, #tpu.memory_space<hbm>>
        %dma_wait3A_219 = tpu.memref_slice %arg14[%dma_wait3A_213] : memref<2x!tpu.dma_semaphore, #tpu.memory_space<semaphore_mem>> -> memref<1x!tpu.dma_semaphore, #tpu.memory_space<semaphore_mem>>
        %dma_wait3A_220 = tpu.memref_squeeze %dma_wait3A_219 : memref<1x!tpu.dma_semaphore, #tpu.memory_space<semaphore_mem>> -> memref<!tpu.dma_semaphore, #tpu.memory_space<semaphore_mem>>
        %dma_wait3A_221 = arith.constant 0 : i32
        %dma_wait3A_222 = tpu.memref_slice %arg10[%dma_wait3A, %dma_wait3A_221] : memref<2x128xi32, #tpu.memory_space<vmem>> -> memref<1x128xi32, #tpu.memory_space<vmem>>
        %dma_wait3A_223 = tpu.memref_squeeze %dma_wait3A_222 : memref<1x128xi32, #tpu.memory_space<vmem>> -> memref<128xi32, #tpu.memory_space<vmem>>
        %dma_wait3A_224 = arith.constant 0 : i32
        %dma_wait3A_225 = tpu.memref_slice %arg3[%dma_wait3A_224] : memref<320000xi32, #tpu.memory_space<hbm>> -> memref<128xi32, #tpu.memory_space<hbm>>
        tpu.wait_dma2 semaphore(%dma_wait3A_220 : memref<!tpu.dma_semaphore, #tpu.memory_space<semaphore_mem>>) src(%dma_wait3A_225 : memref<128xi32, #tpu.memory_space<hbm>>) dst(%dma_wait3A_223 : memref<128xi32, #tpu.memory_space<vmem>>)
        %dma_start3A = arith.constant 0 : i32
        %dma_start3A_226 = arith.constant 0 : i32
        %dma_start3A_227 = arith.constant 0 : i32
        %dma_start3A_228 = arith.constant 0 : i32
        %dma_start3A_229 = arith.constant 0 : i32
        %dma_start3A_230 = tpu.memref_slice %arg12[%dma_start3A_226, %dma_start3A_228, %dma_start3A_229] : memref<2x128x128xf32, #tpu.memory_space<vmem>> -> memref<1x128x128xf32, #tpu.memory_space<vmem>>
        %dma_start3A_231 = tpu.memref_squeeze %dma_start3A_230 : memref<1x128x128xf32, #tpu.memory_space<vmem>> -> memref<128x128xf32, #tpu.memory_space<vmem>>
        %dma_start3A_232 = arith.constant 0 : i32
        %dma_start3A_233 = tpu.memref_slice %arg10[%dma_start3A, %dma_start3A_232] : memref<2x128xi32, #tpu.memory_space<vmem>> -> memref<1x128xi32, #tpu.memory_space<vmem>>
        %dma_start3A_234 = tpu.memref_squeeze %dma_start3A_233 : memref<1x128xi32, #tpu.memory_space<vmem>> -> memref<128xi32, #tpu.memory_space<vmem>>
        %dma_start3A_235 = arith.constant 0 : i32
        %dma_start3A_236 = arith.constant 0 : i32
        %dma_start3A_237 = tpu.memref_slice %arg2[%dma_start3A_235, %dma_start3A_236] : memref<10240x128xf32, #tpu.memory_space<hbm>> -> memref<10240x128xf32, #tpu.memory_space<hbm>>
        %dma_start3A_238 = tpu.memref_slice %arg16[%dma_start3A_227] : memref<2x!tpu.dma_semaphore, #tpu.memory_space<semaphore_mem>> -> memref<1x!tpu.dma_semaphore, #tpu.memory_space<semaphore_mem>>
        %dma_start3A_239 = tpu.memref_squeeze %dma_start3A_238 : memref<1x!tpu.dma_semaphore, #tpu.memory_space<semaphore_mem>> -> memref<!tpu.dma_semaphore, #tpu.memory_space<semaphore_mem>>
        tpu.enqueue_indirect_dma source(%dma_start3A_237 : memref<10240x128xf32, #tpu.memory_space<hbm>>) target(%dma_start3A_231 : memref<128x128xf32, #tpu.memory_space<vmem>>) offsets(%dma_start3A_234 : memref<128xi32, #tpu.memory_space<vmem>>) semaphore(%dma_start3A_239 : memref<!tpu.dma_semaphore, #tpu.memory_space<semaphore_mem>>)
      } else {
      }
      %ge3A_46 = arith.constant 1 : i32
      %ge3A_47 = arith.cmpi sge, %add3A_27, %ge3A_46 : i32
      %sub3A_48 = arith.constant 1 : i32
      %sub3A_49 = arith.subi %add3A_27, %sub3A_48 : i32
      %mul3A_50 = arith.constant 32 : i32
      %mul3A_51 = arith.muli %sub3A_49, %mul3A_50 : i32
      %add3A_52 = arith.addi %mul3A_51, %add3A : i32
      %lt3A_53 = arith.constant 2500 : i32
      %lt3A_54 = arith.cmpi slt, %add3A_52, %lt3A_53 : i32
      %and3A_55 = arith.andi %ge3A_47, %lt3A_54 : i1
      %convert_element_type3A_56 = arith.extui %and3A_55 : i1 to i32
      %cond3A_57 = arith.constant 0 : i32
      %cond3A_58 = arith.cmpi ne, %convert_element_type3A_56, %cond3A_57 : i32
      scf.if %cond3A_58 {
        %dma_wait3A = arith.constant 1 : i32
        %dma_wait3A_213 = arith.constant 1 : i32
        %dma_wait3A_214 = arith.constant 1 : i32
        %dma_wait3A_215 = arith.constant 0 : i32
        %dma_wait3A_216 = arith.constant 0 : i32
        %dma_wait3A_217 = tpu.memref_slice %arg12[%dma_wait3A_213, %dma_wait3A_215, %dma_wait3A_216] : memref<2x128x128xf32, #tpu.memory_space<vmem>> -> memref<1x128x128xf32, #tpu.memory_space<vmem>>
        %dma_wait3A_218 = tpu.memref_squeeze %dma_wait3A_217 : memref<1x128x128xf32, #tpu.memory_space<vmem>> -> memref<128x128xf32, #tpu.memory_space<vmem>>
        %dma_wait3A_219 = arith.constant 0 : i32
        %dma_wait3A_220 = tpu.memref_slice %arg10[%dma_wait3A, %dma_wait3A_219] : memref<2x128xi32, #tpu.memory_space<vmem>> -> memref<1x128xi32, #tpu.memory_space<vmem>>
        %dma_wait3A_221 = tpu.memref_squeeze %dma_wait3A_220 : memref<1x128xi32, #tpu.memory_space<vmem>> -> memref<128xi32, #tpu.memory_space<vmem>>
        %dma_wait3A_222 = arith.constant 0 : i32
        %dma_wait3A_223 = arith.constant 0 : i32
        %dma_wait3A_224 = tpu.memref_slice %arg2[%dma_wait3A_222, %dma_wait3A_223] : memref<10240x128xf32, #tpu.memory_space<hbm>> -> memref<10240x128xf32, #tpu.memory_space<hbm>>
        %dma_wait3A_225 = tpu.memref_slice %arg16[%dma_wait3A_214] : memref<2x!tpu.dma_semaphore, #tpu.memory_space<semaphore_mem>> -> memref<1x!tpu.dma_semaphore, #tpu.memory_space<semaphore_mem>>
        %dma_wait3A_226 = tpu.memref_squeeze %dma_wait3A_225 : memref<1x!tpu.dma_semaphore, #tpu.memory_space<semaphore_mem>> -> memref<!tpu.dma_semaphore, #tpu.memory_space<semaphore_mem>>
        tpu.wait_indirect_dma semaphore(%dma_wait3A_226 : memref<!tpu.dma_semaphore, #tpu.memory_space<semaphore_mem>>) src(%dma_wait3A_224 : memref<10240x128xf32, #tpu.memory_space<hbm>>) dst(%dma_wait3A_218 : memref<128x128xf32, #tpu.memory_space<vmem>>)
        %dma_wait3A_227 = arith.constant 3 : i32
        %dma_wait3A_228 = arith.constant 3 : i32
        %dma_wait3A_229 = arith.constant 0 : i32
        %dma_wait3A_230 = tpu.memref_slice %arg11[%dma_wait3A_227, %dma_wait3A_229] : memref<4x128xi32, #tpu.memory_space<vmem>> -> memref<1x128xi32, #tpu.memory_space<vmem>>
        %dma_wait3A_231 = tpu.memref_squeeze %dma_wait3A_230 : memref<1x128xi32, #tpu.memory_space<vmem>> -> memref<128xi32, #tpu.memory_space<vmem>>
        %dma_wait3A_232 = arith.constant 0 : i32
        %dma_wait3A_233 = tpu.memref_slice %arg4[%dma_wait3A_232] : memref<320000xi32, #tpu.memory_space<hbm>> -> memref<128xi32, #tpu.memory_space<hbm>>
        %dma_wait3A_234 = tpu.memref_slice %arg15[%dma_wait3A_228] : memref<4x!tpu.dma_semaphore, #tpu.memory_space<semaphore_mem>> -> memref<1x!tpu.dma_semaphore, #tpu.memory_space<semaphore_mem>>
        %dma_wait3A_235 = tpu.memref_squeeze %dma_wait3A_234 : memref<1x!tpu.dma_semaphore, #tpu.memory_space<semaphore_mem>> -> memref<!tpu.dma_semaphore, #tpu.memory_space<semaphore_mem>>
        %dma_wait3A_236 = arith.constant 0 : i32
        %dma_wait3A_237 = tpu.memref_slice %arg11[%dma_wait3A_227, %dma_wait3A_236] : memref<4x128xi32, #tpu.memory_space<vmem>> -> memref<1x128xi32, #tpu.memory_space<vmem>>
        %dma_wait3A_238 = tpu.memref_squeeze %dma_wait3A_237 : memref<1x128xi32, #tpu.memory_space<vmem>> -> memref<128xi32, #tpu.memory_space<vmem>>
        %dma_wait3A_239 = arith.constant 0 : i32
        %dma_wait3A_240 = tpu.memref_slice %arg4[%dma_wait3A_239] : memref<320000xi32, #tpu.memory_space<hbm>> -> memref<128xi32, #tpu.memory_space<hbm>>
        tpu.wait_dma2 semaphore(%dma_wait3A_235 : memref<!tpu.dma_semaphore, #tpu.memory_space<semaphore_mem>>) src(%dma_wait3A_240 : memref<128xi32, #tpu.memory_space<hbm>>) dst(%dma_wait3A_238 : memref<128xi32, #tpu.memory_space<vmem>>)
        %dma_start3A = arith.constant 1 : i32
        %dma_start3A_241 = arith.constant 3 : i32
        %dma_start3A_242 = arith.constant 1 : i32
        %dma_start3A_243 = arith.constant 0 : i32
        %dma_start3A_244 = arith.constant 0 : i32
        %dma_start3A_245 = tpu.memref_slice %arg12[%dma_start3A, %dma_start3A_243, %dma_start3A_244] : memref<2x128x128xf32, #tpu.memory_space<vmem>> -> memref<1x128x128xf32, #tpu.memory_space<vmem>>
        %dma_start3A_246 = tpu.memref_squeeze %dma_start3A_245 : memref<1x128x128xf32, #tpu.memory_space<vmem>> -> memref<128x128xf32, #tpu.memory_space<vmem>>
        %dma_start3A_247 = arith.constant 0 : i32
        %dma_start3A_248 = tpu.memref_slice %arg11[%dma_start3A_241, %dma_start3A_247] : memref<4x128xi32, #tpu.memory_space<vmem>> -> memref<1x128xi32, #tpu.memory_space<vmem>>
        %dma_start3A_249 = tpu.memref_squeeze %dma_start3A_248 : memref<1x128xi32, #tpu.memory_space<vmem>> -> memref<128xi32, #tpu.memory_space<vmem>>
        %dma_start3A_250 = arith.constant 0 : i32
        %dma_start3A_251 = arith.constant 0 : i32
        %dma_start3A_252 = tpu.memref_slice %arg9[%dma_start3A_250, %dma_start3A_251] : memref<10240x128xf32, #tpu.memory_space<vmem_shared>> -> memref<10240x128xf32, #tpu.memory_space<vmem_shared>>
        %dma_start3A_253 = tpu.memref_slice %arg17[%dma_start3A_242] : memref<2x!tpu.dma_semaphore, #tpu.memory_space<semaphore_mem>> -> memref<1x!tpu.dma_semaphore, #tpu.memory_space<semaphore_mem>>
        %dma_start3A_254 = tpu.memref_squeeze %dma_start3A_253 : memref<1x!tpu.dma_semaphore, #tpu.memory_space<semaphore_mem>> -> memref<!tpu.dma_semaphore, #tpu.memory_space<semaphore_mem>>
        tpu.enqueue_indirect_dma source(%dma_start3A_246 : memref<128x128xf32, #tpu.memory_space<vmem>>) target(%dma_start3A_252 : memref<10240x128xf32, #tpu.memory_space<vmem_shared>>) offsets(%dma_start3A_249 : memref<128xi32, #tpu.memory_space<vmem>>) semaphore(%dma_start3A_254 : memref<!tpu.dma_semaphore, #tpu.memory_space<semaphore_mem>>) {add = true}
        %get3A = arith.constant 3 : i32
        %get3A_255 = arith.index_cast %get3A : i32 to index
        %get3A_256 = arith.constant 0 : index
        %get3A_257 = tpu.vector_load %arg11[%get3A_255, %get3A_256] {strides = array<i32>} : memref<4x128xi32, #tpu.memory_space<vmem>>, vector<16xi32>,
        tpu.vector_store_idx %arg13[%get3A_257], %broadcast_in_dim3A_1 {add = true} : memref<10240xf32, #tpu.memory_space<vmem>>[vector<16xi32>], vector<16xf32>,
        %get3A_258 = arith.constant 3 : i32
        %get3A_259 = arith.index_cast %get3A_258 : i32 to index
        %get3A_260 = arith.constant 16 : index
        %get3A_261 = tpu.vector_load %arg11[%get3A_259, %get3A_260] {strides = array<i32>} : memref<4x128xi32, #tpu.memory_space<vmem>>, vector<16xi32>,
        tpu.vector_store_idx %arg13[%get3A_261], %broadcast_in_dim3A_1 {add = true} : memref<10240xf32, #tpu.memory_space<vmem>>[vector<16xi32>], vector<16xf32>,
        %get3A_262 = arith.constant 3 : i32
        %get3A_263 = arith.index_cast %get3A_262 : i32 to index
        %get3A_264 = arith.constant 32 : index
        %get3A_265 = tpu.vector_load %arg11[%get3A_263, %get3A_264] {strides = array<i32>} : memref<4x128xi32, #tpu.memory_space<vmem>>, vector<16xi32>,
        tpu.vector_store_idx %arg13[%get3A_265], %broadcast_in_dim3A_1 {add = true} : memref<10240xf32, #tpu.memory_space<vmem>>[vector<16xi32>], vector<16xf32>,
        %get3A_266 = arith.constant 3 : i32
        %get3A_267 = arith.index_cast %get3A_266 : i32 to index
        %get3A_268 = arith.constant 48 : index
        %get3A_269 = tpu.vector_load %arg11[%get3A_267, %get3A_268] {strides = array<i32>} : memref<4x128xi32, #tpu.memory_space<vmem>>, vector<16xi32>,
        tpu.vector_store_idx %arg13[%get3A_269], %broadcast_in_dim3A_1 {add = true} : memref<10240xf32, #tpu.memory_space<vmem>>[vector<16xi32>], vector<16xf32>,
        %get3A_270 = arith.constant 3 : i32
        %get3A_271 = arith.index_cast %get3A_270 : i32 to index
        %get3A_272 = arith.constant 64 : index
        %get3A_273 = tpu.vector_load %arg11[%get3A_271, %get3A_272] {strides = array<i32>} : memref<4x128xi32, #tpu.memory_space<vmem>>, vector<16xi32>,
        tpu.vector_store_idx %arg13[%get3A_273], %broadcast_in_dim3A_1 {add = true} : memref<10240xf32, #tpu.memory_space<vmem>>[vector<16xi32>], vector<16xf32>,
        %get3A_274 = arith.constant 3 : i32
        %get3A_275 = arith.index_cast %get3A_274 : i32 to index
        %get3A_276 = arith.constant 80 : index
        %get3A_277 = tpu.vector_load %arg11[%get3A_275, %get3A_276] {strides = array<i32>} : memref<4x128xi32, #tpu.memory_space<vmem>>, vector<16xi32>,
        tpu.vector_store_idx %arg13[%get3A_277], %broadcast_in_dim3A_1 {add = true} : memref<10240xf32, #tpu.memory_space<vmem>>[vector<16xi32>], vector<16xf32>,
        %get3A_278 = arith.constant 3 : i32
        %get3A_279 = arith.index_cast %get3A_278 : i32 to index
        %get3A_280 = arith.constant 96 : index
        %get3A_281 = tpu.vector_load %arg11[%get3A_279, %get3A_280] {strides = array<i32>} : memref<4x128xi32, #tpu.memory_space<vmem>>, vector<16xi32>,
        tpu.vector_store_idx %arg13[%get3A_281], %broadcast_in_dim3A_1 {add = true} : memref<10240xf32, #tpu.memory_space<vmem>>[vector<16xi32>], vector<16xf32>,
        %get3A_282 = arith.constant 3 : i32
        %get3A_283 = arith.index_cast %get3A_282 : i32 to index
        %get3A_284 = arith.constant 112 : index
        %get3A_285 = tpu.vector_load %arg11[%get3A_283, %get3A_284] {strides = array<i32>} : memref<4x128xi32, #tpu.memory_space<vmem>>, vector<16xi32>,
        tpu.vector_store_idx %arg13[%get3A_285], %broadcast_in_dim3A_1 {add = true} : memref<10240xf32, #tpu.memory_space<vmem>>[vector<16xi32>], vector<16xf32>,
      } else {
      }
      %add3A_59 = arith.constant 1 : i32
      %add3A_60 = arith.addi %add3A_27, %add3A_59 : i32
      %mul3A_61 = arith.constant 32 : i32
      %mul3A_62 = arith.muli %add3A_60, %mul3A_61 : i32
      %add3A_63 = arith.addi %mul3A_62, %add3A : i32
      %lt3A_64 = arith.constant 2500 : i32
      %lt3A_65 = arith.cmpi slt, %add3A_63, %lt3A_64 : i32
      %convert_element_type3A_66 = arith.extui %lt3A_65 : i1 to i32
      %cond3A_67 = arith.constant 0 : i32
      %cond3A_68 = arith.cmpi ne, %convert_element_type3A_66, %cond3A_67 : i32
      scf.if %cond3A_68 {
        %mul3A_213 = arith.constant 32 : i32
        %mul3A_214 = arith.muli %add3A_60, %mul3A_213 : i32
        %add3A_215 = arith.addi %mul3A_214, %add3A : i32
        %mul3A_216 = arith.constant 128 : i32
        %mul3A_217 = arith.muli %add3A_215, %mul3A_216 : i32
        %dma_start3A = arith.constant 1 : i32
        %dma_start3A_218 = arith.constant 1 : i32
        %dma_start3A_219 = arith.constant 0 : i32
        %dma_start3A_220 = tpu.memref_slice %arg10[%dma_start3A, %dma_start3A_219] : memref<2x128xi32, #tpu.memory_space<vmem>> -> memref<1x128xi32, #tpu.memory_space<vmem>>
        %dma_start3A_221 = tpu.memref_squeeze %dma_start3A_220 : memref<1x128xi32, #tpu.memory_space<vmem>> -> memref<128xi32, #tpu.memory_space<vmem>>
        %dma_start3A_222 = tpu.memref_slice %arg3[%mul3A_217] : memref<320000xi32, #tpu.memory_space<hbm>> -> memref<128xi32, #tpu.memory_space<hbm>>
        %dma_start3A_223 = tpu.memref_slice %arg14[%dma_start3A_218] : memref<2x!tpu.dma_semaphore, #tpu.memory_space<semaphore_mem>> -> memref<1x!tpu.dma_semaphore, #tpu.memory_space<semaphore_mem>>
        %dma_start3A_224 = tpu.memref_squeeze %dma_start3A_223 : memref<1x!tpu.dma_semaphore, #tpu.memory_space<semaphore_mem>> -> memref<!tpu.dma_semaphore, #tpu.memory_space<semaphore_mem>>
        %dma_start3A_225 = arith.constant 0 : i32
        %dma_start3A_226 = tpu.memref_slice %arg10[%dma_start3A, %dma_start3A_225] : memref<2x128xi32, #tpu.memory_space<vmem>> -> memref<1x128xi32, #tpu.memory_space<vmem>>
        %dma_start3A_227 = tpu.memref_squeeze %dma_start3A_226 : memref<1x128xi32, #tpu.memory_space<vmem>> -> memref<128xi32, #tpu.memory_space<vmem>>
        %dma_start3A_228 = tpu.memref_slice %arg3[%mul3A_217] : memref<320000xi32, #tpu.memory_space<hbm>> -> memref<128xi32, #tpu.memory_space<hbm>>
        tpu.enqueue_dma source(%dma_start3A_228 : memref<128xi32, #tpu.memory_space<hbm>>) target(%dma_start3A_227 : memref<128xi32, #tpu.memory_space<vmem>>) target_semaphore(%dma_start3A_224 : memref<!tpu.dma_semaphore, #tpu.memory_space<semaphore_mem>>)
        %dma_start3A_229 = arith.constant 1 : i32
        %dma_start3A_230 = arith.constant 1 : i32
        %dma_start3A_231 = arith.constant 0 : i32
        %dma_start3A_232 = tpu.memref_slice %arg11[%dma_start3A_229, %dma_start3A_231] : memref<4x128xi32, #tpu.memory_space<vmem>> -> memref<1x128xi32, #tpu.memory_space<vmem>>
        %dma_start3A_233 = tpu.memref_squeeze %dma_start3A_232 : memref<1x128xi32, #tpu.memory_space<vmem>> -> memref<128xi32, #tpu.memory_space<vmem>>
        %dma_start3A_234 = tpu.memref_slice %arg4[%mul3A_217] : memref<320000xi32, #tpu.memory_space<hbm>> -> memref<128xi32, #tpu.memory_space<hbm>>
        %dma_start3A_235 = tpu.memref_slice %arg15[%dma_start3A_230] : memref<4x!tpu.dma_semaphore, #tpu.memory_space<semaphore_mem>> -> memref<1x!tpu.dma_semaphore, #tpu.memory_space<semaphore_mem>>
        %dma_start3A_236 = tpu.memref_squeeze %dma_start3A_235 : memref<1x!tpu.dma_semaphore, #tpu.memory_space<semaphore_mem>> -> memref<!tpu.dma_semaphore, #tpu.memory_space<semaphore_mem>>
        %dma_start3A_237 = arith.constant 0 : i32
        %dma_start3A_238 = tpu.memref_slice %arg11[%dma_start3A_229, %dma_start3A_237] : memref<4x128xi32, #tpu.memory_space<vmem>> -> memref<1x128xi32, #tpu.memory_space<vmem>>
        %dma_start3A_239 = tpu.memref_squeeze %dma_start3A_238 : memref<1x128xi32, #tpu.memory_space<vmem>> -> memref<128xi32, #tpu.memory_space<vmem>>
        %dma_start3A_240 = tpu.memref_slice %arg4[%mul3A_217] : memref<320000xi32, #tpu.memory_space<hbm>> -> memref<128xi32, #tpu.memory_space<hbm>>
        tpu.enqueue_dma source(%dma_start3A_240 : memref<128xi32, #tpu.memory_space<hbm>>) target(%dma_start3A_239 : memref<128xi32, #tpu.memory_space<vmem>>) target_semaphore(%dma_start3A_236 : memref<!tpu.dma_semaphore, #tpu.memory_space<semaphore_mem>>)
      } else {
      }
      %mul3A_69 = arith.constant 4 : i32
      %mul3A_70 = arith.muli %scan3A_23, %mul3A_69 : i32
      %add3A_71 = arith.constant 1 : i32
      %add3A_72 = arith.addi %mul3A_70, %add3A_71 : i32
      %ge3A_73 = arith.constant 2 : i32
      %ge3A_74 = arith.cmpi sge, %add3A_72, %ge3A_73 : i32
      %sub3A_75 = arith.constant 2 : i32
      %sub3A_76 = arith.subi %add3A_72, %sub3A_75 : i32
      %mul3A_77 = arith.constant 32 : i32
      %mul3A_78 = arith.muli %sub3A_76, %mul3A_77 : i32
      %add3A_79 = arith.addi %mul3A_78, %add3A : i32
      %lt3A_80 = arith.constant 2500 : i32
      %lt3A_81 = arith.cmpi slt, %add3A_79, %lt3A_80 : i32
      %and3A_82 = arith.andi %ge3A_74, %lt3A_81 : i1
      %convert_element_type3A_83 = arith.extui %and3A_82 : i1 to i32
      %cond3A_84 = arith.constant 0 : i32
      %cond3A_85 = arith.cmpi ne, %convert_element_type3A_83, %cond3A_84 : i32
      scf.if %cond3A_85 {
        %dma_wait3A = arith.constant 1 : i32
        %dma_wait3A_213 = arith.constant 3 : i32
        %dma_wait3A_214 = arith.constant 1 : i32
        %dma_wait3A_215 = arith.constant 0 : i32
        %dma_wait3A_216 = arith.constant 0 : i32
        %dma_wait3A_217 = tpu.memref_slice %arg12[%dma_wait3A, %dma_wait3A_215, %dma_wait3A_216] : memref<2x128x128xf32, #tpu.memory_space<vmem>> -> memref<1x128x128xf32, #tpu.memory_space<vmem>>
        %dma_wait3A_218 = tpu.memref_squeeze %dma_wait3A_217 : memref<1x128x128xf32, #tpu.memory_space<vmem>> -> memref<128x128xf32, #tpu.memory_space<vmem>>
        %dma_wait3A_219 = arith.constant 0 : i32
        %dma_wait3A_220 = tpu.memref_slice %arg11[%dma_wait3A_213, %dma_wait3A_219] : memref<4x128xi32, #tpu.memory_space<vmem>> -> memref<1x128xi32, #tpu.memory_space<vmem>>
        %dma_wait3A_221 = tpu.memref_squeeze %dma_wait3A_220 : memref<1x128xi32, #tpu.memory_space<vmem>> -> memref<128xi32, #tpu.memory_space<vmem>>
        %dma_wait3A_222 = arith.constant 0 : i32
        %dma_wait3A_223 = arith.constant 0 : i32
        %dma_wait3A_224 = tpu.memref_slice %arg9[%dma_wait3A_222, %dma_wait3A_223] : memref<10240x128xf32, #tpu.memory_space<vmem_shared>> -> memref<10240x128xf32, #tpu.memory_space<vmem_shared>>
        %dma_wait3A_225 = tpu.memref_slice %arg17[%dma_wait3A_214] : memref<2x!tpu.dma_semaphore, #tpu.memory_space<semaphore_mem>> -> memref<1x!tpu.dma_semaphore, #tpu.memory_space<semaphore_mem>>
        %dma_wait3A_226 = tpu.memref_squeeze %dma_wait3A_225 : memref<1x!tpu.dma_semaphore, #tpu.memory_space<semaphore_mem>> -> memref<!tpu.dma_semaphore, #tpu.memory_space<semaphore_mem>>
        tpu.wait_indirect_dma semaphore(%dma_wait3A_226 : memref<!tpu.dma_semaphore, #tpu.memory_space<semaphore_mem>>) src(%dma_wait3A_218 : memref<128x128xf32, #tpu.memory_space<vmem>>) dst(%dma_wait3A_224 : memref<10240x128xf32, #tpu.memory_space<vmem_shared>>)
      } else {
      }
      %mul3A_86 = arith.constant 32 : i32
      %mul3A_87 = arith.muli %add3A_72, %mul3A_86 : i32
      %add3A_88 = arith.addi %mul3A_87, %add3A : i32
      %lt3A_89 = arith.constant 2500 : i32
      %lt3A_90 = arith.cmpi slt, %add3A_88, %lt3A_89 : i32
      %convert_element_type3A_91 = arith.extui %lt3A_90 : i1 to i32
      %cond3A_92 = arith.constant 0 : i32
      %cond3A_93 = arith.cmpi ne, %convert_element_type3A_91, %cond3A_92 : i32
      scf.if %cond3A_93 {
        %dma_wait3A = arith.constant 1 : i32
        %dma_wait3A_213 = arith.constant 1 : i32
        %dma_wait3A_214 = arith.constant 0 : i32
        %dma_wait3A_215 = tpu.memref_slice %arg10[%dma_wait3A, %dma_wait3A_214] : memref<2x128xi32, #tpu.memory_space<vmem>> -> memref<1x128xi32, #tpu.memory_space<vmem>>
        %dma_wait3A_216 = tpu.memref_squeeze %dma_wait3A_215 : memref<1x128xi32, #tpu.memory_space<vmem>> -> memref<128xi32, #tpu.memory_space<vmem>>
        %dma_wait3A_217 = arith.constant 0 : i32
        %dma_wait3A_218 = tpu.memref_slice %arg3[%dma_wait3A_217] : memref<320000xi32, #tpu.memory_space<hbm>> -> memref<128xi32, #tpu.memory_space<hbm>>
        %dma_wait3A_219 = tpu.memref_slice %arg14[%dma_wait3A_213] : memref<2x!tpu.dma_semaphore, #tpu.memory_space<semaphore_mem>> -> memref<1x!tpu.dma_semaphore, #tpu.memory_space<semaphore_mem>>
        %dma_wait3A_220 = tpu.memref_squeeze %dma_wait3A_219 : memref<1x!tpu.dma_semaphore, #tpu.memory_space<semaphore_mem>> -> memref<!tpu.dma_semaphore, #tpu.memory_space<semaphore_mem>>
        %dma_wait3A_221 = arith.constant 0 : i32
        %dma_wait3A_222 = tpu.memref_slice %arg10[%dma_wait3A, %dma_wait3A_221] : memref<2x128xi32, #tpu.memory_space<vmem>> -> memref<1x128xi32, #tpu.memory_space<vmem>>
        %dma_wait3A_223 = tpu.memref_squeeze %dma_wait3A_222 : memref<1x128xi32, #tpu.memory_space<vmem>> -> memref<128xi32, #tpu.memory_space<vmem>>
        %dma_wait3A_224 = arith.constant 0 : i32
        %dma_wait3A_225 = tpu.memref_slice %arg3[%dma_wait3A_224] : memref<320000xi32, #tpu.memory_space<hbm>> -> memref<128xi32, #tpu.memory_space<hbm>>
        tpu.wait_dma2 semaphore(%dma_wait3A_220 : memref<!tpu.dma_semaphore, #tpu.memory_space<semaphore_mem>>) src(%dma_wait3A_225 : memref<128xi32, #tpu.memory_space<hbm>>) dst(%dma_wait3A_223 : memref<128xi32, #tpu.memory_space<vmem>>)
        %dma_start3A = arith.constant 1 : i32
        %dma_start3A_226 = arith.constant 1 : i32
        %dma_start3A_227 = arith.constant 1 : i32
        %dma_start3A_228 = arith.constant 0 : i32
        %dma_start3A_229 = arith.constant 0 : i32
        %dma_start3A_230 = tpu.memref_slice %arg12[%dma_start3A_226, %dma_start3A_228, %dma_start3A_229] : memref<2x128x128xf32, #tpu.memory_space<vmem>> -> memref<1x128x128xf32, #tpu.memory_space<vmem>>
        %dma_start3A_231 = tpu.memref_squeeze %dma_start3A_230 : memref<1x128x128xf32, #tpu.memory_space<vmem>> -> memref<128x128xf32, #tpu.memory_space<vmem>>
        %dma_start3A_232 = arith.constant 0 : i32
        %dma_start3A_233 = tpu.memref_slice %arg10[%dma_start3A, %dma_start3A_232] : memref<2x128xi32, #tpu.memory_space<vmem>> -> memref<1x128xi32, #tpu.memory_space<vmem>>
        %dma_start3A_234 = tpu.memref_squeeze %dma_start3A_233 : memref<1x128xi32, #tpu.memory_space<vmem>> -> memref<128xi32, #tpu.memory_space<vmem>>
        %dma_start3A_235 = arith.constant 0 : i32
        %dma_start3A_236 = arith.constant 0 : i32
        %dma_start3A_237 = tpu.memref_slice %arg2[%dma_start3A_235, %dma_start3A_236] : memref<10240x128xf32, #tpu.memory_space<hbm>> -> memref<10240x128xf32, #tpu.memory_space<hbm>>
        %dma_start3A_238 = tpu.memref_slice %arg16[%dma_start3A_227] : memref<2x!tpu.dma_semaphore, #tpu.memory_space<semaphore_mem>> -> memref<1x!tpu.dma_semaphore, #tpu.memory_space<semaphore_mem>>
        %dma_start3A_239 = tpu.memref_squeeze %dma_start3A_238 : memref<1x!tpu.dma_semaphore, #tpu.memory_space<semaphore_mem>> -> memref<!tpu.dma_semaphore, #tpu.memory_space<semaphore_mem>>
        tpu.enqueue_indirect_dma source(%dma_start3A_237 : memref<10240x128xf32, #tpu.memory_space<hbm>>) target(%dma_start3A_231 : memref<128x128xf32, #tpu.memory_space<vmem>>) offsets(%dma_start3A_234 : memref<128xi32, #tpu.memory_space<vmem>>) semaphore(%dma_start3A_239 : memref<!tpu.dma_semaphore, #tpu.memory_space<semaphore_mem>>)
      } else {
      }
      %ge3A_94 = arith.constant 1 : i32
      %ge3A_95 = arith.cmpi sge, %add3A_72, %ge3A_94 : i32
      %sub3A_96 = arith.constant 1 : i32
      %sub3A_97 = arith.subi %add3A_72, %sub3A_96 : i32
      %mul3A_98 = arith.constant 32 : i32
      %mul3A_99 = arith.muli %sub3A_97, %mul3A_98 : i32
      %add3A_100 = arith.addi %mul3A_99, %add3A : i32
      %lt3A_101 = arith.constant 2500 : i32
      %lt3A_102 = arith.cmpi slt, %add3A_100, %lt3A_101 : i32
      %and3A_103 = arith.andi %ge3A_95, %lt3A_102 : i1
      %convert_element_type3A_104 = arith.extui %and3A_103 : i1 to i32
      %cond3A_105 = arith.constant 0 : i32
      %cond3A_106 = arith.cmpi ne, %convert_element_type3A_104, %cond3A_105 : i32
      scf.if %cond3A_106 {
        %dma_wait3A = arith.constant 0 : i32
        %dma_wait3A_213 = arith.constant 0 : i32
        %dma_wait3A_214 = arith.constant 0 : i32
        %dma_wait3A_215 = arith.constant 0 : i32
        %dma_wait3A_216 = arith.constant 0 : i32
        %dma_wait3A_217 = tpu.memref_slice %arg12[%dma_wait3A_213, %dma_wait3A_215, %dma_wait3A_216] : memref<2x128x128xf32, #tpu.memory_space<vmem>> -> memref<1x128x128xf32, #tpu.memory_space<vmem>>
        %dma_wait3A_218 = tpu.memref_squeeze %dma_wait3A_217 : memref<1x128x128xf32, #tpu.memory_space<vmem>> -> memref<128x128xf32, #tpu.memory_space<vmem>>
        %dma_wait3A_219 = arith.constant 0 : i32
        %dma_wait3A_220 = tpu.memref_slice %arg10[%dma_wait3A, %dma_wait3A_219] : memref<2x128xi32, #tpu.memory_space<vmem>> -> memref<1x128xi32, #tpu.memory_space<vmem>>
        %dma_wait3A_221 = tpu.memref_squeeze %dma_wait3A_220 : memref<1x128xi32, #tpu.memory_space<vmem>> -> memref<128xi32, #tpu.memory_space<vmem>>
        %dma_wait3A_222 = arith.constant 0 : i32
        %dma_wait3A_223 = arith.constant 0 : i32
        %dma_wait3A_224 = tpu.memref_slice %arg2[%dma_wait3A_222, %dma_wait3A_223] : memref<10240x128xf32, #tpu.memory_space<hbm>> -> memref<10240x128xf32, #tpu.memory_space<hbm>>
        %dma_wait3A_225 = tpu.memref_slice %arg16[%dma_wait3A_214] : memref<2x!tpu.dma_semaphore, #tpu.memory_space<semaphore_mem>> -> memref<1x!tpu.dma_semaphore, #tpu.memory_space<semaphore_mem>>
        %dma_wait3A_226 = tpu.memref_squeeze %dma_wait3A_225 : memref<1x!tpu.dma_semaphore, #tpu.memory_space<semaphore_mem>> -> memref<!tpu.dma_semaphore, #tpu.memory_space<semaphore_mem>>
        tpu.wait_indirect_dma semaphore(%dma_wait3A_226 : memref<!tpu.dma_semaphore, #tpu.memory_space<semaphore_mem>>) src(%dma_wait3A_224 : memref<10240x128xf32, #tpu.memory_space<hbm>>) dst(%dma_wait3A_218 : memref<128x128xf32, #tpu.memory_space<vmem>>)
        %dma_wait3A_227 = arith.constant 0 : i32
        %dma_wait3A_228 = arith.constant 0 : i32
        %dma_wait3A_229 = arith.constant 0 : i32
        %dma_wait3A_230 = tpu.memref_slice %arg11[%dma_wait3A_227, %dma_wait3A_229] : memref<4x128xi32, #tpu.memory_space<vmem>> -> memref<1x128xi32, #tpu.memory_space<vmem>>
        %dma_wait3A_231 = tpu.memref_squeeze %dma_wait3A_230 : memref<1x128xi32, #tpu.memory_space<vmem>> -> memref<128xi32, #tpu.memory_space<vmem>>
        %dma_wait3A_232 = arith.constant 0 : i32
        %dma_wait3A_233 = tpu.memref_slice %arg4[%dma_wait3A_232] : memref<320000xi32, #tpu.memory_space<hbm>> -> memref<128xi32, #tpu.memory_space<hbm>>
        %dma_wait3A_234 = tpu.memref_slice %arg15[%dma_wait3A_228] : memref<4x!tpu.dma_semaphore, #tpu.memory_space<semaphore_mem>> -> memref<1x!tpu.dma_semaphore, #tpu.memory_space<semaphore_mem>>
        %dma_wait3A_235 = tpu.memref_squeeze %dma_wait3A_234 : memref<1x!tpu.dma_semaphore, #tpu.memory_space<semaphore_mem>> -> memref<!tpu.dma_semaphore, #tpu.memory_space<semaphore_mem>>
        %dma_wait3A_236 = arith.constant 0 : i32
        %dma_wait3A_237 = tpu.memref_slice %arg11[%dma_wait3A_227, %dma_wait3A_236] : memref<4x128xi32, #tpu.memory_space<vmem>> -> memref<1x128xi32, #tpu.memory_space<vmem>>
        %dma_wait3A_238 = tpu.memref_squeeze %dma_wait3A_237 : memref<1x128xi32, #tpu.memory_space<vmem>> -> memref<128xi32, #tpu.memory_space<vmem>>
        %dma_wait3A_239 = arith.constant 0 : i32
        %dma_wait3A_240 = tpu.memref_slice %arg4[%dma_wait3A_239] : memref<320000xi32, #tpu.memory_space<hbm>> -> memref<128xi32, #tpu.memory_space<hbm>>
        tpu.wait_dma2 semaphore(%dma_wait3A_235 : memref<!tpu.dma_semaphore, #tpu.memory_space<semaphore_mem>>) src(%dma_wait3A_240 : memref<128xi32, #tpu.memory_space<hbm>>) dst(%dma_wait3A_238 : memref<128xi32, #tpu.memory_space<vmem>>)
        %dma_start3A = arith.constant 0 : i32
        %dma_start3A_241 = arith.constant 0 : i32
        %dma_start3A_242 = arith.constant 0 : i32
        %dma_start3A_243 = arith.constant 0 : i32
        %dma_start3A_244 = arith.constant 0 : i32
        %dma_start3A_245 = tpu.memref_slice %arg12[%dma_start3A, %dma_start3A_243, %dma_start3A_244] : memref<2x128x128xf32, #tpu.memory_space<vmem>> -> memref<1x128x128xf32, #tpu.memory_space<vmem>>
        %dma_start3A_246 = tpu.memref_squeeze %dma_start3A_245 : memref<1x128x128xf32, #tpu.memory_space<vmem>> -> memref<128x128xf32, #tpu.memory_space<vmem>>
        %dma_start3A_247 = arith.constant 0 : i32
        %dma_start3A_248 = tpu.memref_slice %arg11[%dma_start3A_241, %dma_start3A_247] : memref<4x128xi32, #tpu.memory_space<vmem>> -> memref<1x128xi32, #tpu.memory_space<vmem>>
        %dma_start3A_249 = tpu.memref_squeeze %dma_start3A_248 : memref<1x128xi32, #tpu.memory_space<vmem>> -> memref<128xi32, #tpu.memory_space<vmem>>
        %dma_start3A_250 = arith.constant 0 : i32
        %dma_start3A_251 = arith.constant 0 : i32
        %dma_start3A_252 = tpu.memref_slice %arg9[%dma_start3A_250, %dma_start3A_251] : memref<10240x128xf32, #tpu.memory_space<vmem_shared>> -> memref<10240x128xf32, #tpu.memory_space<vmem_shared>>
        %dma_start3A_253 = tpu.memref_slice %arg17[%dma_start3A_242] : memref<2x!tpu.dma_semaphore, #tpu.memory_space<semaphore_mem>> -> memref<1x!tpu.dma_semaphore, #tpu.memory_space<semaphore_mem>>
        %dma_start3A_254 = tpu.memref_squeeze %dma_start3A_253 : memref<1x!tpu.dma_semaphore, #tpu.memory_space<semaphore_mem>> -> memref<!tpu.dma_semaphore, #tpu.memory_space<semaphore_mem>>
        tpu.enqueue_indirect_dma source(%dma_start3A_246 : memref<128x128xf32, #tpu.memory_space<vmem>>) target(%dma_start3A_252 : memref<10240x128xf32, #tpu.memory_space<vmem_shared>>) offsets(%dma_start3A_249 : memref<128xi32, #tpu.memory_space<vmem>>) semaphore(%dma_start3A_254 : memref<!tpu.dma_semaphore, #tpu.memory_space<semaphore_mem>>) {add = true}
        %get3A = arith.constant 0 : i32
        %get3A_255 = arith.index_cast %get3A : i32 to index
        %get3A_256 = arith.constant 0 : index
        %get3A_257 = tpu.vector_load %arg11[%get3A_255, %get3A_256] {strides = array<i32>} : memref<4x128xi32, #tpu.memory_space<vmem>>, vector<16xi32>,
        tpu.vector_store_idx %arg13[%get3A_257], %broadcast_in_dim3A_1 {add = true} : memref<10240xf32, #tpu.memory_space<vmem>>[vector<16xi32>], vector<16xf32>,
        %get3A_258 = arith.constant 0 : i32
        %get3A_259 = arith.index_cast %get3A_258 : i32 to index
        %get3A_260 = arith.constant 16 : index
        %get3A_261 = tpu.vector_load %arg11[%get3A_259, %get3A_260] {strides = array<i32>} : memref<4x128xi32, #tpu.memory_space<vmem>>, vector<16xi32>,
        tpu.vector_store_idx %arg13[%get3A_261], %broadcast_in_dim3A_1 {add = true} : memref<10240xf32, #tpu.memory_space<vmem>>[vector<16xi32>], vector<16xf32>,
        %get3A_262 = arith.constant 0 : i32
        %get3A_263 = arith.index_cast %get3A_262 : i32 to index
        %get3A_264 = arith.constant 32 : index
        %get3A_265 = tpu.vector_load %arg11[%get3A_263, %get3A_264] {strides = array<i32>} : memref<4x128xi32, #tpu.memory_space<vmem>>, vector<16xi32>,
        tpu.vector_store_idx %arg13[%get3A_265], %broadcast_in_dim3A_1 {add = true} : memref<10240xf32, #tpu.memory_space<vmem>>[vector<16xi32>], vector<16xf32>,
        %get3A_266 = arith.constant 0 : i32
        %get3A_267 = arith.index_cast %get3A_266 : i32 to index
        %get3A_268 = arith.constant 48 : index
        %get3A_269 = tpu.vector_load %arg11[%get3A_267, %get3A_268] {strides = array<i32>} : memref<4x128xi32, #tpu.memory_space<vmem>>, vector<16xi32>,
        tpu.vector_store_idx %arg13[%get3A_269], %broadcast_in_dim3A_1 {add = true} : memref<10240xf32, #tpu.memory_space<vmem>>[vector<16xi32>], vector<16xf32>,
        %get3A_270 = arith.constant 0 : i32
        %get3A_271 = arith.index_cast %get3A_270 : i32 to index
        %get3A_272 = arith.constant 64 : index
        %get3A_273 = tpu.vector_load %arg11[%get3A_271, %get3A_272] {strides = array<i32>} : memref<4x128xi32, #tpu.memory_space<vmem>>, vector<16xi32>,
        tpu.vector_store_idx %arg13[%get3A_273], %broadcast_in_dim3A_1 {add = true} : memref<10240xf32, #tpu.memory_space<vmem>>[vector<16xi32>], vector<16xf32>,
        %get3A_274 = arith.constant 0 : i32
        %get3A_275 = arith.index_cast %get3A_274 : i32 to index
        %get3A_276 = arith.constant 80 : index
        %get3A_277 = tpu.vector_load %arg11[%get3A_275, %get3A_276] {strides = array<i32>} : memref<4x128xi32, #tpu.memory_space<vmem>>, vector<16xi32>,
        tpu.vector_store_idx %arg13[%get3A_277], %broadcast_in_dim3A_1 {add = true} : memref<10240xf32, #tpu.memory_space<vmem>>[vector<16xi32>], vector<16xf32>,
        %get3A_278 = arith.constant 0 : i32
        %get3A_279 = arith.index_cast %get3A_278 : i32 to index
        %get3A_280 = arith.constant 96 : index
        %get3A_281 = tpu.vector_load %arg11[%get3A_279, %get3A_280] {strides = array<i32>} : memref<4x128xi32, #tpu.memory_space<vmem>>, vector<16xi32>,
        tpu.vector_store_idx %arg13[%get3A_281], %broadcast_in_dim3A_1 {add = true} : memref<10240xf32, #tpu.memory_space<vmem>>[vector<16xi32>], vector<16xf32>,
        %get3A_282 = arith.constant 0 : i32
        %get3A_283 = arith.index_cast %get3A_282 : i32 to index
        %get3A_284 = arith.constant 112 : index
        %get3A_285 = tpu.vector_load %arg11[%get3A_283, %get3A_284] {strides = array<i32>} : memref<4x128xi32, #tpu.memory_space<vmem>>, vector<16xi32>,
        tpu.vector_store_idx %arg13[%get3A_285], %broadcast_in_dim3A_1 {add = true} : memref<10240xf32, #tpu.memory_space<vmem>>[vector<16xi32>], vector<16xf32>,
      } else {
      }
      %add3A_107 = arith.constant 1 : i32
      %add3A_108 = arith.addi %add3A_72, %add3A_107 : i32
      %mul3A_109 = arith.constant 32 : i32
      %mul3A_110 = arith.muli %add3A_108, %mul3A_109 : i32
      %add3A_111 = arith.addi %mul3A_110, %add3A : i32
      %lt3A_112 = arith.constant 2500 : i32
      %lt3A_113 = arith.cmpi slt, %add3A_111, %lt3A_112 : i32
      %convert_element_type3A_114 = arith.extui %lt3A_113 : i1 to i32
      %cond3A_115 = arith.constant 0 : i32
      %cond3A_116 = arith.cmpi ne, %convert_element_type3A_114, %cond3A_115 : i32
      scf.if %cond3A_116 {
        %mul3A_213 = arith.constant 32 : i32
        %mul3A_214 = arith.muli %add3A_108, %mul3A_213 : i32
        %add3A_215 = arith.addi %mul3A_214, %add3A : i32
        %mul3A_216 = arith.constant 128 : i32
        %mul3A_217 = arith.muli %add3A_215, %mul3A_216 : i32
        %dma_start3A = arith.constant 0 : i32
        %dma_start3A_218 = arith.constant 0 : i32
        %dma_start3A_219 = arith.constant 0 : i32
        %dma_start3A_220 = tpu.memref_slice %arg10[%dma_start3A, %dma_start3A_219] : memref<2x128xi32, #tpu.memory_space<vmem>> -> memref<1x128xi32, #tpu.memory_space<vmem>>
        %dma_start3A_221 = tpu.memref_squeeze %dma_start3A_220 : memref<1x128xi32, #tpu.memory_space<vmem>> -> memref<128xi32, #tpu.memory_space<vmem>>
        %dma_start3A_222 = tpu.memref_slice %arg3[%mul3A_217] : memref<320000xi32, #tpu.memory_space<hbm>> -> memref<128xi32, #tpu.memory_space<hbm>>
        %dma_start3A_223 = tpu.memref_slice %arg14[%dma_start3A_218] : memref<2x!tpu.dma_semaphore, #tpu.memory_space<semaphore_mem>> -> memref<1x!tpu.dma_semaphore, #tpu.memory_space<semaphore_mem>>
        %dma_start3A_224 = tpu.memref_squeeze %dma_start3A_223 : memref<1x!tpu.dma_semaphore, #tpu.memory_space<semaphore_mem>> -> memref<!tpu.dma_semaphore, #tpu.memory_space<semaphore_mem>>
        %dma_start3A_225 = arith.constant 0 : i32
        %dma_start3A_226 = tpu.memref_slice %arg10[%dma_start3A, %dma_start3A_225] : memref<2x128xi32, #tpu.memory_space<vmem>> -> memref<1x128xi32, #tpu.memory_space<vmem>>
        %dma_start3A_227 = tpu.memref_squeeze %dma_start3A_226 : memref<1x128xi32, #tpu.memory_space<vmem>> -> memref<128xi32, #tpu.memory_space<vmem>>
        %dma_start3A_228 = tpu.memref_slice %arg3[%mul3A_217] : memref<320000xi32, #tpu.memory_space<hbm>> -> memref<128xi32, #tpu.memory_space<hbm>>
        tpu.enqueue_dma source(%dma_start3A_228 : memref<128xi32, #tpu.memory_space<hbm>>) target(%dma_start3A_227 : memref<128xi32, #tpu.memory_space<vmem>>) target_semaphore(%dma_start3A_224 : memref<!tpu.dma_semaphore, #tpu.memory_space<semaphore_mem>>)
        %dma_start3A_229 = arith.constant 2 : i32
        %dma_start3A_230 = arith.constant 2 : i32
        %dma_start3A_231 = arith.constant 0 : i32
        %dma_start3A_232 = tpu.memref_slice %arg11[%dma_start3A_229, %dma_start3A_231] : memref<4x128xi32, #tpu.memory_space<vmem>> -> memref<1x128xi32, #tpu.memory_space<vmem>>
        %dma_start3A_233 = tpu.memref_squeeze %dma_start3A_232 : memref<1x128xi32, #tpu.memory_space<vmem>> -> memref<128xi32, #tpu.memory_space<vmem>>
        %dma_start3A_234 = tpu.memref_slice %arg4[%mul3A_217] : memref<320000xi32, #tpu.memory_space<hbm>> -> memref<128xi32, #tpu.memory_space<hbm>>
        %dma_start3A_235 = tpu.memref_slice %arg15[%dma_start3A_230] : memref<4x!tpu.dma_semaphore, #tpu.memory_space<semaphore_mem>> -> memref<1x!tpu.dma_semaphore, #tpu.memory_space<semaphore_mem>>
        %dma_start3A_236 = tpu.memref_squeeze %dma_start3A_235 : memref<1x!tpu.dma_semaphore, #tpu.memory_space<semaphore_mem>> -> memref<!tpu.dma_semaphore, #tpu.memory_space<semaphore_mem>>
        %dma_start3A_237 = arith.constant 0 : i32
        %dma_start3A_238 = tpu.memref_slice %arg11[%dma_start3A_229, %dma_start3A_237] : memref<4x128xi32, #tpu.memory_space<vmem>> -> memref<1x128xi32, #tpu.memory_space<vmem>>
        %dma_start3A_239 = tpu.memref_squeeze %dma_start3A_238 : memref<1x128xi32, #tpu.memory_space<vmem>> -> memref<128xi32, #tpu.memory_space<vmem>>
        %dma_start3A_240 = tpu.memref_slice %arg4[%mul3A_217] : memref<320000xi32, #tpu.memory_space<hbm>> -> memref<128xi32, #tpu.memory_space<hbm>>
        tpu.enqueue_dma source(%dma_start3A_240 : memref<128xi32, #tpu.memory_space<hbm>>) target(%dma_start3A_239 : memref<128xi32, #tpu.memory_space<vmem>>) target_semaphore(%dma_start3A_236 : memref<!tpu.dma_semaphore, #tpu.memory_space<semaphore_mem>>)
      } else {
      }
      %mul3A_117 = arith.constant 4 : i32
      %mul3A_118 = arith.muli %scan3A_23, %mul3A_117 : i32
      %add3A_119 = arith.constant 2 : i32
      %add3A_120 = arith.addi %mul3A_118, %add3A_119 : i32
      %ge3A_121 = arith.constant 2 : i32
      %ge3A_122 = arith.cmpi sge, %add3A_120, %ge3A_121 : i32
      %sub3A_123 = arith.constant 2 : i32
      %sub3A_124 = arith.subi %add3A_120, %sub3A_123 : i32
      %mul3A_125 = arith.constant 32 : i32
      %mul3A_126 = arith.muli %sub3A_124, %mul3A_125 : i32
      %add3A_127 = arith.addi %mul3A_126, %add3A : i32
      %lt3A_128 = arith.constant 2500 : i32
      %lt3A_129 = arith.cmpi slt, %add3A_127, %lt3A_128 : i32
      %and3A_130 = arith.andi %ge3A_122, %lt3A_129 : i1
      %convert_element_type3A_131 = arith.extui %and3A_130 : i1 to i32
      %cond3A_132 = arith.constant 0 : i32
      %cond3A_133 = arith.cmpi ne, %convert_element_type3A_131, %cond3A_132 : i32
      scf.if %cond3A_133 {
        %dma_wait3A = arith.constant 0 : i32
        %dma_wait3A_213 = arith.constant 0 : i32
        %dma_wait3A_214 = arith.constant 0 : i32
        %dma_wait3A_215 = arith.constant 0 : i32
        %dma_wait3A_216 = arith.constant 0 : i32
        %dma_wait3A_217 = tpu.memref_slice %arg12[%dma_wait3A, %dma_wait3A_215, %dma_wait3A_216] : memref<2x128x128xf32, #tpu.memory_space<vmem>> -> memref<1x128x128xf32, #tpu.memory_space<vmem>>
        %dma_wait3A_218 = tpu.memref_squeeze %dma_wait3A_217 : memref<1x128x128xf32, #tpu.memory_space<vmem>> -> memref<128x128xf32, #tpu.memory_space<vmem>>
        %dma_wait3A_219 = arith.constant 0 : i32
        %dma_wait3A_220 = tpu.memref_slice %arg11[%dma_wait3A_213, %dma_wait3A_219] : memref<4x128xi32, #tpu.memory_space<vmem>> -> memref<1x128xi32, #tpu.memory_space<vmem>>
        %dma_wait3A_221 = tpu.memref_squeeze %dma_wait3A_220 : memref<1x128xi32, #tpu.memory_space<vmem>> -> memref<128xi32, #tpu.memory_space<vmem>>
        %dma_wait3A_222 = arith.constant 0 : i32
        %dma_wait3A_223 = arith.constant 0 : i32
        %dma_wait3A_224 = tpu.memref_slice %arg9[%dma_wait3A_222, %dma_wait3A_223] : memref<10240x128xf32, #tpu.memory_space<vmem_shared>> -> memref<10240x128xf32, #tpu.memory_space<vmem_shared>>
        %dma_wait3A_225 = tpu.memref_slice %arg17[%dma_wait3A_214] : memref<2x!tpu.dma_semaphore, #tpu.memory_space<semaphore_mem>> -> memref<1x!tpu.dma_semaphore, #tpu.memory_space<semaphore_mem>>
        %dma_wait3A_226 = tpu.memref_squeeze %dma_wait3A_225 : memref<1x!tpu.dma_semaphore, #tpu.memory_space<semaphore_mem>> -> memref<!tpu.dma_semaphore, #tpu.memory_space<semaphore_mem>>
        tpu.wait_indirect_dma semaphore(%dma_wait3A_226 : memref<!tpu.dma_semaphore, #tpu.memory_space<semaphore_mem>>) src(%dma_wait3A_218 : memref<128x128xf32, #tpu.memory_space<vmem>>) dst(%dma_wait3A_224 : memref<10240x128xf32, #tpu.memory_space<vmem_shared>>)
      } else {
      }
      %mul3A_134 = arith.constant 32 : i32
      %mul3A_135 = arith.muli %add3A_120, %mul3A_134 : i32
      %add3A_136 = arith.addi %mul3A_135, %add3A : i32
      %lt3A_137 = arith.constant 2500 : i32
      %lt3A_138 = arith.cmpi slt, %add3A_136, %lt3A_137 : i32
      %convert_element_type3A_139 = arith.extui %lt3A_138 : i1 to i32
      %cond3A_140 = arith.constant 0 : i32
      %cond3A_141 = arith.cmpi ne, %convert_element_type3A_139, %cond3A_140 : i32
      scf.if %cond3A_141 {
        %dma_wait3A = arith.constant 0 : i32
        %dma_wait3A_213 = arith.constant 0 : i32
        %dma_wait3A_214 = arith.constant 0 : i32
        %dma_wait3A_215 = tpu.memref_slice %arg10[%dma_wait3A, %dma_wait3A_214] : memref<2x128xi32, #tpu.memory_space<vmem>> -> memref<1x128xi32, #tpu.memory_space<vmem>>
        %dma_wait3A_216 = tpu.memref_squeeze %dma_wait3A_215 : memref<1x128xi32, #tpu.memory_space<vmem>> -> memref<128xi32, #tpu.memory_space<vmem>>
        %dma_wait3A_217 = arith.constant 0 : i32
        %dma_wait3A_218 = tpu.memref_slice %arg3[%dma_wait3A_217] : memref<320000xi32, #tpu.memory_space<hbm>> -> memref<128xi32, #tpu.memory_space<hbm>>
        %dma_wait3A_219 = tpu.memref_slice %arg14[%dma_wait3A_213] : memref<2x!tpu.dma_semaphore, #tpu.memory_space<semaphore_mem>> -> memref<1x!tpu.dma_semaphore, #tpu.memory_space<semaphore_mem>>
        %dma_wait3A_220 = tpu.memref_squeeze %dma_wait3A_219 : memref<1x!tpu.dma_semaphore, #tpu.memory_space<semaphore_mem>> -> memref<!tpu.dma_semaphore, #tpu.memory_space<semaphore_mem>>
        %dma_wait3A_221 = arith.constant 0 : i32
        %dma_wait3A_222 = tpu.memref_slice %arg10[%dma_wait3A, %dma_wait3A_221] : memref<2x128xi32, #tpu.memory_space<vmem>> -> memref<1x128xi32, #tpu.memory_space<vmem>>
        %dma_wait3A_223 = tpu.memref_squeeze %dma_wait3A_222 : memref<1x128xi32, #tpu.memory_space<vmem>> -> memref<128xi32, #tpu.memory_space<vmem>>
        %dma_wait3A_224 = arith.constant 0 : i32
        %dma_wait3A_225 = tpu.memref_slice %arg3[%dma_wait3A_224] : memref<320000xi32, #tpu.memory_space<hbm>> -> memref<128xi32, #tpu.memory_space<hbm>>
        tpu.wait_dma2 semaphore(%dma_wait3A_220 : memref<!tpu.dma_semaphore, #tpu.memory_space<semaphore_mem>>) src(%dma_wait3A_225 : memref<128xi32, #tpu.memory_space<hbm>>) dst(%dma_wait3A_223 : memref<128xi32, #tpu.memory_space<vmem>>)
        %dma_start3A = arith.constant 0 : i32
        %dma_start3A_226 = arith.constant 0 : i32
        %dma_start3A_227 = arith.constant 0 : i32
        %dma_start3A_228 = arith.constant 0 : i32
        %dma_start3A_229 = arith.constant 0 : i32
        %dma_start3A_230 = tpu.memref_slice %arg12[%dma_start3A_226, %dma_start3A_228, %dma_start3A_229] : memref<2x128x128xf32, #tpu.memory_space<vmem>> -> memref<1x128x128xf32, #tpu.memory_space<vmem>>
        %dma_start3A_231 = tpu.memref_squeeze %dma_start3A_230 : memref<1x128x128xf32, #tpu.memory_space<vmem>> -> memref<128x128xf32, #tpu.memory_space<vmem>>
        %dma_start3A_232 = arith.constant 0 : i32
        %dma_start3A_233 = tpu.memref_slice %arg10[%dma_start3A, %dma_start3A_232] : memref<2x128xi32, #tpu.memory_space<vmem>> -> memref<1x128xi32, #tpu.memory_space<vmem>>
        %dma_start3A_234 = tpu.memref_squeeze %dma_start3A_233 : memref<1x128xi32, #tpu.memory_space<vmem>> -> memref<128xi32, #tpu.memory_space<vmem>>
        %dma_start3A_235 = arith.constant 0 : i32
        %dma_start3A_236 = arith.constant 0 : i32
        %dma_start3A_237 = tpu.memref_slice %arg2[%dma_start3A_235, %dma_start3A_236] : memref<10240x128xf32, #tpu.memory_space<hbm>> -> memref<10240x128xf32, #tpu.memory_space<hbm>>
        %dma_start3A_238 = tpu.memref_slice %arg16[%dma_start3A_227] : memref<2x!tpu.dma_semaphore, #tpu.memory_space<semaphore_mem>> -> memref<1x!tpu.dma_semaphore, #tpu.memory_space<semaphore_mem>>
        %dma_start3A_239 = tpu.memref_squeeze %dma_start3A_238 : memref<1x!tpu.dma_semaphore, #tpu.memory_space<semaphore_mem>> -> memref<!tpu.dma_semaphore, #tpu.memory_space<semaphore_mem>>
        tpu.enqueue_indirect_dma source(%dma_start3A_237 : memref<10240x128xf32, #tpu.memory_space<hbm>>) target(%dma_start3A_231 : memref<128x128xf32, #tpu.memory_space<vmem>>) offsets(%dma_start3A_234 : memref<128xi32, #tpu.memory_space<vmem>>) semaphore(%dma_start3A_239 : memref<!tpu.dma_semaphore, #tpu.memory_space<semaphore_mem>>)
      } else {
      }
      %ge3A_142 = arith.constant 1 : i32
      %ge3A_143 = arith.cmpi sge, %add3A_120, %ge3A_142 : i32
      %sub3A_144 = arith.constant 1 : i32
      %sub3A_145 = arith.subi %add3A_120, %sub3A_144 : i32
      %mul3A_146 = arith.constant 32 : i32
      %mul3A_147 = arith.muli %sub3A_145, %mul3A_146 : i32
      %add3A_148 = arith.addi %mul3A_147, %add3A : i32
      %lt3A_149 = arith.constant 2500 : i32
      %lt3A_150 = arith.cmpi slt, %add3A_148, %lt3A_149 : i32
      %and3A_151 = arith.andi %ge3A_143, %lt3A_150 : i1
      %convert_element_type3A_152 = arith.extui %and3A_151 : i1 to i32
      %cond3A_153 = arith.constant 0 : i32
      %cond3A_154 = arith.cmpi ne, %convert_element_type3A_152, %cond3A_153 : i32
      scf.if %cond3A_154 {
        %dma_wait3A = arith.constant 1 : i32
        %dma_wait3A_213 = arith.constant 1 : i32
        %dma_wait3A_214 = arith.constant 1 : i32
        %dma_wait3A_215 = arith.constant 0 : i32
        %dma_wait3A_216 = arith.constant 0 : i32
        %dma_wait3A_217 = tpu.memref_slice %arg12[%dma_wait3A_213, %dma_wait3A_215, %dma_wait3A_216] : memref<2x128x128xf32, #tpu.memory_space<vmem>> -> memref<1x128x128xf32, #tpu.memory_space<vmem>>
        %dma_wait3A_218 = tpu.memref_squeeze %dma_wait3A_217 : memref<1x128x128xf32, #tpu.memory_space<vmem>> -> memref<128x128xf32, #tpu.memory_space<vmem>>
        %dma_wait3A_219 = arith.constant 0 : i32
        %dma_wait3A_220 = tpu.memref_slice %arg10[%dma_wait3A, %dma_wait3A_219] : memref<2x128xi32, #tpu.memory_space<vmem>> -> memref<1x128xi32, #tpu.memory_space<vmem>>
        %dma_wait3A_221 = tpu.memref_squeeze %dma_wait3A_220 : memref<1x128xi32, #tpu.memory_space<vmem>> -> memref<128xi32, #tpu.memory_space<vmem>>
        %dma_wait3A_222 = arith.constant 0 : i32
        %dma_wait3A_223 = arith.constant 0 : i32
        %dma_wait3A_224 = tpu.memref_slice %arg2[%dma_wait3A_222, %dma_wait3A_223] : memref<10240x128xf32, #tpu.memory_space<hbm>> -> memref<10240x128xf32, #tpu.memory_space<hbm>>
        %dma_wait3A_225 = tpu.memref_slice %arg16[%dma_wait3A_214] : memref<2x!tpu.dma_semaphore, #tpu.memory_space<semaphore_mem>> -> memref<1x!tpu.dma_semaphore, #tpu.memory_space<semaphore_mem>>
        %dma_wait3A_226 = tpu.memref_squeeze %dma_wait3A_225 : memref<1x!tpu.dma_semaphore, #tpu.memory_space<semaphore_mem>> -> memref<!tpu.dma_semaphore, #tpu.memory_space<semaphore_mem>>
        tpu.wait_indirect_dma semaphore(%dma_wait3A_226 : memref<!tpu.dma_semaphore, #tpu.memory_space<semaphore_mem>>) src(%dma_wait3A_224 : memref<10240x128xf32, #tpu.memory_space<hbm>>) dst(%dma_wait3A_218 : memref<128x128xf32, #tpu.memory_space<vmem>>)
        %dma_wait3A_227 = arith.constant 1 : i32
        %dma_wait3A_228 = arith.constant 1 : i32
        %dma_wait3A_229 = arith.constant 0 : i32
        %dma_wait3A_230 = tpu.memref_slice %arg11[%dma_wait3A_227, %dma_wait3A_229] : memref<4x128xi32, #tpu.memory_space<vmem>> -> memref<1x128xi32, #tpu.memory_space<vmem>>
        %dma_wait3A_231 = tpu.memref_squeeze %dma_wait3A_230 : memref<1x128xi32, #tpu.memory_space<vmem>> -> memref<128xi32, #tpu.memory_space<vmem>>
        %dma_wait3A_232 = arith.constant 0 : i32
        %dma_wait3A_233 = tpu.memref_slice %arg4[%dma_wait3A_232] : memref<320000xi32, #tpu.memory_space<hbm>> -> memref<128xi32, #tpu.memory_space<hbm>>
        %dma_wait3A_234 = tpu.memref_slice %arg15[%dma_wait3A_228] : memref<4x!tpu.dma_semaphore, #tpu.memory_space<semaphore_mem>> -> memref<1x!tpu.dma_semaphore, #tpu.memory_space<semaphore_mem>>
        %dma_wait3A_235 = tpu.memref_squeeze %dma_wait3A_234 : memref<1x!tpu.dma_semaphore, #tpu.memory_space<semaphore_mem>> -> memref<!tpu.dma_semaphore, #tpu.memory_space<semaphore_mem>>
        %dma_wait3A_236 = arith.constant 0 : i32
        %dma_wait3A_237 = tpu.memref_slice %arg11[%dma_wait3A_227, %dma_wait3A_236] : memref<4x128xi32, #tpu.memory_space<vmem>> -> memref<1x128xi32, #tpu.memory_space<vmem>>
        %dma_wait3A_238 = tpu.memref_squeeze %dma_wait3A_237 : memref<1x128xi32, #tpu.memory_space<vmem>> -> memref<128xi32, #tpu.memory_space<vmem>>
        %dma_wait3A_239 = arith.constant 0 : i32
        %dma_wait3A_240 = tpu.memref_slice %arg4[%dma_wait3A_239] : memref<320000xi32, #tpu.memory_space<hbm>> -> memref<128xi32, #tpu.memory_space<hbm>>
        tpu.wait_dma2 semaphore(%dma_wait3A_235 : memref<!tpu.dma_semaphore, #tpu.memory_space<semaphore_mem>>) src(%dma_wait3A_240 : memref<128xi32, #tpu.memory_space<hbm>>) dst(%dma_wait3A_238 : memref<128xi32, #tpu.memory_space<vmem>>)
        %dma_start3A = arith.constant 1 : i32
        %dma_start3A_241 = arith.constant 1 : i32
        %dma_start3A_242 = arith.constant 1 : i32
        %dma_start3A_243 = arith.constant 0 : i32
        %dma_start3A_244 = arith.constant 0 : i32
        %dma_start3A_245 = tpu.memref_slice %arg12[%dma_start3A, %dma_start3A_243, %dma_start3A_244] : memref<2x128x128xf32, #tpu.memory_space<vmem>> -> memref<1x128x128xf32, #tpu.memory_space<vmem>>
        %dma_start3A_246 = tpu.memref_squeeze %dma_start3A_245 : memref<1x128x128xf32, #tpu.memory_space<vmem>> -> memref<128x128xf32, #tpu.memory_space<vmem>>
        %dma_start3A_247 = arith.constant 0 : i32
        %dma_start3A_248 = tpu.memref_slice %arg11[%dma_start3A_241, %dma_start3A_247] : memref<4x128xi32, #tpu.memory_space<vmem>> -> memref<1x128xi32, #tpu.memory_space<vmem>>
        %dma_start3A_249 = tpu.memref_squeeze %dma_start3A_248 : memref<1x128xi32, #tpu.memory_space<vmem>> -> memref<128xi32, #tpu.memory_space<vmem>>
        %dma_start3A_250 = arith.constant 0 : i32
        %dma_start3A_251 = arith.constant 0 : i32
        %dma_start3A_252 = tpu.memref_slice %arg9[%dma_start3A_250, %dma_start3A_251] : memref<10240x128xf32, #tpu.memory_space<vmem_shared>> -> memref<10240x128xf32, #tpu.memory_space<vmem_shared>>
        %dma_start3A_253 = tpu.memref_slice %arg17[%dma_start3A_242] : memref<2x!tpu.dma_semaphore, #tpu.memory_space<semaphore_mem>> -> memref<1x!tpu.dma_semaphore, #tpu.memory_space<semaphore_mem>>
        %dma_start3A_254 = tpu.memref_squeeze %dma_start3A_253 : memref<1x!tpu.dma_semaphore, #tpu.memory_space<semaphore_mem>> -> memref<!tpu.dma_semaphore, #tpu.memory_space<semaphore_mem>>
        tpu.enqueue_indirect_dma source(%dma_start3A_246 : memref<128x128xf32, #tpu.memory_space<vmem>>) target(%dma_start3A_252 : memref<10240x128xf32, #tpu.memory_space<vmem_shared>>) offsets(%dma_start3A_249 : memref<128xi32, #tpu.memory_space<vmem>>) semaphore(%dma_start3A_254 : memref<!tpu.dma_semaphore, #tpu.memory_space<semaphore_mem>>) {add = true}
        %get3A = arith.constant 1 : i32
        %get3A_255 = arith.index_cast %get3A : i32 to index
        %get3A_256 = arith.constant 0 : index
        %get3A_257 = tpu.vector_load %arg11[%get3A_255, %get3A_256] {strides = array<i32>} : memref<4x128xi32, #tpu.memory_space<vmem>>, vector<16xi32>,
        tpu.vector_store_idx %arg13[%get3A_257], %broadcast_in_dim3A_1 {add = true} : memref<10240xf32, #tpu.memory_space<vmem>>[vector<16xi32>], vector<16xf32>,
        %get3A_258 = arith.constant 1 : i32
        %get3A_259 = arith.index_cast %get3A_258 : i32 to index
        %get3A_260 = arith.constant 16 : index
        %get3A_261 = tpu.vector_load %arg11[%get3A_259, %get3A_260] {strides = array<i32>} : memref<4x128xi32, #tpu.memory_space<vmem>>, vector<16xi32>,
        tpu.vector_store_idx %arg13[%get3A_261], %broadcast_in_dim3A_1 {add = true} : memref<10240xf32, #tpu.memory_space<vmem>>[vector<16xi32>], vector<16xf32>,
        %get3A_262 = arith.constant 1 : i32
        %get3A_263 = arith.index_cast %get3A_262 : i32 to index
        %get3A_264 = arith.constant 32 : index
        %get3A_265 = tpu.vector_load %arg11[%get3A_263, %get3A_264] {strides = array<i32>} : memref<4x128xi32, #tpu.memory_space<vmem>>, vector<16xi32>,
        tpu.vector_store_idx %arg13[%get3A_265], %broadcast_in_dim3A_1 {add = true} : memref<10240xf32, #tpu.memory_space<vmem>>[vector<16xi32>], vector<16xf32>,
        %get3A_266 = arith.constant 1 : i32
        %get3A_267 = arith.index_cast %get3A_266 : i32 to index
        %get3A_268 = arith.constant 48 : index
        %get3A_269 = tpu.vector_load %arg11[%get3A_267, %get3A_268] {strides = array<i32>} : memref<4x128xi32, #tpu.memory_space<vmem>>, vector<16xi32>,
        tpu.vector_store_idx %arg13[%get3A_269], %broadcast_in_dim3A_1 {add = true} : memref<10240xf32, #tpu.memory_space<vmem>>[vector<16xi32>], vector<16xf32>,
        %get3A_270 = arith.constant 1 : i32
        %get3A_271 = arith.index_cast %get3A_270 : i32 to index
        %get3A_272 = arith.constant 64 : index
        %get3A_273 = tpu.vector_load %arg11[%get3A_271, %get3A_272] {strides = array<i32>} : memref<4x128xi32, #tpu.memory_space<vmem>>, vector<16xi32>,
        tpu.vector_store_idx %arg13[%get3A_273], %broadcast_in_dim3A_1 {add = true} : memref<10240xf32, #tpu.memory_space<vmem>>[vector<16xi32>], vector<16xf32>,
        %get3A_274 = arith.constant 1 : i32
        %get3A_275 = arith.index_cast %get3A_274 : i32 to index
        %get3A_276 = arith.constant 80 : index
        %get3A_277 = tpu.vector_load %arg11[%get3A_275, %get3A_276] {strides = array<i32>} : memref<4x128xi32, #tpu.memory_space<vmem>>, vector<16xi32>,
        tpu.vector_store_idx %arg13[%get3A_277], %broadcast_in_dim3A_1 {add = true} : memref<10240xf32, #tpu.memory_space<vmem>>[vector<16xi32>], vector<16xf32>,
        %get3A_278 = arith.constant 1 : i32
        %get3A_279 = arith.index_cast %get3A_278 : i32 to index
        %get3A_280 = arith.constant 96 : index
        %get3A_281 = tpu.vector_load %arg11[%get3A_279, %get3A_280] {strides = array<i32>} : memref<4x128xi32, #tpu.memory_space<vmem>>, vector<16xi32>,
        tpu.vector_store_idx %arg13[%get3A_281], %broadcast_in_dim3A_1 {add = true} : memref<10240xf32, #tpu.memory_space<vmem>>[vector<16xi32>], vector<16xf32>,
        %get3A_282 = arith.constant 1 : i32
        %get3A_283 = arith.index_cast %get3A_282 : i32 to index
        %get3A_284 = arith.constant 112 : index
        %get3A_285 = tpu.vector_load %arg11[%get3A_283, %get3A_284] {strides = array<i32>} : memref<4x128xi32, #tpu.memory_space<vmem>>, vector<16xi32>,
        tpu.vector_store_idx %arg13[%get3A_285], %broadcast_in_dim3A_1 {add = true} : memref<10240xf32, #tpu.memory_space<vmem>>[vector<16xi32>], vector<16xf32>,
      } else {
      }
      %add3A_155 = arith.constant 1 : i32
      %add3A_156 = arith.addi %add3A_120, %add3A_155 : i32
      %mul3A_157 = arith.constant 32 : i32
      %mul3A_158 = arith.muli %add3A_156, %mul3A_157 : i32
      %add3A_159 = arith.addi %mul3A_158, %add3A : i32
      %lt3A_160 = arith.constant 2500 : i32
      %lt3A_161 = arith.cmpi slt, %add3A_159, %lt3A_160 : i32
      %convert_element_type3A_162 = arith.extui %lt3A_161 : i1 to i32
      %cond3A_163 = arith.constant 0 : i32
      %cond3A_164 = arith.cmpi ne, %convert_element_type3A_162, %cond3A_163 : i32
      scf.if %cond3A_164 {
        %mul3A_213 = arith.constant 32 : i32
        %mul3A_214 = arith.muli %add3A_156, %mul3A_213 : i32
        %add3A_215 = arith.addi %mul3A_214, %add3A : i32
        %mul3A_216 = arith.constant 128 : i32
        %mul3A_217 = arith.muli %add3A_215, %mul3A_216 : i32
        %dma_start3A = arith.constant 1 : i32
        %dma_start3A_218 = arith.constant 1 : i32
        %dma_start3A_219 = arith.constant 0 : i32
        %dma_start3A_220 = tpu.memref_slice %arg10[%dma_start3A, %dma_start3A_219] : memref<2x128xi32, #tpu.memory_space<vmem>> -> memref<1x128xi32, #tpu.memory_space<vmem>>
        %dma_start3A_221 = tpu.memref_squeeze %dma_start3A_220 : memref<1x128xi32, #tpu.memory_space<vmem>> -> memref<128xi32, #tpu.memory_space<vmem>>
        %dma_start3A_222 = tpu.memref_slice %arg3[%mul3A_217] : memref<320000xi32, #tpu.memory_space<hbm>> -> memref<128xi32, #tpu.memory_space<hbm>>
        %dma_start3A_223 = tpu.memref_slice %arg14[%dma_start3A_218] : memref<2x!tpu.dma_semaphore, #tpu.memory_space<semaphore_mem>> -> memref<1x!tpu.dma_semaphore, #tpu.memory_space<semaphore_mem>>
        %dma_start3A_224 = tpu.memref_squeeze %dma_start3A_223 : memref<1x!tpu.dma_semaphore, #tpu.memory_space<semaphore_mem>> -> memref<!tpu.dma_semaphore, #tpu.memory_space<semaphore_mem>>
        %dma_start3A_225 = arith.constant 0 : i32
        %dma_start3A_226 = tpu.memref_slice %arg10[%dma_start3A, %dma_start3A_225] : memref<2x128xi32, #tpu.memory_space<vmem>> -> memref<1x128xi32, #tpu.memory_space<vmem>>
        %dma_start3A_227 = tpu.memref_squeeze %dma_start3A_226 : memref<1x128xi32, #tpu.memory_space<vmem>> -> memref<128xi32, #tpu.memory_space<vmem>>
        %dma_start3A_228 = tpu.memref_slice %arg3[%mul3A_217] : memref<320000xi32, #tpu.memory_space<hbm>> -> memref<128xi32, #tpu.memory_space<hbm>>
        tpu.enqueue_dma source(%dma_start3A_228 : memref<128xi32, #tpu.memory_space<hbm>>) target(%dma_start3A_227 : memref<128xi32, #tpu.memory_space<vmem>>) target_semaphore(%dma_start3A_224 : memref<!tpu.dma_semaphore, #tpu.memory_space<semaphore_mem>>)
        %dma_start3A_229 = arith.constant 3 : i32
        %dma_start3A_230 = arith.constant 3 : i32
        %dma_start3A_231 = arith.constant 0 : i32
        %dma_start3A_232 = tpu.memref_slice %arg11[%dma_start3A_229, %dma_start3A_231] : memref<4x128xi32, #tpu.memory_space<vmem>> -> memref<1x128xi32, #tpu.memory_space<vmem>>
        %dma_start3A_233 = tpu.memref_squeeze %dma_start3A_232 : memref<1x128xi32, #tpu.memory_space<vmem>> -> memref<128xi32, #tpu.memory_space<vmem>>
        %dma_start3A_234 = tpu.memref_slice %arg4[%mul3A_217] : memref<320000xi32, #tpu.memory_space<hbm>> -> memref<128xi32, #tpu.memory_space<hbm>>
        %dma_start3A_235 = tpu.memref_slice %arg15[%dma_start3A_230] : memref<4x!tpu.dma_semaphore, #tpu.memory_space<semaphore_mem>> -> memref<1x!tpu.dma_semaphore, #tpu.memory_space<semaphore_mem>>
        %dma_start3A_236 = tpu.memref_squeeze %dma_start3A_235 : memref<1x!tpu.dma_semaphore, #tpu.memory_space<semaphore_mem>> -> memref<!tpu.dma_semaphore, #tpu.memory_space<semaphore_mem>>
        %dma_start3A_237 = arith.constant 0 : i32
        %dma_start3A_238 = tpu.memref_slice %arg11[%dma_start3A_229, %dma_start3A_237] : memref<4x128xi32, #tpu.memory_space<vmem>> -> memref<1x128xi32, #tpu.memory_space<vmem>>
        %dma_start3A_239 = tpu.memref_squeeze %dma_start3A_238 : memref<1x128xi32, #tpu.memory_space<vmem>> -> memref<128xi32, #tpu.memory_space<vmem>>
        %dma_start3A_240 = tpu.memref_slice %arg4[%mul3A_217] : memref<320000xi32, #tpu.memory_space<hbm>> -> memref<128xi32, #tpu.memory_space<hbm>>
        tpu.enqueue_dma source(%dma_start3A_240 : memref<128xi32, #tpu.memory_space<hbm>>) target(%dma_start3A_239 : memref<128xi32, #tpu.memory_space<vmem>>) target_semaphore(%dma_start3A_236 : memref<!tpu.dma_semaphore, #tpu.memory_space<semaphore_mem>>)
      } else {
      }
      %mul3A_165 = arith.constant 4 : i32
      %mul3A_166 = arith.muli %scan3A_23, %mul3A_165 : i32
      %add3A_167 = arith.constant 3 : i32
      %add3A_168 = arith.addi %mul3A_166, %add3A_167 : i32
      %ge3A_169 = arith.constant 2 : i32
      %ge3A_170 = arith.cmpi sge, %add3A_168, %ge3A_169 : i32
      %sub3A_171 = arith.constant 2 : i32
      %sub3A_172 = arith.subi %add3A_168, %sub3A_171 : i32
      %mul3A_173 = arith.constant 32 : i32
      %mul3A_174 = arith.muli %sub3A_172, %mul3A_173 : i32
      %add3A_175 = arith.addi %mul3A_174, %add3A : i32
      %lt3A_176 = arith.constant 2500 : i32
      %lt3A_177 = arith.cmpi slt, %add3A_175, %lt3A_176 : i32
      %and3A_178 = arith.andi %ge3A_170, %lt3A_177 : i1
      %convert_element_type3A_179 = arith.extui %and3A_178 : i1 to i32
      %cond3A_180 = arith.constant 0 : i32
      %cond3A_181 = arith.cmpi ne, %convert_element_type3A_179, %cond3A_180 : i32
      scf.if %cond3A_181 {
        %dma_wait3A = arith.constant 1 : i32
        %dma_wait3A_213 = arith.constant 1 : i32
        %dma_wait3A_214 = arith.constant 1 : i32
        %dma_wait3A_215 = arith.constant 0 : i32
        %dma_wait3A_216 = arith.constant 0 : i32
        %dma_wait3A_217 = tpu.memref_slice %arg12[%dma_wait3A, %dma_wait3A_215, %dma_wait3A_216] : memref<2x128x128xf32, #tpu.memory_space<vmem>> -> memref<1x128x128xf32, #tpu.memory_space<vmem>>
        %dma_wait3A_218 = tpu.memref_squeeze %dma_wait3A_217 : memref<1x128x128xf32, #tpu.memory_space<vmem>> -> memref<128x128xf32, #tpu.memory_space<vmem>>
        %dma_wait3A_219 = arith.constant 0 : i32
        %dma_wait3A_220 = tpu.memref_slice %arg11[%dma_wait3A_213, %dma_wait3A_219] : memref<4x128xi32, #tpu.memory_space<vmem>> -> memref<1x128xi32, #tpu.memory_space<vmem>>
        %dma_wait3A_221 = tpu.memref_squeeze %dma_wait3A_220 : memref<1x128xi32, #tpu.memory_space<vmem>> -> memref<128xi32, #tpu.memory_space<vmem>>
        %dma_wait3A_222 = arith.constant 0 : i32
        %dma_wait3A_223 = arith.constant 0 : i32
        %dma_wait3A_224 = tpu.memref_slice %arg9[%dma_wait3A_222, %dma_wait3A_223] : memref<10240x128xf32, #tpu.memory_space<vmem_shared>> -> memref<10240x128xf32, #tpu.memory_space<vmem_shared>>
        %dma_wait3A_225 = tpu.memref_slice %arg17[%dma_wait3A_214] : memref<2x!tpu.dma_semaphore, #tpu.memory_space<semaphore_mem>> -> memref<1x!tpu.dma_semaphore, #tpu.memory_space<semaphore_mem>>
        %dma_wait3A_226 = tpu.memref_squeeze %dma_wait3A_225 : memref<1x!tpu.dma_semaphore, #tpu.memory_space<semaphore_mem>> -> memref<!tpu.dma_semaphore, #tpu.memory_space<semaphore_mem>>
        tpu.wait_indirect_dma semaphore(%dma_wait3A_226 : memref<!tpu.dma_semaphore, #tpu.memory_space<semaphore_mem>>) src(%dma_wait3A_218 : memref<128x128xf32, #tpu.memory_space<vmem>>) dst(%dma_wait3A_224 : memref<10240x128xf32, #tpu.memory_space<vmem_shared>>)
      } else {
      }
      %mul3A_182 = arith.constant 32 : i32
      %mul3A_183 = arith.muli %add3A_168, %mul3A_182 : i32
      %add3A_184 = arith.addi %mul3A_183, %add3A : i32
      %lt3A_185 = arith.constant 2500 : i32
      %lt3A_186 = arith.cmpi slt, %add3A_184, %lt3A_185 : i32
      %convert_element_type3A_187 = arith.extui %lt3A_186 : i1 to i32
      %cond3A_188 = arith.constant 0 : i32
      %cond3A_189 = arith.cmpi ne, %convert_element_type3A_187, %cond3A_188 : i32
      scf.if %cond3A_189 {
        %dma_wait3A = arith.constant 1 : i32
        %dma_wait3A_213 = arith.constant 1 : i32
        %dma_wait3A_214 = arith.constant 0 : i32
        %dma_wait3A_215 = tpu.memref_slice %arg10[%dma_wait3A, %dma_wait3A_214] : memref<2x128xi32, #tpu.memory_space<vmem>> -> memref<1x128xi32, #tpu.memory_space<vmem>>
        %dma_wait3A_216 = tpu.memref_squeeze %dma_wait3A_215 : memref<1x128xi32, #tpu.memory_space<vmem>> -> memref<128xi32, #tpu.memory_space<vmem>>
        %dma_wait3A_217 = arith.constant 0 : i32
        %dma_wait3A_218 = tpu.memref_slice %arg3[%dma_wait3A_217] : memref<320000xi32, #tpu.memory_space<hbm>> -> memref<128xi32, #tpu.memory_space<hbm>>
        %dma_wait3A_219 = tpu.memref_slice %arg14[%dma_wait3A_213] : memref<2x!tpu.dma_semaphore, #tpu.memory_space<semaphore_mem>> -> memref<1x!tpu.dma_semaphore, #tpu.memory_space<semaphore_mem>>
        %dma_wait3A_220 = tpu.memref_squeeze %dma_wait3A_219 : memref<1x!tpu.dma_semaphore, #tpu.memory_space<semaphore_mem>> -> memref<!tpu.dma_semaphore, #tpu.memory_space<semaphore_mem>>
        %dma_wait3A_221 = arith.constant 0 : i32
        %dma_wait3A_222 = tpu.memref_slice %arg10[%dma_wait3A, %dma_wait3A_221] : memref<2x128xi32, #tpu.memory_space<vmem>> -> memref<1x128xi32, #tpu.memory_space<vmem>>
        %dma_wait3A_223 = tpu.memref_squeeze %dma_wait3A_222 : memref<1x128xi32, #tpu.memory_space<vmem>> -> memref<128xi32, #tpu.memory_space<vmem>>
        %dma_wait3A_224 = arith.constant 0 : i32
        %dma_wait3A_225 = tpu.memref_slice %arg3[%dma_wait3A_224] : memref<320000xi32, #tpu.memory_space<hbm>> -> memref<128xi32, #tpu.memory_space<hbm>>
        tpu.wait_dma2 semaphore(%dma_wait3A_220 : memref<!tpu.dma_semaphore, #tpu.memory_space<semaphore_mem>>) src(%dma_wait3A_225 : memref<128xi32, #tpu.memory_space<hbm>>) dst(%dma_wait3A_223 : memref<128xi32, #tpu.memory_space<vmem>>)
        %dma_start3A = arith.constant 1 : i32
        %dma_start3A_226 = arith.constant 1 : i32
        %dma_start3A_227 = arith.constant 1 : i32
        %dma_start3A_228 = arith.constant 0 : i32
        %dma_start3A_229 = arith.constant 0 : i32
        %dma_start3A_230 = tpu.memref_slice %arg12[%dma_start3A_226, %dma_start3A_228, %dma_start3A_229] : memref<2x128x128xf32, #tpu.memory_space<vmem>> -> memref<1x128x128xf32, #tpu.memory_space<vmem>>
        %dma_start3A_231 = tpu.memref_squeeze %dma_start3A_230 : memref<1x128x128xf32, #tpu.memory_space<vmem>> -> memref<128x128xf32, #tpu.memory_space<vmem>>
        %dma_start3A_232 = arith.constant 0 : i32
        %dma_start3A_233 = tpu.memref_slice %arg10[%dma_start3A, %dma_start3A_232] : memref<2x128xi32, #tpu.memory_space<vmem>> -> memref<1x128xi32, #tpu.memory_space<vmem>>
        %dma_start3A_234 = tpu.memref_squeeze %dma_start3A_233 : memref<1x128xi32, #tpu.memory_space<vmem>> -> memref<128xi32, #tpu.memory_space<vmem>>
        %dma_start3A_235 = arith.constant 0 : i32
        %dma_start3A_236 = arith.constant 0 : i32
        %dma_start3A_237 = tpu.memref_slice %arg2[%dma_start3A_235, %dma_start3A_236] : memref<10240x128xf32, #tpu.memory_space<hbm>> -> memref<10240x128xf32, #tpu.memory_space<hbm>>
        %dma_start3A_238 = tpu.memref_slice %arg16[%dma_start3A_227] : memref<2x!tpu.dma_semaphore, #tpu.memory_space<semaphore_mem>> -> memref<1x!tpu.dma_semaphore, #tpu.memory_space<semaphore_mem>>
        %dma_start3A_239 = tpu.memref_squeeze %dma_start3A_238 : memref<1x!tpu.dma_semaphore, #tpu.memory_space<semaphore_mem>> -> memref<!tpu.dma_semaphore, #tpu.memory_space<semaphore_mem>>
        tpu.enqueue_indirect_dma source(%dma_start3A_237 : memref<10240x128xf32, #tpu.memory_space<hbm>>) target(%dma_start3A_231 : memref<128x128xf32, #tpu.memory_space<vmem>>) offsets(%dma_start3A_234 : memref<128xi32, #tpu.memory_space<vmem>>) semaphore(%dma_start3A_239 : memref<!tpu.dma_semaphore, #tpu.memory_space<semaphore_mem>>)
      } else {
      }
      %ge3A_190 = arith.constant 1 : i32
      %ge3A_191 = arith.cmpi sge, %add3A_168, %ge3A_190 : i32
      %sub3A_192 = arith.constant 1 : i32
      %sub3A_193 = arith.subi %add3A_168, %sub3A_192 : i32
      %mul3A_194 = arith.constant 32 : i32
      %mul3A_195 = arith.muli %sub3A_193, %mul3A_194 : i32
      %add3A_196 = arith.addi %mul3A_195, %add3A : i32
      %lt3A_197 = arith.constant 2500 : i32
      %lt3A_198 = arith.cmpi slt, %add3A_196, %lt3A_197 : i32
      %and3A_199 = arith.andi %ge3A_191, %lt3A_198 : i1
      %convert_element_type3A_200 = arith.extui %and3A_199 : i1 to i32
      %cond3A_201 = arith.constant 0 : i32
      %cond3A_202 = arith.cmpi ne, %convert_element_type3A_200, %cond3A_201 : i32
      scf.if %cond3A_202 {
        %dma_wait3A = arith.constant 0 : i32
        %dma_wait3A_213 = arith.constant 0 : i32
        %dma_wait3A_214 = arith.constant 0 : i32
        %dma_wait3A_215 = arith.constant 0 : i32
        %dma_wait3A_216 = arith.constant 0 : i32
        %dma_wait3A_217 = tpu.memref_slice %arg12[%dma_wait3A_213, %dma_wait3A_215, %dma_wait3A_216] : memref<2x128x128xf32, #tpu.memory_space<vmem>> -> memref<1x128x128xf32, #tpu.memory_space<vmem>>
        %dma_wait3A_218 = tpu.memref_squeeze %dma_wait3A_217 : memref<1x128x128xf32, #tpu.memory_space<vmem>> -> memref<128x128xf32, #tpu.memory_space<vmem>>
        %dma_wait3A_219 = arith.constant 0 : i32
        %dma_wait3A_220 = tpu.memref_slice %arg10[%dma_wait3A, %dma_wait3A_219] : memref<2x128xi32, #tpu.memory_space<vmem>> -> memref<1x128xi32, #tpu.memory_space<vmem>>
        %dma_wait3A_221 = tpu.memref_squeeze %dma_wait3A_220 : memref<1x128xi32, #tpu.memory_space<vmem>> -> memref<128xi32, #tpu.memory_space<vmem>>
        %dma_wait3A_222 = arith.constant 0 : i32
        %dma_wait3A_223 = arith.constant 0 : i32
        %dma_wait3A_224 = tpu.memref_slice %arg2[%dma_wait3A_222, %dma_wait3A_223] : memref<10240x128xf32, #tpu.memory_space<hbm>> -> memref<10240x128xf32, #tpu.memory_space<hbm>>
        %dma_wait3A_225 = tpu.memref_slice %arg16[%dma_wait3A_214] : memref<2x!tpu.dma_semaphore, #tpu.memory_space<semaphore_mem>> -> memref<1x!tpu.dma_semaphore, #tpu.memory_space<semaphore_mem>>
        %dma_wait3A_226 = tpu.memref_squeeze %dma_wait3A_225 : memref<1x!tpu.dma_semaphore, #tpu.memory_space<semaphore_mem>> -> memref<!tpu.dma_semaphore, #tpu.memory_space<semaphore_mem>>
        tpu.wait_indirect_dma semaphore(%dma_wait3A_226 : memref<!tpu.dma_semaphore, #tpu.memory_space<semaphore_mem>>) src(%dma_wait3A_224 : memref<10240x128xf32, #tpu.memory_space<hbm>>) dst(%dma_wait3A_218 : memref<128x128xf32, #tpu.memory_space<vmem>>)
        %dma_wait3A_227 = arith.constant 2 : i32
        %dma_wait3A_228 = arith.constant 2 : i32
        %dma_wait3A_229 = arith.constant 0 : i32
        %dma_wait3A_230 = tpu.memref_slice %arg11[%dma_wait3A_227, %dma_wait3A_229] : memref<4x128xi32, #tpu.memory_space<vmem>> -> memref<1x128xi32, #tpu.memory_space<vmem>>
        %dma_wait3A_231 = tpu.memref_squeeze %dma_wait3A_230 : memref<1x128xi32, #tpu.memory_space<vmem>> -> memref<128xi32, #tpu.memory_space<vmem>>
        %dma_wait3A_232 = arith.constant 0 : i32
        %dma_wait3A_233 = tpu.memref_slice %arg4[%dma_wait3A_232] : memref<320000xi32, #tpu.memory_space<hbm>> -> memref<128xi32, #tpu.memory_space<hbm>>
        %dma_wait3A_234 = tpu.memref_slice %arg15[%dma_wait3A_228] : memref<4x!tpu.dma_semaphore, #tpu.memory_space<semaphore_mem>> -> memref<1x!tpu.dma_semaphore, #tpu.memory_space<semaphore_mem>>
        %dma_wait3A_235 = tpu.memref_squeeze %dma_wait3A_234 : memref<1x!tpu.dma_semaphore, #tpu.memory_space<semaphore_mem>> -> memref<!tpu.dma_semaphore, #tpu.memory_space<semaphore_mem>>
        %dma_wait3A_236 = arith.constant 0 : i32
        %dma_wait3A_237 = tpu.memref_slice %arg11[%dma_wait3A_227, %dma_wait3A_236] : memref<4x128xi32, #tpu.memory_space<vmem>> -> memref<1x128xi32, #tpu.memory_space<vmem>>
        %dma_wait3A_238 = tpu.memref_squeeze %dma_wait3A_237 : memref<1x128xi32, #tpu.memory_space<vmem>> -> memref<128xi32, #tpu.memory_space<vmem>>
        %dma_wait3A_239 = arith.constant 0 : i32
        %dma_wait3A_240 = tpu.memref_slice %arg4[%dma_wait3A_239] : memref<320000xi32, #tpu.memory_space<hbm>> -> memref<128xi32, #tpu.memory_space<hbm>>
        tpu.wait_dma2 semaphore(%dma_wait3A_235 : memref<!tpu.dma_semaphore, #tpu.memory_space<semaphore_mem>>) src(%dma_wait3A_240 : memref<128xi32, #tpu.memory_space<hbm>>) dst(%dma_wait3A_238 : memref<128xi32, #tpu.memory_space<vmem>>)
        %dma_start3A = arith.constant 0 : i32
        %dma_start3A_241 = arith.constant 2 : i32
        %dma_start3A_242 = arith.constant 0 : i32
        %dma_start3A_243 = arith.constant 0 : i32
        %dma_start3A_244 = arith.constant 0 : i32
        %dma_start3A_245 = tpu.memref_slice %arg12[%dma_start3A, %dma_start3A_243, %dma_start3A_244] : memref<2x128x128xf32, #tpu.memory_space<vmem>> -> memref<1x128x128xf32, #tpu.memory_space<vmem>>
        %dma_start3A_246 = tpu.memref_squeeze %dma_start3A_245 : memref<1x128x128xf32, #tpu.memory_space<vmem>> -> memref<128x128xf32, #tpu.memory_space<vmem>>
        %dma_start3A_247 = arith.constant 0 : i32
        %dma_start3A_248 = tpu.memref_slice %arg11[%dma_start3A_241, %dma_start3A_247] : memref<4x128xi32, #tpu.memory_space<vmem>> -> memref<1x128xi32, #tpu.memory_space<vmem>>
        %dma_start3A_249 = tpu.memref_squeeze %dma_start3A_248 : memref<1x128xi32, #tpu.memory_space<vmem>> -> memref<128xi32, #tpu.memory_space<vmem>>
        %dma_start3A_250 = arith.constant 0 : i32
        %dma_start3A_251 = arith.constant 0 : i32
        %dma_start3A_252 = tpu.memref_slice %arg9[%dma_start3A_250, %dma_start3A_251] : memref<10240x128xf32, #tpu.memory_space<vmem_shared>> -> memref<10240x128xf32, #tpu.memory_space<vmem_shared>>
        %dma_start3A_253 = tpu.memref_slice %arg17[%dma_start3A_242] : memref<2x!tpu.dma_semaphore, #tpu.memory_space<semaphore_mem>> -> memref<1x!tpu.dma_semaphore, #tpu.memory_space<semaphore_mem>>
        %dma_start3A_254 = tpu.memref_squeeze %dma_start3A_253 : memref<1x!tpu.dma_semaphore, #tpu.memory_space<semaphore_mem>> -> memref<!tpu.dma_semaphore, #tpu.memory_space<semaphore_mem>>
        tpu.enqueue_indirect_dma source(%dma_start3A_246 : memref<128x128xf32, #tpu.memory_space<vmem>>) target(%dma_start3A_252 : memref<10240x128xf32, #tpu.memory_space<vmem_shared>>) offsets(%dma_start3A_249 : memref<128xi32, #tpu.memory_space<vmem>>) semaphore(%dma_start3A_254 : memref<!tpu.dma_semaphore, #tpu.memory_space<semaphore_mem>>) {add = true}
        %get3A = arith.constant 2 : i32
        %get3A_255 = arith.index_cast %get3A : i32 to index
        %get3A_256 = arith.constant 0 : index
        %get3A_257 = tpu.vector_load %arg11[%get3A_255, %get3A_256] {strides = array<i32>} : memref<4x128xi32, #tpu.memory_space<vmem>>, vector<16xi32>,
        tpu.vector_store_idx %arg13[%get3A_257], %broadcast_in_dim3A_1 {add = true} : memref<10240xf32, #tpu.memory_space<vmem>>[vector<16xi32>], vector<16xf32>,
        %get3A_258 = arith.constant 2 : i32
        %get3A_259 = arith.index_cast %get3A_258 : i32 to index
        %get3A_260 = arith.constant 16 : index
        %get3A_261 = tpu.vector_load %arg11[%get3A_259, %get3A_260] {strides = array<i32>} : memref<4x128xi32, #tpu.memory_space<vmem>>, vector<16xi32>,
        tpu.vector_store_idx %arg13[%get3A_261], %broadcast_in_dim3A_1 {add = true} : memref<10240xf32, #tpu.memory_space<vmem>>[vector<16xi32>], vector<16xf32>,
        %get3A_262 = arith.constant 2 : i32
        %get3A_263 = arith.index_cast %get3A_262 : i32 to index
        %get3A_264 = arith.constant 32 : index
        %get3A_265 = tpu.vector_load %arg11[%get3A_263, %get3A_264] {strides = array<i32>} : memref<4x128xi32, #tpu.memory_space<vmem>>, vector<16xi32>,
        tpu.vector_store_idx %arg13[%get3A_265], %broadcast_in_dim3A_1 {add = true} : memref<10240xf32, #tpu.memory_space<vmem>>[vector<16xi32>], vector<16xf32>,
        %get3A_266 = arith.constant 2 : i32
        %get3A_267 = arith.index_cast %get3A_266 : i32 to index
        %get3A_268 = arith.constant 48 : index
        %get3A_269 = tpu.vector_load %arg11[%get3A_267, %get3A_268] {strides = array<i32>} : memref<4x128xi32, #tpu.memory_space<vmem>>, vector<16xi32>,
        tpu.vector_store_idx %arg13[%get3A_269], %broadcast_in_dim3A_1 {add = true} : memref<10240xf32, #tpu.memory_space<vmem>>[vector<16xi32>], vector<16xf32>,
        %get3A_270 = arith.constant 2 : i32
        %get3A_271 = arith.index_cast %get3A_270 : i32 to index
        %get3A_272 = arith.constant 64 : index
        %get3A_273 = tpu.vector_load %arg11[%get3A_271, %get3A_272] {strides = array<i32>} : memref<4x128xi32, #tpu.memory_space<vmem>>, vector<16xi32>,
        tpu.vector_store_idx %arg13[%get3A_273], %broadcast_in_dim3A_1 {add = true} : memref<10240xf32, #tpu.memory_space<vmem>>[vector<16xi32>], vector<16xf32>,
        %get3A_274 = arith.constant 2 : i32
        %get3A_275 = arith.index_cast %get3A_274 : i32 to index
        %get3A_276 = arith.constant 80 : index
        %get3A_277 = tpu.vector_load %arg11[%get3A_275, %get3A_276] {strides = array<i32>} : memref<4x128xi32, #tpu.memory_space<vmem>>, vector<16xi32>,
        tpu.vector_store_idx %arg13[%get3A_277], %broadcast_in_dim3A_1 {add = true} : memref<10240xf32, #tpu.memory_space<vmem>>[vector<16xi32>], vector<16xf32>,
        %get3A_278 = arith.constant 2 : i32
        %get3A_279 = arith.index_cast %get3A_278 : i32 to index
        %get3A_280 = arith.constant 96 : index
        %get3A_281 = tpu.vector_load %arg11[%get3A_279, %get3A_280] {strides = array<i32>} : memref<4x128xi32, #tpu.memory_space<vmem>>, vector<16xi32>,
        tpu.vector_store_idx %arg13[%get3A_281], %broadcast_in_dim3A_1 {add = true} : memref<10240xf32, #tpu.memory_space<vmem>>[vector<16xi32>], vector<16xf32>,
        %get3A_282 = arith.constant 2 : i32
        %get3A_283 = arith.index_cast %get3A_282 : i32 to index
        %get3A_284 = arith.constant 112 : index
        %get3A_285 = tpu.vector_load %arg11[%get3A_283, %get3A_284] {strides = array<i32>} : memref<4x128xi32, #tpu.memory_space<vmem>>, vector<16xi32>,
        tpu.vector_store_idx %arg13[%get3A_285], %broadcast_in_dim3A_1 {add = true} : memref<10240xf32, #tpu.memory_space<vmem>>[vector<16xi32>], vector<16xf32>,
      } else {
      }
      %add3A_203 = arith.constant 1 : i32
      %add3A_204 = arith.addi %add3A_168, %add3A_203 : i32
      %mul3A_205 = arith.constant 32 : i32
      %mul3A_206 = arith.muli %add3A_204, %mul3A_205 : i32
      %add3A_207 = arith.addi %mul3A_206, %add3A : i32
      %lt3A_208 = arith.constant 2500 : i32
      %lt3A_209 = arith.cmpi slt, %add3A_207, %lt3A_208 : i32
      %convert_element_type3A_210 = arith.extui %lt3A_209 : i1 to i32
      %cond3A_211 = arith.constant 0 : i32
      %cond3A_212 = arith.cmpi ne, %convert_element_type3A_210, %cond3A_211 : i32
      scf.if %cond3A_212 {
        %mul3A_213 = arith.constant 32 : i32
        %mul3A_214 = arith.muli %add3A_204, %mul3A_213 : i32
        %add3A_215 = arith.addi %mul3A_214, %add3A : i32
        %mul3A_216 = arith.constant 128 : i32
        %mul3A_217 = arith.muli %add3A_215, %mul3A_216 : i32
        %dma_start3A = arith.constant 0 : i32
        %dma_start3A_218 = arith.constant 0 : i32
        %dma_start3A_219 = arith.constant 0 : i32
        %dma_start3A_220 = tpu.memref_slice %arg10[%dma_start3A, %dma_start3A_219] : memref<2x128xi32, #tpu.memory_space<vmem>> -> memref<1x128xi32, #tpu.memory_space<vmem>>
        %dma_start3A_221 = tpu.memref_squeeze %dma_start3A_220 : memref<1x128xi32, #tpu.memory_space<vmem>> -> memref<128xi32, #tpu.memory_space<vmem>>
        %dma_start3A_222 = tpu.memref_slice %arg3[%mul3A_217] : memref<320000xi32, #tpu.memory_space<hbm>> -> memref<128xi32, #tpu.memory_space<hbm>>
        %dma_start3A_223 = tpu.memref_slice %arg14[%dma_start3A_218] : memref<2x!tpu.dma_semaphore, #tpu.memory_space<semaphore_mem>> -> memref<1x!tpu.dma_semaphore, #tpu.memory_space<semaphore_mem>>
        %dma_start3A_224 = tpu.memref_squeeze %dma_start3A_223 : memref<1x!tpu.dma_semaphore, #tpu.memory_space<semaphore_mem>> -> memref<!tpu.dma_semaphore, #tpu.memory_space<semaphore_mem>>
        %dma_start3A_225 = arith.constant 0 : i32
        %dma_start3A_226 = tpu.memref_slice %arg10[%dma_start3A, %dma_start3A_225] : memref<2x128xi32, #tpu.memory_space<vmem>> -> memref<1x128xi32, #tpu.memory_space<vmem>>
        %dma_start3A_227 = tpu.memref_squeeze %dma_start3A_226 : memref<1x128xi32, #tpu.memory_space<vmem>> -> memref<128xi32, #tpu.memory_space<vmem>>
        %dma_start3A_228 = tpu.memref_slice %arg3[%mul3A_217] : memref<320000xi32, #tpu.memory_space<hbm>> -> memref<128xi32, #tpu.memory_space<hbm>>
        tpu.enqueue_dma source(%dma_start3A_228 : memref<128xi32, #tpu.memory_space<hbm>>) target(%dma_start3A_227 : memref<128xi32, #tpu.memory_space<vmem>>) target_semaphore(%dma_start3A_224 : memref<!tpu.dma_semaphore, #tpu.memory_space<semaphore_mem>>)
        %dma_start3A_229 = arith.constant 0 : i32
        %dma_start3A_230 = arith.constant 0 : i32
        %dma_start3A_231 = arith.constant 0 : i32
        %dma_start3A_232 = tpu.memref_slice %arg11[%dma_start3A_229, %dma_start3A_231] : memref<4x128xi32, #tpu.memory_space<vmem>> -> memref<1x128xi32, #tpu.memory_space<vmem>>
        %dma_start3A_233 = tpu.memref_squeeze %dma_start3A_232 : memref<1x128xi32, #tpu.memory_space<vmem>> -> memref<128xi32, #tpu.memory_space<vmem>>
        %dma_start3A_234 = tpu.memref_slice %arg4[%mul3A_217] : memref<320000xi32, #tpu.memory_space<hbm>> -> memref<128xi32, #tpu.memory_space<hbm>>
        %dma_start3A_235 = tpu.memref_slice %arg15[%dma_start3A_230] : memref<4x!tpu.dma_semaphore, #tpu.memory_space<semaphore_mem>> -> memref<1x!tpu.dma_semaphore, #tpu.memory_space<semaphore_mem>>
        %dma_start3A_236 = tpu.memref_squeeze %dma_start3A_235 : memref<1x!tpu.dma_semaphore, #tpu.memory_space<semaphore_mem>> -> memref<!tpu.dma_semaphore, #tpu.memory_space<semaphore_mem>>
        %dma_start3A_237 = arith.constant 0 : i32
        %dma_start3A_238 = tpu.memref_slice %arg11[%dma_start3A_229, %dma_start3A_237] : memref<4x128xi32, #tpu.memory_space<vmem>> -> memref<1x128xi32, #tpu.memory_space<vmem>>
        %dma_start3A_239 = tpu.memref_squeeze %dma_start3A_238 : memref<1x128xi32, #tpu.memory_space<vmem>> -> memref<128xi32, #tpu.memory_space<vmem>>
        %dma_start3A_240 = tpu.memref_slice %arg4[%mul3A_217] : memref<320000xi32, #tpu.memory_space<hbm>> -> memref<128xi32, #tpu.memory_space<hbm>>
        tpu.enqueue_dma source(%dma_start3A_240 : memref<128xi32, #tpu.memory_space<hbm>>) target(%dma_start3A_239 : memref<128xi32, #tpu.memory_space<vmem>>) target_semaphore(%dma_start3A_236 : memref<!tpu.dma_semaphore, #tpu.memory_space<semaphore_mem>>)
      } else {
      }
    }
    %scan3A_12 = arith.constant 21 : i32
    %barrier3A_13 = arith.constant 0 : index
    tpu.barrier barrier_id(%barrier3A_13)
    %mul3A_14 = arith.constant 640 : i32
    %mul3A_15 = arith.muli %arg1, %mul3A_14 : i32
    %mul3A_16 = arith.constant 10240 : i32
    %mul3A_17 = arith.muli %arg0, %mul3A_16 : i32
    %mul3A_18 = arith.constant 640 : i32
    %mul3A_19 = arith.muli %arg1, %mul3A_18 : i32
    %add3A_20 = arith.addi %mul3A_17, %mul3A_19 : i32
    "tpu.region"() ({
      %run_scoped3A = tpu.sem_alloc : memref<!tpu.dma_semaphore, #tpu.memory_space<semaphore_mem>>
      %dma_start3A = arith.constant 0 : i32
      %dma_start3A_23 = tpu.memref_slice %arg7[%add3A_20, %dma_start3A] : memref<20480x128xf32, #tpu.memory_space<hbm>> -> memref<640x128xf32, #tpu.memory_space<hbm>>
      %dma_start3A_24 = arith.constant 0 : i32
      %dma_start3A_25 = tpu.memref_slice %arg9[%mul3A_15, %dma_start3A_24] : memref<10240x128xf32, #tpu.memory_space<vmem_shared>> -> memref<640x128xf32, #tpu.memory_space<vmem_shared>>
      tpu.enqueue_dma source(%dma_start3A_25 : memref<640x128xf32, #tpu.memory_space<vmem_shared>>) target(%dma_start3A_23 : memref<640x128xf32, #tpu.memory_space<hbm>>) target_semaphore(%run_scoped3A : memref<!tpu.dma_semaphore, #tpu.memory_space<semaphore_mem>>)
      %dma_wait3A = arith.constant 0 : i32
      %dma_wait3A_26 = tpu.memref_slice %arg7[%add3A_20, %dma_wait3A] : memref<20480x128xf32, #tpu.memory_space<hbm>> -> memref<640x128xf32, #tpu.memory_space<hbm>>
      %dma_wait3A_27 = arith.constant 0 : i32
      %dma_wait3A_28 = tpu.memref_slice %arg9[%mul3A_15, %dma_wait3A_27] : memref<10240x128xf32, #tpu.memory_space<vmem_shared>> -> memref<640x128xf32, #tpu.memory_space<vmem_shared>>
      tpu.wait_dma2 semaphore(%run_scoped3A : memref<!tpu.dma_semaphore, #tpu.memory_space<semaphore_mem>>) src(%dma_wait3A_28 : memref<640x128xf32, #tpu.memory_space<vmem_shared>>) dst(%dma_wait3A_26 : memref<640x128xf32, #tpu.memory_space<hbm>>)
      tpu.yield
    }) : () -> ()
    %mul3A_21 = arith.constant 10240 : i32
    %mul3A_22 = arith.muli %add3A, %mul3A_21 : i32
    "tpu.region"() ({
      %run_scoped3A = tpu.sem_alloc : memref<!tpu.dma_semaphore, #tpu.memory_space<semaphore_mem>>
      %dma_start3A = tpu.memref_slice %arg8[%mul3A_22] : memref<327680xf32, #tpu.memory_space<hbm>> -> memref<10240xf32, #tpu.memory_space<hbm>>
      %dma_start3A_23 = tpu.memref_slice %arg8[%mul3A_22] : memref<327680xf32, #tpu.memory_space<hbm>> -> memref<10240xf32, #tpu.memory_space<hbm>>
      tpu.enqueue_dma source(%arg13 : memref<10240xf32, #tpu.memory_space<vmem>>) target(%dma_start3A_23 : memref<10240xf32, #tpu.memory_space<hbm>>) target_semaphore(%run_scoped3A : memref<!tpu.dma_semaphore, #tpu.memory_space<semaphore_mem>>)
      %dma_wait3A = tpu.memref_slice %arg8[%mul3A_22] : memref<327680xf32, #tpu.memory_space<hbm>> -> memref<10240xf32, #tpu.memory_space<hbm>>
      %dma_wait3A_24 = tpu.memref_slice %arg8[%mul3A_22] : memref<327680xf32, #tpu.memory_space<hbm>> -> memref<10240xf32, #tpu.memory_space<hbm>>
      tpu.wait_dma2 semaphore(%run_scoped3A : memref<!tpu.dma_semaphore, #tpu.memory_space<semaphore_mem>>) src(%arg13 : memref<10240xf32, #tpu.memory_space<vmem>>) dst(%dma_wait3A_24 : memref<10240xf32, #tpu.memory_space<hbm>>)
      tpu.yield
    }) : () -> ()
    return
  }
}

module attributes {stable_mosaic.version = 14 : i64} {
  func.func @_tc2_body(%arg0: i32, %arg1: memref<1024x128xf32, #tpu.memory_space<vmem>>, %arg2: memref<1024x128xf32, #tpu.memory_space<vmem>>, %arg3: memref<32x1024xf32, #tpu.memory_space<vmem>>, %arg4: memref<1024x128xf32, #tpu.memory_space<vmem>>, %arg5: memref<1x128xf32, #tpu.memory_space<vmem>>, %arg6: memref<1x128xf32, #tpu.memory_space<vmem>>, %arg7: memref<1024x128xf32, #tpu.memory_space<vmem>>, %arg8: memref<1024x1xf32, #tpu.memory_space<vmem>>, %arg9: memref<1024x1xf32, #tpu.memory_space<vmem>>, %arg10: memref<1024x1xf32, #tpu.memory_space<vmem>>) attributes {dimension_semantics = [#tpu.dimension_semantics<arbitrary>], iteration_bounds = array<i64: 10>, scalar_prefetch = 0 : i64, scratch_operands = 0 : i64, tpu.core_type = #tpu.core_type<tc>, window_params = [{transform_indices = @transform_0, window_bounds = array<i64: 1024, 128>}, {transform_indices = @transform_1, window_bounds = array<i64: 1024, 128>}, {transform_indices = @transform_2, window_bounds = array<i64: 32, 1024>}, {transform_indices = @transform_3, window_bounds = array<i64: 1024, 128>}, {pipeline_mode = #tpu.pipeline_mode<synchronous>, transform_indices = @transform_4, window_bounds = array<i64: 1, 128>}, {pipeline_mode = #tpu.pipeline_mode<synchronous>, transform_indices = @transform_5, window_bounds = array<i64: 1, 128>}, {transform_indices = @transform_6, window_bounds = array<i64: 1024, 128>}, {transform_indices = @transform_7, window_bounds = array<i64: 1024, 1>}, {transform_indices = @transform_8, window_bounds = array<i64: 1024, 1>}, {transform_indices = @transform_9, window_bounds = array<i64: 1024, 1>}]} {
    %broadcast_in_dim3A = arith.constant 1.000000e+00 : f32
    %broadcast_in_dim3A_0 = vector.broadcast %broadcast_in_dim3A : f32 to vector<32x1xf32>
    %get3A = arith.constant 0 : index
    %get3A_1 = arith.constant 0 : index
    %get3A_2 = vector.load %arg3[%get3A, %get3A_1] : memref<32x1024xf32, #tpu.memory_space<vmem>>, vector<32x1024xf32>
    %dot_general3A = arith.constant dense<0.000000e+00> : vector<1024x1xf32>
    %dot_general3A_3 = tpu.matmul %get3A_2, %broadcast_in_dim3A_0, %dot_general3A {dimension_numbers = #tpu.dot_dimension_numbers<[0], [0], [1], [1], [0, 1, 1, 1], [], []>, transpose_lhs_hint = false} : vector<32x1024xf32>, vector<32x1xf32>, vector<1024x1xf32> -> vector<1024x1xf32>
    %max3A = arith.constant 1.000000e+00 : f32
    %max3A_4 = vector.broadcast %max3A : f32 to vector<1024x1xf32>
    %max3A_5 = arith.maximumf %dot_general3A_3, %max3A_4 : vector<1024x1xf32>
    %get3A_6 = arith.constant 0 : index
    %get3A_7 = arith.constant 0 : index
    %get3A_8 = vector.load %arg1[%get3A_6, %get3A_7] : memref<1024x128xf32, #tpu.memory_space<vmem>>, vector<1024x128xf32>
    %get3A_9 = arith.constant 0 : index
    %get3A_10 = arith.constant 0 : index
    %get3A_11 = vector.load %arg2[%get3A_9, %get3A_10] : memref<1024x128xf32, #tpu.memory_space<vmem>>, vector<1024x128xf32>
    %add3A = arith.addf %get3A_8, %get3A_11 : vector<1024x128xf32>
    %div3A = vector.broadcast %max3A_5 : vector<1024x1xf32> to vector<1024x128xf32>
    %div3A_12 = arith.divf %add3A, %div3A : vector<1024x128xf32>
    %get3A_13 = arith.constant 0 : index
    %get3A_14 = arith.constant 0 : index
    %get3A_15 = vector.load %arg4[%get3A_13, %get3A_14] : memref<1024x128xf32, #tpu.memory_space<vmem>>, vector<1024x128xf32>
    %add3A_16 = arith.addf %div3A_12, %get3A_15 : vector<1024x128xf32>
    %swap3A = arith.constant 0 : index
    %swap3A_17 = arith.constant 0 : index
    %swap3A_18 = vector.load %arg7[%swap3A, %swap3A_17] : memref<1024x128xf32, #tpu.memory_space<vmem>>, vector<1024x128xf32>
    tpu.vector_store %arg7[%swap3A, %swap3A_17], %add3A_16 {strides = array<i32>} : memref<1024x128xf32, #tpu.memory_space<vmem>>, vector<1024x128xf32>,
    %max3A_19 = arith.constant 0.000000e+00 : f32
    %max3A_20 = vector.broadcast %max3A_19 : f32 to vector<1024x128xf32>
    %max3A_21 = arith.maximumf %add3A_16, %max3A_20 : vector<1024x128xf32>
    %get3A_22 = arith.constant 0 : index
    %get3A_23 = arith.constant 0 : index
    %get3A_24 = vector.load %arg5[%get3A_22, %get3A_23] : memref<1x128xf32, #tpu.memory_space<vmem>>, vector<1x128xf32>
    %mul3A = vector.broadcast %get3A_24 : vector<1x128xf32> to vector<1024x128xf32>
    %mul3A_25 = arith.mulf %max3A_21, %mul3A : vector<1024x128xf32>
    %reduce_sum3A = arith.constant dense<0.000000e+00> : vector<1024xf32>
    %reduce_sum3A_26 = vector.multi_reduction <add>, %mul3A_25, %reduce_sum3A [1] : vector<1024x128xf32> to vector<1024xf32>
    %broadcast_in_dim3A_27 = vector.shape_cast %reduce_sum3A_26 : vector<1024xf32> to vector<1024x1xf32>
    %swap3A_28 = arith.constant 0 : index
    %swap3A_29 = arith.constant 0 : index
    %swap3A_30 = vector.load %arg8[%swap3A_28, %swap3A_29] : memref<1024x1xf32, #tpu.memory_space<vmem>>, vector<1024x1xf32>
    tpu.vector_store %arg8[%swap3A_28, %swap3A_29], %broadcast_in_dim3A_27 {strides = array<i32>} : memref<1024x1xf32, #tpu.memory_space<vmem>>, vector<1024x1xf32>,
    %get3A_31 = arith.constant 0 : index
    %get3A_32 = arith.constant 0 : index
    %get3A_33 = vector.load %arg6[%get3A_31, %get3A_32] : memref<1x128xf32, #tpu.memory_space<vmem>>, vector<1x128xf32>
    %mul3A_34 = vector.broadcast %get3A_33 : vector<1x128xf32> to vector<1024x128xf32>
    %mul3A_35 = arith.mulf %max3A_21, %mul3A_34 : vector<1024x128xf32>
    %reduce_sum3A_36 = arith.constant dense<0.000000e+00> : vector<1024xf32>
    %reduce_sum3A_37 = vector.multi_reduction <add>, %mul3A_35, %reduce_sum3A_36 [1] : vector<1024x128xf32> to vector<1024xf32>
    %broadcast_in_dim3A_38 = vector.shape_cast %reduce_sum3A_37 : vector<1024xf32> to vector<1024x1xf32>
    %swap3A_39 = arith.constant 0 : index
    %swap3A_40 = arith.constant 0 : index
    %swap3A_41 = vector.load %arg9[%swap3A_39, %swap3A_40] : memref<1024x1xf32, #tpu.memory_space<vmem>>, vector<1024x1xf32>
    tpu.vector_store %arg9[%swap3A_39, %swap3A_40], %broadcast_in_dim3A_38 {strides = array<i32>} : memref<1024x1xf32, #tpu.memory_space<vmem>>, vector<1024x1xf32>,
    %swap3A_42 = arith.constant 0 : index
    %swap3A_43 = arith.constant 0 : index
    %swap3A_44 = vector.load %arg10[%swap3A_42, %swap3A_43] : memref<1024x1xf32, #tpu.memory_space<vmem>>, vector<1024x1xf32>
    tpu.vector_store %arg10[%swap3A_42, %swap3A_43], %max3A_5 {strides = array<i32>} : memref<1024x1xf32, #tpu.memory_space<vmem>>, vector<1024x1xf32>,
    return
  }
  func.func @transform_0(%arg0: i32) -> (i32, i32) {
    %c0_i32 = arith.constant 0 : i32
    %c0_i32_0 = arith.constant 0 : i32
    return %arg0, %c0_i32 : i32, i32
  }
  func.func @transform_1(%arg0: i32) -> (i32, i32) {
    %add3A = arith.constant 10 : i32
    %add3A_0 = arith.addi %arg0, %add3A : i32
    %c0_i32 = arith.constant 0 : i32
    %c0_i32_1 = arith.constant 0 : i32
    return %add3A_0, %c0_i32 : i32, i32
  }
  func.func @transform_2(%arg0: i32) -> (i32, i32) {
    %c0_i32 = arith.constant 0 : i32
    %c0_i32_0 = arith.constant 0 : i32
    return %c0_i32, %arg0 : i32, i32
  }
  func.func @transform_3(%arg0: i32) -> (i32, i32) {
    %c0_i32 = arith.constant 0 : i32
    %c0_i32_0 = arith.constant 0 : i32
    return %arg0, %c0_i32 : i32, i32
  }
  func.func @transform_4(%arg0: i32) -> (i32, i32) {
    %c0_i32 = arith.constant 0 : i32
    %c0_i32_0 = arith.constant 0 : i32
    %c0_i32_1 = arith.constant 0 : i32
    return %c0_i32, %c0_i32_0 : i32, i32
  }
  func.func @transform_5(%arg0: i32) -> (i32, i32) {
    %c0_i32 = arith.constant 0 : i32
    %c0_i32_0 = arith.constant 0 : i32
    %c0_i32_1 = arith.constant 0 : i32
    return %c0_i32, %c0_i32_0 : i32, i32
  }
  func.func @transform_6(%arg0: i32) -> (i32, i32) {
    %c0_i32 = arith.constant 0 : i32
    %c0_i32_0 = arith.constant 0 : i32
    return %arg0, %c0_i32 : i32, i32
  }
  func.func @transform_7(%arg0: i32) -> (i32, i32) {
    %c0_i32 = arith.constant 0 : i32
    %c0_i32_0 = arith.constant 0 : i32
    return %arg0, %c0_i32 : i32, i32
  }
  func.func @transform_8(%arg0: i32) -> (i32, i32) {
    %c0_i32 = arith.constant 0 : i32
    %c0_i32_0 = arith.constant 0 : i32
    return %arg0, %c0_i32 : i32, i32
  }
  func.func @transform_9(%arg0: i32) -> (i32, i32) {
    %c0_i32 = arith.constant 0 : i32
    %c0_i32_0 = arith.constant 0 : i32
    return %arg0, %c0_i32 : i32, i32
  }
}

module attributes {stable_mosaic.version = 14 : i64} {
  func.func @_tc1_body(%arg0: i32, %arg1: memref<1000x128xf32, #tpu.memory_space<vmem>>, %arg2: memref<128x128xf32, #tpu.memory_space<vmem>>, %arg3: memref<128x128xf32, #tpu.memory_space<vmem>>, %arg4: memref<1x128xf32, #tpu.memory_space<vmem>>, %arg5: memref<1000x128xf32, #tpu.memory_space<vmem>>, %arg6: memref<1000x128xf32, #tpu.memory_space<vmem>>) attributes {dimension_semantics = [#tpu.dimension_semantics<arbitrary>], iteration_bounds = array<i64: 10>, scalar_prefetch = 0 : i64, scratch_operands = 0 : i64, tpu.core_type = #tpu.core_type<tc>, window_params = [{transform_indices = @transform_0, window_bounds = array<i64: 1000, 128>}, {pipeline_mode = #tpu.pipeline_mode<synchronous>, transform_indices = @transform_1, window_bounds = array<i64: 128, 128>}, {pipeline_mode = #tpu.pipeline_mode<synchronous>, transform_indices = @transform_2, window_bounds = array<i64: 128, 128>}, {pipeline_mode = #tpu.pipeline_mode<synchronous>, transform_indices = @transform_3, window_bounds = array<i64: 1, 128>}, {transform_indices = @transform_4, window_bounds = array<i64: 1000, 128>}, {transform_indices = @transform_5, window_bounds = array<i64: 1000, 128>}]} {
    %get3A = arith.constant 0 : index
    %get3A_0 = arith.constant 0 : index
    %get3A_1 = vector.load %arg1[%get3A, %get3A_0] : memref<1000x128xf32, #tpu.memory_space<vmem>>, vector<1000x128xf32>
    %get3A_2 = arith.constant 0 : index
    %get3A_3 = arith.constant 0 : index
    %get3A_4 = vector.load %arg2[%get3A_2, %get3A_3] : memref<128x128xf32, #tpu.memory_space<vmem>>, vector<128x128xf32>
    %dot_general3A = arith.constant dense<0.000000e+00> : vector<1000x128xf32>
    %dot_general3A_5 = tpu.matmul %get3A_1, %get3A_4, %dot_general3A {dimension_numbers = #tpu.dot_dimension_numbers<[1], [0], [0], [1], [0, 0, 1, 1], [], []>, transpose_lhs_hint = false} : vector<1000x128xf32>, vector<128x128xf32>, vector<1000x128xf32> -> vector<1000x128xf32>
    %swap3A = arith.constant 0 : index
    %swap3A_6 = arith.constant 0 : index
    %swap3A_7 = vector.load %arg5[%swap3A, %swap3A_6] : memref<1000x128xf32, #tpu.memory_space<vmem>>, vector<1000x128xf32>
    tpu.vector_store %arg5[%swap3A, %swap3A_6], %dot_general3A_5 {strides = array<i32>} : memref<1000x128xf32, #tpu.memory_space<vmem>>, vector<1000x128xf32>,
    %get3A_8 = arith.constant 0 : index
    %get3A_9 = arith.constant 0 : index
    %get3A_10 = vector.load %arg3[%get3A_8, %get3A_9] : memref<128x128xf32, #tpu.memory_space<vmem>>, vector<128x128xf32>
    %dot_general3A_11 = arith.constant dense<0.000000e+00> : vector<1000x128xf32>
    %dot_general3A_12 = tpu.matmul %get3A_1, %get3A_10, %dot_general3A_11 {dimension_numbers = #tpu.dot_dimension_numbers<[1], [0], [0], [1], [0, 0, 1, 1], [], []>, transpose_lhs_hint = false} : vector<1000x128xf32>, vector<128x128xf32>, vector<1000x128xf32> -> vector<1000x128xf32>
    %get3A_13 = arith.constant 0 : index
    %get3A_14 = arith.constant 0 : index
    %get3A_15 = vector.load %arg4[%get3A_13, %get3A_14] : memref<1x128xf32, #tpu.memory_space<vmem>>, vector<1x128xf32>
    %add3A = vector.broadcast %get3A_15 : vector<1x128xf32> to vector<1000x128xf32>
    %add3A_16 = arith.addf %dot_general3A_12, %add3A : vector<1000x128xf32>
    %swap3A_17 = arith.constant 0 : index
    %swap3A_18 = arith.constant 0 : index
    %swap3A_19 = vector.load %arg6[%swap3A_17, %swap3A_18] : memref<1000x128xf32, #tpu.memory_space<vmem>>, vector<1000x128xf32>
    tpu.vector_store %arg6[%swap3A_17, %swap3A_18], %add3A_16 {strides = array<i32>} : memref<1000x128xf32, #tpu.memory_space<vmem>>, vector<1000x128xf32>,
    return
  }
  func.func @transform_0(%arg0: i32) -> (i32, i32) {
    %c0_i32 = arith.constant 0 : i32
    %c0_i32_0 = arith.constant 0 : i32
    return %arg0, %c0_i32 : i32, i32
  }
  func.func @transform_1(%arg0: i32) -> (i32, i32) {
    %c0_i32 = arith.constant 0 : i32
    %c0_i32_0 = arith.constant 0 : i32
    %c0_i32_1 = arith.constant 0 : i32
    return %c0_i32, %c0_i32_0 : i32, i32
  }
  func.func @transform_2(%arg0: i32) -> (i32, i32) {
    %c0_i32 = arith.constant 0 : i32
    %c0_i32_0 = arith.constant 0 : i32
    %c0_i32_1 = arith.constant 0 : i32
    return %c0_i32, %c0_i32_0 : i32, i32
  }
  func.func @transform_3(%arg0: i32) -> (i32, i32) {
    %c0_i32 = arith.constant 0 : i32
    %c0_i32_0 = arith.constant 0 : i32
    %c0_i32_1 = arith.constant 0 : i32
    return %c0_i32, %c0_i32_0 : i32, i32
  }
  func.func @transform_4(%arg0: i32) -> (i32, i32) {
    %c0_i32 = arith.constant 0 : i32
    %c0_i32_0 = arith.constant 0 : i32
    return %arg0, %c0_i32 : i32, i32
  }
  func.func @transform_5(%arg0: i32) -> (i32, i32) {
    %c0_i32 = arith.constant 0 : i32
    %c0_i32_0 = arith.constant 0 : i32
    return %arg0, %c0_i32 : i32, i32
  }
}

module attributes {stable_mosaic.version = 14 : i64} {
  func.func @_tc3_body(%arg0: i32, %arg1: memref<80x128xf32, #tpu.memory_space<vmem>>, %arg2: memref<80x128xf32, #tpu.memory_space<vmem>>, %arg3: memref<80x128xf32, #tpu.memory_space<vmem>>, %arg4: memref<80x128xf32, #tpu.memory_space<vmem>>, %arg5: memref<1x1xf32, #tpu.memory_space<smem>>, %arg6: memref<80x128xf32, #tpu.memory_space<vmem>>) attributes {dimension_semantics = [#tpu.dimension_semantics<arbitrary>], iteration_bounds = array<i64: 1>, scalar_prefetch = 0 : i64, scratch_operands = 0 : i64, tpu.core_type = #tpu.core_type<tc>, window_params = [{pipeline_mode = #tpu.pipeline_mode<synchronous>, transform_indices = @transform_0, window_bounds = array<i64: 80, 128>}, {pipeline_mode = #tpu.pipeline_mode<synchronous>, transform_indices = @transform_1, window_bounds = array<i64: 80, 128>}, {pipeline_mode = #tpu.pipeline_mode<synchronous>, transform_indices = @transform_2, window_bounds = array<i64: 80, 128>}, {pipeline_mode = #tpu.pipeline_mode<synchronous>, transform_indices = @transform_3, window_bounds = array<i64: 80, 128>}, {transform_indices = @transform_4, window_bounds = array<i64: 1, 1>}, {pipeline_mode = #tpu.pipeline_mode<synchronous>, transform_indices = @transform_5, window_bounds = array<i64: 80, 128>}]} {
    %get3A = arith.constant 0 : index
    %get3A_0 = arith.constant 0 : index
    %get3A_1 = vector.load %arg1[%get3A, %get3A_0] : memref<80x128xf32, #tpu.memory_space<vmem>>, vector<80x128xf32>
    %get3A_2 = arith.constant 0 : index
    %get3A_3 = arith.constant 0 : index
    %get3A_4 = vector.load %arg2[%get3A_2, %get3A_3] : memref<80x128xf32, #tpu.memory_space<vmem>>, vector<80x128xf32>
    %add3A = arith.addf %get3A_1, %get3A_4 : vector<80x128xf32>
    %get3A_5 = arith.constant 0 : index
    %get3A_6 = arith.constant 0 : index
    %get3A_7 = vector.load %arg3[%get3A_5, %get3A_6] : memref<80x128xf32, #tpu.memory_space<vmem>>, vector<80x128xf32>
    %div3A = arith.divf %add3A, %get3A_7 : vector<80x128xf32>
    %get3A_8 = arith.constant 0 : index
    %get3A_9 = arith.constant 0 : index
    %get3A_10 = memref.load %arg5[%get3A_8, %get3A_9] : memref<1x1xf32, #tpu.memory_space<smem>>
    %add3A_11 = vector.broadcast %get3A_10 : f32 to vector<80x128xf32>
    %add3A_12 = arith.addf %div3A, %add3A_11 : vector<80x128xf32>
    %get3A_13 = arith.constant 0 : index
    %get3A_14 = arith.constant 0 : index
    %get3A_15 = vector.load %arg4[%get3A_13, %get3A_14] : memref<80x128xf32, #tpu.memory_space<vmem>>, vector<80x128xf32>
    %add3A_16 = arith.addf %add3A_12, %get3A_15 : vector<80x128xf32>
    %logistic3A = arith.negf %add3A_16 : vector<80x128xf32>
    %logistic3A_17 = math.exp %logistic3A : vector<80x128xf32>
    %logistic3A_18 = arith.constant 1.000000e+00 : f32
    %logistic3A_19 = vector.broadcast %logistic3A_18 : f32 to vector<80x128xf32>
    %logistic3A_20 = arith.addf %logistic3A_19, %logistic3A_17 : vector<80x128xf32>
    %logistic3A_21 = arith.divf %logistic3A_19, %logistic3A_20 : vector<80x128xf32>
    %swap3A = arith.constant 0 : index
    %swap3A_22 = arith.constant 0 : index
    %swap3A_23 = vector.load %arg6[%swap3A, %swap3A_22] : memref<80x128xf32, #tpu.memory_space<vmem>>, vector<80x128xf32>
    tpu.vector_store %arg6[%swap3A, %swap3A_22], %logistic3A_21 {strides = array<i32>} : memref<80x128xf32, #tpu.memory_space<vmem>>, vector<80x128xf32>,
    return
  }
  func.func @transform_0(%arg0: i32) -> (i32, i32) {
    %c0_i32 = arith.constant 0 : i32
    %c0_i32_0 = arith.constant 0 : i32
    %c0_i32_1 = arith.constant 0 : i32
    return %c0_i32, %c0_i32_0 : i32, i32
  }
  func.func @transform_1(%arg0: i32) -> (i32, i32) {
    %c0_i32 = arith.constant 0 : i32
    %c0_i32_0 = arith.constant 0 : i32
    %c0_i32_1 = arith.constant 0 : i32
    return %c0_i32, %c0_i32_0 : i32, i32
  }
  func.func @transform_2(%arg0: i32) -> (i32, i32) {
    %c0_i32 = arith.constant 0 : i32
    %c0_i32_0 = arith.constant 0 : i32
    %c0_i32_1 = arith.constant 0 : i32
    return %c0_i32, %c0_i32_0 : i32, i32
  }
  func.func @transform_3(%arg0: i32) -> (i32, i32) {
    %c0_i32 = arith.constant 0 : i32
    %c0_i32_0 = arith.constant 0 : i32
    %c0_i32_1 = arith.constant 0 : i32
    return %c0_i32, %c0_i32_0 : i32, i32
  }
  func.func @transform_4(%arg0: i32) -> (i32, i32) {
    %c0_i32 = arith.constant 0 : i32
    %c0_i32_0 = arith.constant 0 : i32
    %c0_i32_1 = arith.constant 0 : i32
    return %c0_i32, %c0_i32_0 : i32, i32
  }
  func.func @transform_5(%arg0: i32) -> (i32, i32) {
    %c0_i32 = arith.constant 0 : i32
    %c0_i32_0 = arith.constant 0 : i32
    %c0_i32_1 = arith.constant 0 : i32
    return %c0_i32, %c0_i32_0 : i32, i32
  }
}

</mosaic_0001>

<sc_bundles>
// kernel: kernel.10.cloned.1.call-start
scs
__scs_entry_jumppad:
0x0: {  	(pc) =	sbr.rel $0x88, $3  }
0x1: {  	(tag) =	ssettag $0x0;
	lr =	simm.s32 $0x1  }
0x2: {  	[smem:$0x3F99] =	sst lr;
	_ =	strace $0xD0000000  }
0x3: {  	_ = 	snop  }
0x4: {  	_ = 	snop  }
0x5: {  	_ = 	snop  }
0x6: {  	_ = 	snop  }
0x7: {  	_ = 	snop  }
__scs_overlays_trampoline_lowered:
0x8: {  	[smem:$0x3FA8] =	sst s0  }
0x9: {  	[smem:$0x3FA9] =	sst s1  }
0xa: {  	[smem:$0x3FAA] =	sst s2  }
0xb: {  	[smem:$0x3FAB] =	sst s3  }
0xc: {  	[smem:$0x3FAC] =	sst s4  }
0xd: {  	[smem:$0x3FAD] =	sst s5  }
0xe: {  	[smem:$0x3FAE] =	sst s6  }
0xf: {  	[smem:$0x3FAF] =	sst s7  }
0x10: {  	[smem:$0x3FB0] =	sst s8  }
0x11: {  	[smem:$0x3FB1] =	sst s9;
	s0 =	simm.s32 @!p0 $0x0  }
0x12: {  	s1 =	sld [smem:$0x3F97];
	s0 =	simm.s32 @p0 $0x1  }
0x13: {  	[smem:$0x3FB2] =	sst s0;
	s0 =	simm.s32 @!p1 $0x0  }
0x14: {  	s2 =	sld [smem:$0x3F96];
	s0 =	simm.s32 @p1 $0x1  }
0x15: {  	[smem:$0x3FB3] =	sst s0;
	s0 =	simm.s32 @!p2 $0x0  }
0x16: {  	s3 =	sld [smem:$0x3FDB];
	s0 =	simm.s32 @p2 $0x1  }
0x17: {  	s4 =	simm.s32 $0x1BF5;
	[smem:$0x3FB5] =	sst s0  }
0x18: {  	s0 =	sld [smem:$0x3F98];
	_ =	swait.ge [sflag:s4], $0x0  }
0x19: {  	s7 =	sld [smem:$0x3F99]  }
0x1a: {  	s8 =	sadd.s32 $0xFFFFE003, lr  }
0x1b: {  	s9 =	sadd.s32 $0xFFFFFEF7, lr;
	s5 =	simm.s32 $0xFFFFFFFF;
	p2 =	slt.u32 s8, $0xFFFFF086  }
0x1c: {  	p1 =	slt.u32 s9, $0xF7A;
	s5 =	simm.s32 @!p2 $0x0  }
0x1d: {  	s5 =	simm.s32 @p1 $0x1;
	p0 =	seq.s32 s7, s2  }
0x1e: {  	s7 =	smul.u32 @!p0 $0xF7A, s2;
	p2 =	seq.s32 @!p0 s5, $0x0  }
0x1f: {  	s9 =	smul.u32 $0xF7A, s1;
	s8 =	simm.s32 @!p0 $0x1BF5;
	p2 =	por !p2, p0  }
0x20: {  	[sflag:s8] =	ssyncset.s32 @!p0 $0xFFFFF086;
	s6 =	sadd.s32 @!p0 s3, s7;
	s7 =	simm.s32 @!p0 $0x108  }
0x21: {  	s3 =	sadd.s32 s3, s9;
	s6 =	sadd.s32 @!p0 $0x88, s6;
	s7 =	simm.s32 @p2 $0x1082  }
0x22: {  	[simem:s7], [sflag:s8] =	dma.local @!p0 [hbm:s6], $0xF7A  }
0x23: {  	s9 =	sor.u32 $0xD0000000, s2;
	s6 =	simm.s32 $0x108;
	_ =	swait.ge @!p0 [sflag:s8], $0x0  }
0x24: {  	s3 =	sadd.s32 $0x88, s3;
	s6 =	simm.s32 @!p1 $0x1082;
	[sflag:s4] =	ssyncset.s32 $0xFFFFF086  }
0x25: {  	[simem:s6], [sflag:s4] =	dma.local [hbm:s3], $0xF7A  }
0x26: {  	[smem:$0x3F99] =	sst s1;
	(tag) =	ssettag s2;
	_ =	strace s9  }
0x27: {  	s1 =	sld [smem:$0x3FA9]  }
0x28: {  	s2 =	sld [smem:$0x3FAA]  }
0x29: {  	s4 =	sld [smem:$0x3FAC]  }
0x2a: {  	p0 =	seq.s32 s5, $0x0;
	s5 =	sld [smem:$0x3FAD]  }
0x2b: {  	s6 =	sld [smem:$0x3FAE]  }
0x2c: {  	s7 =	sld [smem:$0x3FAF]  }
0x2d: {  	s3 =	simm.s32 $0x108;
	s8 =	sld [smem:$0x3FB0]  }
0x2e: {  	s3 =	simm.s32 @!p0 $0x1082;
	s9 =	sld [smem:$0x3FB1]  }
0x2f: {  	lr =	sadd.s32 s0, s3;
	s0 =	sld [smem:$0x3FA8]  }
0x30: {  	s3 =	sld [smem:$0x3FAB]  }
0x31: {  	[smem:$0x3FB4] =	sst s10  }
0x32: {  	s10 =	sld [smem:$0x3FB2];
	_ =	sdelay $0x3  }
0x33: {  	p0 =	seq.s32 s10, $0x1;
	s10 =	sld [smem:$0x3FB4];
	_ =	sdelay $0x3  }
0x34: {  	[smem:$0x3FB4] =	sst s10  }
0x35: {  	s10 =	sld [smem:$0x3FB3];
	_ =	sdelay $0x3  }
0x36: {  	p1 =	seq.s32 s10, $0x1;
	s10 =	sld [smem:$0x3FB4];
	_ =	sdelay $0x3  }
0x37: {  	[smem:$0x3FB4] =	sst s10  }
0x38: {  	s10 =	sld [smem:$0x3FB5]  }
0x39: {  	_ = 	snop;
	(pc) =	sbr.ind lr, $3  }
0x3a: {  	_ = 	snop  }
0x3b: {  	_ = 	snop  }
0x3c: {  	p2 =	seq.s32 s10, $0x1;
	s10 =	sld [smem:$0x3FB4]  }
0x3d: {  	_ =	shalt  }
0x3e: {  	_ =	shalt  }
0x3f: {  	_ =	shalt  }
0x40: {  	_ =	shalt  }
0x41: {  	_ =	shalt  }
0x42: {  	_ =	shalt  }
0x43: {  	_ =	shalt  }
0x44: {  	_ =	shalt  }
0x45: {  	_ =	shalt  }
0x46: {  	_ =	shalt  }
0x47: {  	_ =	shalt  }
0x48: {  	_ =	shalt  }
0x49: {  	_ =	shalt  }
0x4a: {  	_ =	shalt  }
0x4b: {  	_ =	shalt  }
0x4c: {  	_ =	shalt  }
0x4d: {  	_ =	shalt  }
0x4e: {  	_ =	shalt  }
0x4f: {  	_ =	shalt  }
0x50: {  	_ =	shalt  }
0x51: {  	_ =	shalt  }
0x52: {  	_ =	shalt  }
0x53: {  	_ =	shalt  }
0x54: {  	_ =	shalt  }
0x55: {  	_ =	shalt  }
0x56: {  	_ =	shalt  }
0x57: {  	_ =	shalt  }
0x58: {  	_ =	shalt  }
0x59: {  	_ =	shalt  }
0x5a: {  	_ =	shalt  }
0x5b: {  	_ =	shalt  }
0x5c: {  	_ =	shalt  }
0x5d: {  	_ =	shalt  }
0x5e: {  	_ =	shalt  }
0x5f: {  	_ =	shalt  }
0x60: {  	_ =	shalt  }
0x61: {  	_ =	shalt  }
0x62: {  	_ =	shalt  }
0x63: {  	_ =	shalt  }
0x64: {  	_ =	shalt  }
0x65: {  	_ =	shalt  }
0x66: {  	_ =	shalt  }
0x67: {  	_ =	shalt  }
0x68: {  	_ =	shalt  }
0x69: {  	_ =	shalt  }
0x6a: {  	_ =	shalt  }
0x6b: {  	_ =	shalt  }
0x6c: {  	_ =	shalt  }
0x6d: {  	_ =	shalt  }
0x6e: {  	_ =	shalt  }
0x6f: {  	_ =	shalt  }
0x70: {  	_ =	shalt  }
0x71: {  	_ =	shalt  }
0x72: {  	_ =	shalt  }
0x73: {  	_ =	shalt  }
0x74: {  	_ =	shalt  }
0x75: {  	_ =	shalt  }
0x76: {  	_ =	shalt  }
0x77: {  	_ =	shalt  }
0x78: {  	_ =	shalt  }
0x79: {  	_ =	shalt  }
0x7a: {  	_ =	shalt  }
0x7b: {  	_ =	shalt  }
0x7c: {  	_ =	shalt  }
0x7d: {  	_ =	shalt  }
0x7e: {  	_ =	shalt  }
0x7f: {  	_ =	shalt  }
0x80: {  	_ =	shalt  }
0x81: {  	_ =	shalt  }
0x82: {  	_ =	shalt  }
0x83: {  	_ =	shalt  }
0x84: {  	_ =	shalt  }
0x85: {  	_ =	shalt  }
0x86: {  	_ =	shalt  }
0x87: {  	_ =	shalt  }
.Lfunc_end0:
.L_simem_size_0:
called_computation.1_lowered:
.L_overlay_start_0:
0x88: {  	s2 =	sld [smem:$0x3FD9]  }
0x89: {  	s3 =	sld [smem:$0x3FFE];
	_ =	sdelay $0x1  }
0x8a: {  	s1 =	srdreg.scid  }
0x8b: {  	s0 =	sand.u32 $0x1, s1  }
0x8c: {  	s14 =	sshll.u32 s0, $0xA;
	s2 =	sadd.s32 s3, s2  }
0x8d: {  	s2 =	sadd.s32 s2, s14  }
0x8e: {  	[smem:$0x3FC0] =	sst s2  }
0x8f: {  	_ = 	snop  }
0x90: {  	s2 =	sld [smem:$0x3FD0];
	_ =	sdelay $0x2  }
0x91: {  	s15 =	simm.s32 $0xA;
	s4 =	simm.s32 $0x10  }
0x92: {  	[smem:s4], [sflag:s15] =	dma.local [hbm:s2], $0x1  }
0x93: {  	_ =	swait.eq [sflag:s15], $0x1  }
0x94: {  	[sflag:s15] =	ssyncset.done $0x0  }
0x95: {  	[sflag:s15] =	ssyncadd.s32 $0xFFFFFFFF  }
0x96: {  	s16 =	sld [smem:$0x10];
	(tm) =	ssettm $0x1  }
0x97: {  	s17 =	sld [smem:$0x3FFB];
	_ =	sdelay $0x3  }
0x98: {  	_ =	strace s17  }
0x99: {  	s3 =	sld [smem:$0x3FFC];
	_ =	sdelay $0x3  }
0x9a: {  	_ =	strace s3  }
0x9b: {  	s3 =	sld [smem:$0x3FFD];
	_ =	sdelay $0x3  }
0x9c: {  	_ =	strace s3  }
0x9d: {  	_ =	strace $0x8FFFFFFF  }
0x9e: {  	s18 =	sld [smem:$0x3FDB];
	_ =	sdelay $0x1  }
0x9f: {  	s19 =	simm.s32 $_scs_section_size  }
0xa0: {  	s5 =	simm.s32 $_size__tile_overlayer_lowered;
	s6 =	simm.s32 $_tile_overlayer_lowered  }
0xa1: {  	s22 =	simm.s32 $0x1BFF;
	s21 =	sshll.u32 s6, $0x1;
	s3 =	sadd.s32 s19, s18  }
0xa2: {  	s7 =	simm.s32 $0x0;
	s20 =	sshll.u32 s5, $0x1;
	s5 =	sadd.s32 s21, s3  }
0xa3: {  	[timem:s7], [sflag:s22] =	dma.local [hbm:s5], s20  }
0xa4: {  	_ =	swait.ge [sflag:s22], s20  }
0xa5: {  	s4 =	ssub.s32 $0x0, s20;
	[sflag:s22] =	ssyncset.done $0x0  }
0xa6: {  	[sflag:s22] =	ssyncadd.s32 s4;
	_ =	sdelay $0x1  }
0xa7: {  	s23 =	simm.s32 $0x1B8B  }
0xa8: {  	_ =	swait.ge [sflag:s23], $0x1  }
0xa9: {  	[sflag:s23] =	ssyncset.done $0x0  }
0xaa: {  	s25 =	simm.s32 $0x1B8E;
	s24 =	sld [smem:$0x3FFE];
	[sflag:s23] =	ssyncadd.s32 $0xFFFFFFFF  }
0xab: {  	s26 =	simm.s32 $execute0_lowered;
	[smem:$0x3FD2] =	sst s25  }
0xac: {  	s5 =	sshll.u32 s26, $0x1;
	_ =	strace $0x80000049;
	[dreg:$0x1] =	wrdreg $0xFFFFFFFF  }
0xad: {  	s28 =	simm.s32 $_size_execute0_lowered;
	s3 =	sadd.s32 s3, s5;
	[dreg:$0x0] =	wrdreg $0x0  }
0xae: {  	s5 =	sshll.u32 s28, $0x1;
	[dreg:$0x2] =	wrdreg s3  }
0xaf: {  	[dreg:$0x3] =	wrdreg s5  }
0xb0: {  	[dreg:$0x4] =	wrdreg $0xC0  }
0xb1: {  	_ =	task [dreg:s7], $0x5FFFF  }
0xb2: {  	[dreg:$0x1] =	wrdreg $0xFFFFFFFF  }
0xb3: {  	[dreg:$0x0] =	wrdreg $0x60  }
0xb4: {  	[dreg:$0x2] =	wrdreg s24  }
0xb5: {  	[dreg:$0x3] =	wrdreg s16  }
0xb6: {  	[dreg:$0x4] =	wrdreg $0x0  }
0xb7: {  	[dreg:$0x5] =	wrdreg $0x9  }
0xb8: {  	_ =	task.clear_ibuf [dreg:s7], $0x6FFFF;
	_ =	strace $0x90000049  }
0xb9: {  	s29 =	simm.s32 $0x9;
	_ =	strace $0x8000004B  }
0xba: {  	_ =	swait.ge [sflag:s29], $0x1  }
0xbb: {  	[sflag:s29] =	ssyncadd.s32 $0xFFFFFFFF  }
0xbc: {  	_ =	strace $0x9000004B  }
0xbd: {  	_ =	sfence  }
0xbe: {  	s30 =	sld [smem:$0x0];
	_ =	sdelay $0x2  }
0xbf: {  	s31 =	sshll.u32 s1, $0xD;
	s1 =	sshrl.u32 s1, $0x2  }
0xc0: {  	s3 =	sand.u32 $0x4000, s31;
	s1 =	sadd.s32 s1, s30  }
0xc1: {  	s0 =	sor.u32 s3, s0;
	s1 =	sshll.u32 s1, $0x11  }
0xc2: {  	s0 =	sor.u32 s1, s0  }
0xc3: {  	s0 =	sadd.s32 $0x8F2B, s0  }
0xc4: {  	[sflag:s0] =	ssyncadd.remote.s32 $0x1  }
0xc5: {  	_ =	sfence.sel $0xFFFF  }
0xc6: {  	[dreg:$0x0] =	wrdreg $0xFFFFFFFF;
	(pc) =	sbr.abs _section_cstart, $3  }
0xc7: {  	[dreg:$0x1] =	wrdreg $0xFFFFFFFF  }
0xc8: {  	_ =	task.clear_ibuf [dreg:s7], $0x2FFFF;
	_ =	strace $0x9FFFFFFF  }
0xc9: {  	(tm) =	ssettm $0x7FFFFFFF  }
tec
execute0_lowered:
.L_overlay_start_1:
0x0: {  	(tag) =	ssettag $0x1  }
0x1: {  	s0 =	rddreg [dreg:$0x0]  }
0x2: {  	s3 =	rddreg [dreg:$0x2];
	s4 =	simm.s32 $0x0;
	s1 =	srdreg.scid  }
0x3: {  	s12 =	stileid.u32;
	s28 =	simm.s32 $0x3000;
	s29 =	simm.s32 $0x1  }
0x4: {  	s30 =	simm.s32 $0x3;
	s31 =	simm.s32 $0x80;
	[smem:$0x7FF] =	sst s4  }
0x5: {  	s1 =	sand.u32 $0x1, s1;
	s2 =	smul.u32 $0x280, s12;
	s5 =	sadd.s32 $0x14000, s0  }
0x6: {  	s8 =	sadd.s32 $0xA200, s0;
	s10 =	sadd.s32 $0x400, s0;
	s6 =	sshll.u32 s12, $0x1  }
0x7: {  	s24 =	sshll.u32 s12, $0x7;
	s26 =	sshll.u32 s12, $0x6;
	_ =	strace $0x8000004A  }
0x8: {  	[dreg:$0x4] =	wrdreg s5;
	s16 =	smul.u32 $0x2800, s1;
	s7 =	ssub.s32 $0x2, s1  }
0x9: {  	s9 =	sor.u32 s1, s6;
	s25 =	sadd.s32 s24, s10;
	s1 =	sshll.u32 s1, $0x6  }
0xa: {  	s17 =	sshrl.u32 s7, $0x1;
	s11 =	sshll.u32 s9, $0x6;
	s23 =	sor.u32 $0x20, s9  }
0xb: {  	s14 =	sadd.s32 s1, s25;
	s25 =	simm.s32 $0x2F00;
	s5 =	sadd.s32 s2, s16  }
0xc: {  	s18 =	ssub.s32 s7, s17;
	s19 =	sadd.s32 s10, s11;
	s2 =	sadd.s32 s2, s3  }
0xd: {  	s7 =	sadd.s32 s8, s11;
	[dreg:$0xb] =	wrdreg s23;
	s16 =	simm.s32 $0x280  }
0xe: {  	s17 =	simm.s32 $0x5;
	s23 =	simm.s32 $0x3180;
	s5 =	sshrl.u32 s5, $0x3  }
0xf: {  	s20 =	sadd.s32 $0x10, s19;
	s21 =	sadd.s32 $0x20, s19;
	[dreg:$0x5] =	wrdreg s19  }
0x10: {  	s6 =	sadd.s32 $0x30, s19;
	s22 =	smax.u32 s18, $0x1;
	[dreg:$0x6] =	wrdreg s20  }
0x11: {  	s18 =	sor.u32 $0x1C05, s26;
	s19 =	sshrl.u32 s2, $0x3;
	[dreg:$0x7] =	wrdreg s21  }
0x12: {  	s26 =	simm.s32 $0x2F80;
	s2 =	simm.s32 $0x6;
	[dreg:$0x8] =	wrdreg s6  }
.Ltmp0:
0x13: {  	s0 =	sadd.s32 s5, s0;
	[dreg:$0xa] =	wrdreg s22;
	(pc) =	sbr.rel .LBB2_1-.Ltmp0, $4  }
0x14: {  	s20 =	simm.s32 $0x4;
	s21 =	simm.s32 $0x3080;
	s0 =	sadd.s32 $0x14600, s0  }
0x15: {  	s22 =	simm.s32 $0x3100;
	s5 =	simm.s32 $0x3200;
	[dreg:$0x9] =	wrdreg s0  }
0x16: {  	s0 =	sadd.s32 s24, s8;
	s24 =	simm.s32 $0x2E80;
	s8 =	simm.s32 $0x0  }
0x17: {  	s15 =	sadd.s32 s1, s0;
	s0 =	simm.s32 $0x3280;
	s1 =	simm.s32 $0x2  }
.LBB2_5:
0x18: {  	[bflag:$0x0] =	sbarrier.arrive $0xFFFF  }
0x19: {  	s6 =	rddreg [dreg:$0x9]  }
0x1a: {  	[hbm:s6], [sflag:s18] =	dma.local [spmem:s19], $0x50  }
0x1b: {  	_ =	swait.ge [sflag:s17], $0x50  }
0x1c: {  	s8 =	sadd.s32 $0x1, s8;
	s13 =	rddreg [dreg:$0xa]  }
0x1d: {  	p0 =	sne.s32 s8, s13  }
.Ltmp1:
0x1e: {  	_ = 	snop;
	(pc) =	sbr.rel @!p0 .LBB2_6-.Ltmp1, $3  }
0x1f: {  	_ =	sdelay $0x1  }
0x20: {  	[sflag:s17] =	ssyncset.done $0x0  }
0x21: {  	[sflag:s17] =	ssyncadd.s32 $0xFFFFFFB0  }
.LBB2_1:
0x22: {  	s6 =	rddreg [dreg:$0x4]  }
0x23: {  	[tilespmem:s16], [sflag:$0x5] =	stream.linear.gather [hbm4b:s6+s4], $0x2800, $0x38;
	[tilespmem:$0x3300] =	vst v63  }
0x24: {  	_ =	swait.ge [sflag:s17], $0x2800  }
0x25: {  	[sflag:s17] =	ssyncset.done $0x0  }
0x26: {  	[sflag:s17] =	ssyncadd.s32 $0xFFFFD800  }
0x27: {  	s9 =	rddreg [dreg:$0x1]  }
0x28: {  	[spmem:s19], [sflag:s18] =	dma.local [hbm:s9], $0x50  }
0x29: {  	_ =	swait.ge [sflag:s17], $0x50  }
0x2a: {  	[sflag:s17] =	ssyncset.done $0x0  }
0x2b: {  	[sflag:s17] =	ssyncadd.s32 $0xFFFFFFB0  }
0x2c: {  	s10 =	simm.s32 $0x2A80;
	[bflag:$0x0] =	sbarrier.arrive $0xFFFF  }
0x2d: {  	[tilespmem:s10], [sflag:$0x1] =	stream.linear.gather [hbm4b:s7+s4], $0x80, $0x38;
	[tilespmem:$0x3300] =	vst v63  }
0x2e: {  	s11 =	simm.s32 $0x2B80;
	s10 =	sadd.s32 $0x10, s7  }
0x2f: {  	[tilespmem:s11], [sflag:$0x1] =	stream.linear.gather [hbm4b:s10+s4], $0x80, $0x38;
	[tilespmem:$0x3300] =	vst v63  }
0x30: {  	s12 =	sadd.s32 $0x20, s7;
	s13 =	simm.s32 $0x2C80  }
0x31: {  	[tilespmem:s13], [sflag:$0x1] =	stream.linear.gather [hbm4b:s12+s4], $0x80, $0x38;
	[tilespmem:$0x3300] =	vst v63  }
0x32: {  	s6 =	sadd.s32 $0x30, s7;
	s9 =	simm.s32 $0x2D80  }
0x33: {  	[tilespmem:s9], [sflag:$0x1] =	stream.linear.gather [hbm4b:s6+s4], $0x80, $0x38;
	[tilespmem:$0x3300] =	vst v63  }
0x34: {  	s10 =	rddreg [dreg:$0x5]  }
0x35: {  	[tilespmem:s24], [sflag:$0x3] =	stream.linear.gather [hbm4b:s10+s4], $0x80, $0x38;
	[tilespmem:$0x3300] =	vst v63  }
0x36: {  	s11 =	rddreg [dreg:$0x6]  }
0x37: {  	[tilespmem:s25], [sflag:$0x3] =	stream.linear.gather [hbm4b:s11+s4], $0x80, $0x38;
	[tilespmem:$0x3300] =	vst v63  }
.Ltmp2:
0x38: {  	s12 =	rddreg [dreg:$0x7];
	(pc) =	sbr.rel .LBB2_2-.Ltmp2, $4  }
0x39: {  	[tilespmem:s26], [sflag:$0x3] =	stream.linear.gather [hbm4b:s12+s4], $0x80, $0x38;
	[tilespmem:$0x3300] =	vst v63  }
0x3a: {  	s13 =	rddreg [dreg:$0x8]  }
0x3b: {  	[tilespmem:s28], [sflag:$0x3] =	stream.linear.gather [hbm4b:s13+s4], $0x80, $0x38;
	[tilespmem:$0x3300] =	vst v63  }
0x3c: {  	s10 =	simm.s32 $0x0;
	s13 =	rddreg [dreg:$0xb]  }
.LBB2_4:
0x3d: {  	s10 =	sadd.s32 $0x1000, s10  }
0x3e: {  	p0 =	sne.s32 s10, $0xA000  }
.Ltmp3:
0x3f: {  	_ = 	snop;
	(pc) =	sbr.rel @!p0 .LBB2_5-.Ltmp3, $2  }
0x40: {  	_ =	sdelay $0x2  }
0x41: {  	s13 =	sadd.s32 $0x40, s13  }
.LBB2_2:
0x42: {  	p0 =	sgt.u32 s13, $0x270  }
0x43: {  	s11 =	sadd.s32 @!p0 s10, s15  }
0x44: {  	s9 =	simm.s32 @!p0 $0x0;
	s6 =	simm.s32 @!p0 $0x2B00;
	s12 =	sadd.s32 @!p0 $0x800, s11  }
0x45: {  	[tilespmem:s6], [sflag:$0x2] =	stream.linear.gather @!p0 [hbm4b:s12+s9], $0x80, $0x38;
	[tilespmem:$0x3300] =	vst v63  }
0x46: {  	s6 =	sadd.s32 @!p0 $0x810, s11;
	s12 =	simm.s32 @!p0 $0x2C00  }
0x47: {  	[tilespmem:s12], [sflag:$0x2] =	stream.linear.gather @!p0 [hbm4b:s6+s9], $0x80, $0x38;
	[tilespmem:$0x3300] =	vst v63  }
0x48: {  	s6 =	sadd.s32 @!p0 $0x820, s11;
	s12 =	simm.s32 @!p0 $0x2D00  }
0x49: {  	[tilespmem:s12], [sflag:$0x2] =	stream.linear.gather @!p0 [hbm4b:s6+s9], $0x80, $0x38;
	[tilespmem:$0x3300] =	vst v63  }
0x4a: {  	s6 =	sadd.s32 @!p0 $0x830, s11;
	s11 =	simm.s32 @!p0 $0x2E00  }
0x4b: {  	[tilespmem:s11], [sflag:$0x2] =	stream.linear.gather @!p0 [hbm4b:s6+s9], $0x80, $0x38;
	[tilespmem:$0x3300] =	vst v63  }
0x4c: {  	s6 =	sadd.s32 @!p0 s10, s14  }
0x4d: {  	s12 =	simm.s32 @!p0 $0x3080;
	s11 =	sadd.s32 @!p0 $0x800, s6  }
0x4e: {  	[tilespmem:s12], [sflag:$0x4] =	stream.linear.gather @!p0 [hbm4b:s11+s9], $0x80, $0x38;
	[tilespmem:$0x3300] =	vst v63  }
0x4f: {  	s11 =	sadd.s32 @!p0 $0x810, s6;
	s12 =	simm.s32 @!p0 $0x3100  }
0x50: {  	[tilespmem:s12], [sflag:$0x4] =	stream.linear.gather @!p0 [hbm4b:s11+s9], $0x80, $0x38;
	[tilespmem:$0x3300] =	vst v63  }
0x51: {  	s11 =	sadd.s32 @!p0 $0x820, s6;
	s12 =	simm.s32 @!p0 $0x3180  }
0x52: {  	[tilespmem:s12], [sflag:$0x4] =	stream.linear.gather @!p0 [hbm4b:s11+s9], $0x80, $0x38;
	[tilespmem:$0x3300] =	vst v63  }
0x53: {  	s6 =	sadd.s32 @!p0 $0x830, s6;
	s11 =	simm.s32 @!p0 $0x3200  }
0x54: {  	[tilespmem:s11], [sflag:$0x4] =	stream.linear.gather @!p0 [hbm4b:s6+s9], $0x80, $0x38;
	[tilespmem:$0x3300] =	vst v63  }
0x55: {  	_ =	swait.ge [sflag:s29], $0x200  }
0x56: {  	[sflag:s29] =	ssyncset.done $0x0  }
0x57: {  	[sflag:s29] =	ssyncadd.s32 $0xFFFFFE00  }
0x58: {  	_ =	swait.ge [sflag:s30], $0x80  }
0x59: {  	[sflag:s30] =	ssyncset.done $0x0  }
0x5a: {  	[sflag:s30] =	ssyncadd.s32 $0xFFFFFF80  }
0x5b: {  	_ =	swait.ge [sflag:s30], $0x80  }
0x5c: {  	[sflag:s30] =	ssyncset.done $0x0  }
0x5d: {  	[sflag:s30] =	ssyncadd.s32 $0xFFFFFF80  }
0x5e: {  	_ =	swait.ge [sflag:s30], $0x80  }
0x5f: {  	[sflag:s30] =	ssyncset.done $0x0  }
0x60: {  	[sflag:s30] =	ssyncadd.s32 $0xFFFFFF80  }
0x61: {  	_ =	swait.ge [sflag:s30], $0x80  }
0x62: {  	[sflag:s30] =	ssyncset.done $0x0  }
0x63: {  	[sflag:s30] =	ssyncadd.s32 $0xFFFFFF80  }
0x64: {  	v0 =	vld [tilespmem:$0x2A80];
	_ =	sdelay $0x5  }
0x65: {  	v1 =	vld [tilespmem:$0x2A90];
	_ =	sdelay $0x1  }
0x66: {  	v0 =	vld.idx.msk [tilespmem:v0+s16+$0x0], $0xffff;
	_ =	sdelay $0x3  }
0x67: {  	v2 =	vld [tilespmem:$0x2AA0]  }
0x68: {  	[tilespmem:$0x3280] =	vst v0  }
0x69: {  	v0 =	vld.idx.msk [tilespmem:v1+s16+$0x0], $0xffff;
	_ =	sdelay $0x3  }
0x6a: {  	v35 =	vld [tilespmem:$0x2AB0]  }
0x6b: {  	[tilespmem:$0x3290] =	vst v0  }
0x6c: {  	v0 =	vld.idx.msk [tilespmem:v2+s16+$0x0], $0xffff;
	_ =	sdelay $0x3  }
0x6d: {  	v36 =	vld [tilespmem:$0x2AC0]  }
0x6e: {  	[tilespmem:$0x32A0] =	vst v0  }
0x6f: {  	v0 =	vld.idx.msk [tilespmem:v35+s16+$0x0], $0xffff;
	_ =	sdelay $0x3  }
0x70: {  	v37 =	vld [tilespmem:$0x2AD0]  }
0x71: {  	[tilespmem:$0x32B0] =	vst v0  }
0x72: {  	v0 =	vld.idx.msk [tilespmem:v36+s16+$0x0], $0xffff;
	_ =	sdelay $0x3  }
0x73: {  	v38 =	vld [tilespmem:$0x2AE0]  }
0x74: {  	[tilespmem:$0x32C0] =	vst v0  }
0x75: {  	v0 =	vld.idx.msk [tilespmem:v37+s16+$0x0], $0xffff;
	_ =	sdelay $0x3  }
0x76: {  	v39 =	vld [tilespmem:$0x2AF0]  }
0x77: {  	[tilespmem:$0x32D0] =	vst v0  }
0x78: {  	v0 =	vld.idx.msk [tilespmem:v38+s16+$0x0], $0xffff;
	_ =	sdelay $0x4  }
0x79: {  	[tilespmem:$0x32E0] =	vst v0  }
0x7a: {  	v0 =	vld.idx.msk [tilespmem:v39+s16+$0x0], $0xffff;
	_ =	sdelay $0x4  }
0x7b: {  	[tilespmem:$0x32F0] =	vst v0  }
0x7c: {  	[spmem:s3] =	stream.indirect.scatter.add.f32 [tilespmem:s0], [sflag:$0x6], $0x1, s24, s31, $0xb8;
	[tilespmem:$0x3300] =	vst v63  }
0x7d: {  	_ =	swait.ge [sflag:s2], $0x80  }
0x7e: {  	[sflag:s2] =	ssyncset.done $0x0  }
0x7f: {  	[sflag:s2] =	ssyncadd.s32 $0xFFFFFF80  }
0x80: {  	v40 =	vld [tilespmem:$0x2B80];
	_ =	sdelay $0x5  }
0x81: {  	v41 =	vld [tilespmem:$0x2B90];
	_ =	sdelay $0x1  }
0x82: {  	v0 =	vld.idx.msk [tilespmem:v40+s16+$0x0], $0xffff;
	_ =	sdelay $0x3  }
0x83: {  	v42 =	vld [tilespmem:$0x2BA0]  }
0x84: {  	[tilespmem:$0x3280] =	vst v0  }
0x85: {  	v0 =	vld.idx.msk [tilespmem:v41+s16+$0x0], $0xffff;
	_ =	sdelay $0x3  }
0x86: {  	v43 =	vld [tilespmem:$0x2BB0]  }
0x87: {  	[tilespmem:$0x3290] =	vst v0  }
0x88: {  	v0 =	vld.idx.msk [tilespmem:v42+s16+$0x0], $0xffff;
	_ =	sdelay $0x3  }
0x89: {  	v44 =	vld [tilespmem:$0x2BC0]  }
0x8a: {  	[tilespmem:$0x32A0] =	vst v0  }
0x8b: {  	v0 =	vld.idx.msk [tilespmem:v43+s16+$0x0], $0xffff;
	_ =	sdelay $0x3  }
0x8c: {  	v45 =	vld [tilespmem:$0x2BD0]  }
0x8d: {  	[tilespmem:$0x32B0] =	vst v0  }
0x8e: {  	v0 =	vld.idx.msk [tilespmem:v44+s16+$0x0], $0xffff;
	_ =	sdelay $0x3  }
0x8f: {  	v46 =	vld [tilespmem:$0x2BE0]  }
0x90: {  	[tilespmem:$0x32C0] =	vst v0  }
0x91: {  	v0 =	vld.idx.msk [tilespmem:v45+s16+$0x0], $0xffff;
	_ =	sdelay $0x3  }
0x92: {  	v47 =	vld [tilespmem:$0x2BF0]  }
0x93: {  	[tilespmem:$0x32D0] =	vst v0  }
0x94: {  	v0 =	vld.idx.msk [tilespmem:v46+s16+$0x0], $0xffff;
	_ =	sdelay $0x4  }
0x95: {  	[tilespmem:$0x32E0] =	vst v0  }
0x96: {  	v0 =	vld.idx.msk [tilespmem:v47+s16+$0x0], $0xffff;
	_ =	sdelay $0x4  }
0x97: {  	[tilespmem:$0x32F0] =	vst v0  }
0x98: {  	[spmem:s3] =	stream.indirect.scatter.add.f32 [tilespmem:s0], [sflag:$0x6], $0x1, s25, s31, $0xb8;
	[tilespmem:$0x3300] =	vst v63  }
0x99: {  	_ =	swait.ge [sflag:s2], $0x80  }
0x9a: {  	[sflag:s2] =	ssyncset.done $0x0  }
0x9b: {  	[sflag:s2] =	ssyncadd.s32 $0xFFFFFF80  }
0x9c: {  	v48 =	vld [tilespmem:$0x2C80];
	_ =	sdelay $0x5  }
0x9d: {  	v49 =	vld [tilespmem:$0x2C90];
	_ =	sdelay $0x1  }
0x9e: {  	v0 =	vld.idx.msk [tilespmem:v48+s16+$0x0], $0xffff;
	_ =	sdelay $0x3  }
0x9f: {  	v50 =	vld [tilespmem:$0x2CA0]  }
0xa0: {  	[tilespmem:$0x3280] =	vst v0  }
0xa1: {  	v0 =	vld.idx.msk [tilespmem:v49+s16+$0x0], $0xffff;
	_ =	sdelay $0x3  }
0xa2: {  	v51 =	vld [tilespmem:$0x2CB0]  }
0xa3: {  	[tilespmem:$0x3290] =	vst v0  }
0xa4: {  	v0 =	vld.idx.msk [tilespmem:v50+s16+$0x0], $0xffff;
	_ =	sdelay $0x3  }
0xa5: {  	v52 =	vld [tilespmem:$0x2CC0]  }
0xa6: {  	[tilespmem:$0x32A0] =	vst v0  }
0xa7: {  	v0 =	vld.idx.msk [tilespmem:v51+s16+$0x0], $0xffff;
	_ =	sdelay $0x3  }
0xa8: {  	v53 =	vld [tilespmem:$0x2CD0]  }
0xa9: {  	[tilespmem:$0x32B0] =	vst v0  }
0xaa: {  	v0 =	vld.idx.msk [tilespmem:v52+s16+$0x0], $0xffff;
	_ =	sdelay $0x3  }
0xab: {  	v54 =	vld [tilespmem:$0x2CE0]  }
0xac: {  	[tilespmem:$0x32C0] =	vst v0  }
0xad: {  	v0 =	vld.idx.msk [tilespmem:v53+s16+$0x0], $0xffff;
	_ =	sdelay $0x3  }
0xae: {  	v55 =	vld [tilespmem:$0x2CF0]  }
0xaf: {  	[tilespmem:$0x32D0] =	vst v0  }
0xb0: {  	v0 =	vld.idx.msk [tilespmem:v54+s16+$0x0], $0xffff;
	_ =	sdelay $0x4  }
0xb1: {  	[tilespmem:$0x32E0] =	vst v0  }
0xb2: {  	v0 =	vld.idx.msk [tilespmem:v55+s16+$0x0], $0xffff;
	_ =	sdelay $0x4  }
0xb3: {  	[tilespmem:$0x32F0] =	vst v0  }
0xb4: {  	[spmem:s3] =	stream.indirect.scatter.add.f32 [tilespmem:s0], [sflag:$0x6], $0x1, s26, s31, $0xb8;
	[tilespmem:$0x3300] =	vst v63  }
0xb5: {  	_ =	swait.ge [sflag:s2], $0x80  }
0xb6: {  	[sflag:s2] =	ssyncset.done $0x0  }
0xb7: {  	[sflag:s2] =	ssyncadd.s32 $0xFFFFFF80  }
0xb8: {  	v56 =	vld [tilespmem:$0x2D80];
	_ =	sdelay $0x5  }
0xb9: {  	v57 =	vld [tilespmem:$0x2D90];
	_ =	sdelay $0x1  }
0xba: {  	v0 =	vld.idx.msk [tilespmem:v56+s16+$0x0], $0xffff;
	_ =	sdelay $0x3  }
0xbb: {  	v58 =	vld [tilespmem:$0x2DA0]  }
0xbc: {  	[tilespmem:$0x3280] =	vst v0  }
0xbd: {  	v0 =	vld.idx.msk [tilespmem:v57+s16+$0x0], $0xffff;
	_ =	sdelay $0x3  }
0xbe: {  	v59 =	vld [tilespmem:$0x2DB0]  }
0xbf: {  	[tilespmem:$0x3290] =	vst v0  }
0xc0: {  	v0 =	vld.idx.msk [tilespmem:v58+s16+$0x0], $0xffff;
	_ =	sdelay $0x3  }
0xc1: {  	v60 =	vld [tilespmem:$0x2DC0]  }
0xc2: {  	[tilespmem:$0x32A0] =	vst v0  }
0xc3: {  	v0 =	vld.idx.msk [tilespmem:v59+s16+$0x0], $0xffff;
	_ =	sdelay $0x3  }
0xc4: {  	v61 =	vld [tilespmem:$0x2DD0]  }
0xc5: {  	[tilespmem:$0x32B0] =	vst v0  }
0xc6: {  	v0 =	vld.idx.msk [tilespmem:v60+s16+$0x0], $0xffff;
	_ =	sdelay $0x3  }
0xc7: {  	v62 =	vld [tilespmem:$0x2DE0]  }
0xc8: {  	[tilespmem:$0x32C0] =	vst v0  }
0xc9: {  	v0 =	vld.idx.msk [tilespmem:v61+s16+$0x0], $0xffff;
	_ =	sdelay $0x3  }
0xca: {  	v63 =	vld [tilespmem:$0x2DF0]  }
0xcb: {  	[tilespmem:$0x32D0] =	vst v0  }
0xcc: {  	v0 =	vld.idx.msk [tilespmem:v62+s16+$0x0], $0xffff;
	_ =	sdelay $0x4  }
0xcd: {  	[tilespmem:$0x32E0] =	vst v0  }
0xce: {  	v0 =	vld.idx.msk [tilespmem:v63+s16+$0x0], $0xffff;
	_ =	sdelay $0x4  }
0xcf: {  	s12 =	sadd.s32 $0x20, s13;
	[tilespmem:$0x32F0] =	vst v0  }
0xd0: {  	[spmem:s3] =	stream.indirect.scatter.add.f32 [tilespmem:s0], [sflag:$0x6], $0x1, s28, s31, $0xb8;
	[tilespmem:$0x3300] =	vst v63  }
0xd1: {  	p1 =	sgt.u32 s12, $0x270;
	_ =	swait.ge [sflag:s2], $0x80  }
0xd2: {  	s6 =	sadd.s32 @!p1 s10, s15;
	s11 =	simm.s32 @!p1 $0x0;
	[sflag:s2] =	ssyncset.done $0x0  }
0xd3: {  	s12 =	simm.s32 @!p1 $0x2A80;
	s9 =	sadd.s32 @!p1 $0x1000, s6;
	[sflag:s2] =	ssyncadd.s32 $0xFFFFFF80  }
0xd4: {  	[tilespmem:s12], [sflag:$0x1] =	stream.linear.gather @!p1 [hbm4b:s9+s11], $0x80, $0x38;
	[tilespmem:$0x3300] =	vst v63  }
0xd5: {  	s9 =	sadd.s32 @!p1 $0x1010, s6;
	s12 =	simm.s32 @!p1 $0x2B80  }
0xd6: {  	[tilespmem:s12], [sflag:$0x1] =	stream.linear.gather @!p1 [hbm4b:s9+s11], $0x80, $0x38;
	[tilespmem:$0x3300] =	vst v63  }
0xd7: {  	s9 =	sadd.s32 @!p1 $0x1020, s6;
	s12 =	simm.s32 @!p1 $0x2C80  }
0xd8: {  	[tilespmem:s12], [sflag:$0x1] =	stream.linear.gather @!p1 [hbm4b:s9+s11], $0x80, $0x38;
	[tilespmem:$0x3300] =	vst v63  }
0xd9: {  	s6 =	sadd.s32 @!p1 $0x1030, s6;
	s9 =	simm.s32 @!p1 $0x2D80  }
0xda: {  	[tilespmem:s9], [sflag:$0x1] =	stream.linear.gather @!p1 [hbm4b:s6+s11], $0x80, $0x38;
	[tilespmem:$0x3300] =	vst v63  }
0xdb: {  	s6 =	sadd.s32 @!p1 s10, s14  }
0xdc: {  	s12 =	simm.s32 @!p1 $0x2E80;
	s9 =	sadd.s32 @!p1 $0x1000, s6  }
0xdd: {  	[tilespmem:s12], [sflag:$0x3] =	stream.linear.gather @!p1 [hbm4b:s9+s11], $0x80, $0x38;
	[tilespmem:$0x3300] =	vst v63  }
0xde: {  	s9 =	sadd.s32 @!p1 $0x1010, s6;
	s12 =	simm.s32 @!p1 $0x2F00  }
0xdf: {  	[tilespmem:s12], [sflag:$0x3] =	stream.linear.gather @!p1 [hbm4b:s9+s11], $0x80, $0x38;
	[tilespmem:$0x3300] =	vst v63  }
.Ltmp4:
0xe0: {  	_ = 	snop;
	(pc) =	sbr.rel @p0 .LBB2_4-.Ltmp4, $4  }
0xe1: {  	s9 =	sadd.s32 @!p1 $0x1020, s6;
	s12 =	simm.s32 @!p1 $0x2F80  }
0xe2: {  	[tilespmem:s12], [sflag:$0x3] =	stream.linear.gather @!p1 [hbm4b:s9+s11], $0x80, $0x38;
	[tilespmem:$0x3300] =	vst v63  }
0xe3: {  	s6 =	sadd.s32 @!p1 $0x1030, s6;
	s9 =	simm.s32 @!p1 $0x3000  }
0xe4: {  	[tilespmem:s9], [sflag:$0x3] =	stream.linear.gather @!p1 [hbm4b:s6+s11], $0x80, $0x38;
	[tilespmem:$0x3300] =	vst v63  }
0xe5: {  	_ =	swait.ge [sflag:s1], $0x200  }
0xe6: {  	[sflag:s1] =	ssyncset.done $0x0  }
0xe7: {  	[sflag:s1] =	ssyncadd.s32 $0xFFFFFE00  }
0xe8: {  	_ =	swait.ge [sflag:s20], $0x80  }
0xe9: {  	[sflag:s20] =	ssyncset.done $0x0  }
0xea: {  	[sflag:s20] =	ssyncadd.s32 $0xFFFFFF80  }
0xeb: {  	_ =	swait.ge [sflag:s20], $0x80  }
0xec: {  	[sflag:s20] =	ssyncset.done $0x0  }
0xed: {  	[sflag:s20] =	ssyncadd.s32 $0xFFFFFF80  }
0xee: {  	_ =	swait.ge [sflag:s20], $0x80  }
0xef: {  	[sflag:s20] =	ssyncset.done $0x0  }
0xf0: {  	[sflag:s20] =	ssyncadd.s32 $0xFFFFFF80  }
0xf1: {  	_ =	swait.ge [sflag:s20], $0x80  }
0xf2: {  	[sflag:s20] =	ssyncset.done $0x0  }
0xf3: {  	[sflag:s20] =	ssyncadd.s32 $0xFFFFFF80  }
0xf4: {  	v0 =	vld [tilespmem:$0x2B00];
	_ =	sdelay $0x5  }
0xf5: {  	v1 =	vld [tilespmem:$0x2B10];
	_ =	sdelay $0x1  }
0xf6: {  	v0 =	vld.idx.msk [tilespmem:v0+s16+$0x0], $0xffff;
	_ =	sdelay $0x3  }
0xf7: {  	v2 =	vld [tilespmem:$0x2B20]  }
0xf8: {  	[tilespmem:$0x3280] =	vst v0  }
0xf9: {  	v0 =	vld.idx.msk [tilespmem:v1+s16+$0x0], $0xffff;
	_ =	sdelay $0x3  }
0xfa: {  	v35 =	vld [tilespmem:$0x2B30]  }
0xfb: {  	[tilespmem:$0x3290] =	vst v0  }
0xfc: {  	v0 =	vld.idx.msk [tilespmem:v2+s16+$0x0], $0xffff;
	_ =	sdelay $0x3  }
0xfd: {  	v36 =	vld [tilespmem:$0x2B40]  }
0xfe: {  	[tilespmem:$0x32A0] =	vst v0  }
0xff: {  	v0 =	vld.idx.msk [tilespmem:v35+s16+$0x0], $0xffff;
	_ =	sdelay $0x3  }
0x100: {  	v37 =	vld [tilespmem:$0x2B50]  }
0x101: {  	[tilespmem:$0x32B0] =	vst v0  }
0x102: {  	v0 =	vld.idx.msk [tilespmem:v36+s16+$0x0], $0xffff;
	_ =	sdelay $0x3  }
0x103: {  	v38 =	vld [tilespmem:$0x2B60]  }
0x104: {  	[tilespmem:$0x32C0] =	vst v0  }
0x105: {  	v0 =	vld.idx.msk [tilespmem:v37+s16+$0x0], $0xffff;
	_ =	sdelay $0x3  }
0x106: {  	v39 =	vld [tilespmem:$0x2B70]  }
0x107: {  	[tilespmem:$0x32D0] =	vst v0  }
0x108: {  	v0 =	vld.idx.msk [tilespmem:v38+s16+$0x0], $0xffff;
	_ =	sdelay $0x4  }
0x109: {  	[tilespmem:$0x32E0] =	vst v0  }
0x10a: {  	v0 =	vld.idx.msk [tilespmem:v39+s16+$0x0], $0xffff;
	_ =	sdelay $0x4  }
0x10b: {  	[tilespmem:$0x32F0] =	vst v0  }
0x10c: {  	[spmem:s3] =	stream.indirect.scatter.add.f32 [tilespmem:s0], [sflag:$0x6], $0x1, s21, s31, $0xb8;
	[tilespmem:$0x3300] =	vst v63  }
0x10d: {  	_ =	swait.ge [sflag:s2], $0x80  }
0x10e: {  	[sflag:s2] =	ssyncset.done $0x0  }
0x10f: {  	[sflag:s2] =	ssyncadd.s32 $0xFFFFFF80  }
0x110: {  	v40 =	vld [tilespmem:$0x2C00];
	_ =	sdelay $0x5  }
0x111: {  	v41 =	vld [tilespmem:$0x2C10];
	_ =	sdelay $0x1  }
0x112: {  	v0 =	vld.idx.msk [tilespmem:v40+s16+$0x0], $0xffff;
	_ =	sdelay $0x3  }
0x113: {  	v42 =	vld [tilespmem:$0x2C20]  }
0x114: {  	[tilespmem:$0x3280] =	vst v0  }
0x115: {  	v0 =	vld.idx.msk [tilespmem:v41+s16+$0x0], $0xffff;
	_ =	sdelay $0x3  }
0x116: {  	v43 =	vld [tilespmem:$0x2C30]  }
0x117: {  	[tilespmem:$0x3290] =	vst v0  }
0x118: {  	v0 =	vld.idx.msk [tilespmem:v42+s16+$0x0], $0xffff;
	_ =	sdelay $0x3  }
0x119: {  	v44 =	vld [tilespmem:$0x2C40]  }
0x11a: {  	[tilespmem:$0x32A0] =	vst v0  }
0x11b: {  	v0 =	vld.idx.msk [tilespmem:v43+s16+$0x0], $0xffff;
	_ =	sdelay $0x3  }
0x11c: {  	v45 =	vld [tilespmem:$0x2C50]  }
0x11d: {  	[tilespmem:$0x32B0] =	vst v0  }
0x11e: {  	v0 =	vld.idx.msk [tilespmem:v44+s16+$0x0], $0xffff;
	_ =	sdelay $0x3  }
0x11f: {  	v46 =	vld [tilespmem:$0x2C60]  }
0x120: {  	[tilespmem:$0x32C0] =	vst v0  }
0x121: {  	v0 =	vld.idx.msk [tilespmem:v45+s16+$0x0], $0xffff;
	_ =	sdelay $0x3  }
0x122: {  	v47 =	vld [tilespmem:$0x2C70]  }
0x123: {  	[tilespmem:$0x32D0] =	vst v0  }
0x124: {  	v0 =	vld.idx.msk [tilespmem:v46+s16+$0x0], $0xffff;
	_ =	sdelay $0x4  }
0x125: {  	[tilespmem:$0x32E0] =	vst v0  }
0x126: {  	v0 =	vld.idx.msk [tilespmem:v47+s16+$0x0], $0xffff;
	_ =	sdelay $0x4  }
0x127: {  	[tilespmem:$0x32F0] =	vst v0  }
0x128: {  	[spmem:s3] =	stream.indirect.scatter.add.f32 [tilespmem:s0], [sflag:$0x6], $0x1, s22, s31, $0xb8;
	[tilespmem:$0x3300] =	vst v63  }
0x129: {  	_ =	swait.ge [sflag:s2], $0x80  }
0x12a: {  	[sflag:s2] =	ssyncset.done $0x0  }
0x12b: {  	[sflag:s2] =	ssyncadd.s32 $0xFFFFFF80  }
0x12c: {  	v48 =	vld [tilespmem:$0x2D00];
	_ =	sdelay $0x5  }
0x12d: {  	v49 =	vld [tilespmem:$0x2D10];
	_ =	sdelay $0x1  }
0x12e: {  	v0 =	vld.idx.msk [tilespmem:v48+s16+$0x0], $0xffff;
	_ =	sdelay $0x3  }
0x12f: {  	v50 =	vld [tilespmem:$0x2D20]  }
0x130: {  	[tilespmem:$0x3280] =	vst v0  }
0x131: {  	v0 =	vld.idx.msk [tilespmem:v49+s16+$0x0], $0xffff;
	_ =	sdelay $0x3  }
0x132: {  	v51 =	vld [tilespmem:$0x2D30]  }
0x133: {  	[tilespmem:$0x3290] =	vst v0  }
0x134: {  	v0 =	vld.idx.msk [tilespmem:v50+s16+$0x0], $0xffff;
	_ =	sdelay $0x3  }
0x135: {  	v52 =	vld [tilespmem:$0x2D40]  }
0x136: {  	[tilespmem:$0x32A0] =	vst v0  }
0x137: {  	v0 =	vld.idx.msk [tilespmem:v51+s16+$0x0], $0xffff;
	_ =	sdelay $0x3  }
0x138: {  	v53 =	vld [tilespmem:$0x2D50]  }
0x139: {  	[tilespmem:$0x32B0] =	vst v0  }
0x13a: {  	v0 =	vld.idx.msk [tilespmem:v52+s16+$0x0], $0xffff;
	_ =	sdelay $0x3  }
0x13b: {  	v54 =	vld [tilespmem:$0x2D60]  }
0x13c: {  	[tilespmem:$0x32C0] =	vst v0  }
0x13d: {  	v0 =	vld.idx.msk [tilespmem:v53+s16+$0x0], $0xffff;
	_ =	sdelay $0x3  }
0x13e: {  	v55 =	vld [tilespmem:$0x2D70]  }
0x13f: {  	[tilespmem:$0x32D0] =	vst v0  }
0x140: {  	v0 =	vld.idx.msk [tilespmem:v54+s16+$0x0], $0xffff;
	_ =	sdelay $0x4  }
0x141: {  	[tilespmem:$0x32E0] =	vst v0  }
0x142: {  	v0 =	vld.idx.msk [tilespmem:v55+s16+$0x0], $0xffff;
	_ =	sdelay $0x4  }
0x143: {  	[tilespmem:$0x32F0] =	vst v0  }
0x144: {  	[spmem:s3] =	stream.indirect.scatter.add.f32 [tilespmem:s0], [sflag:$0x6], $0x1, s23, s31, $0xb8;
	[tilespmem:$0x3300] =	vst v63  }
0x145: {  	_ =	swait.ge [sflag:s2], $0x80  }
0x146: {  	[sflag:s2] =	ssyncset.done $0x0  }
0x147: {  	[sflag:s2] =	ssyncadd.s32 $0xFFFFFF80  }
0x148: {  	v56 =	vld [tilespmem:$0x2E00];
	_ =	sdelay $0x5  }
0x149: {  	v57 =	vld [tilespmem:$0x2E10];
	_ =	sdelay $0x1  }
0x14a: {  	v0 =	vld.idx.msk [tilespmem:v56+s16+$0x0], $0xffff;
	_ =	sdelay $0x3  }
0x14b: {  	v58 =	vld [tilespmem:$0x2E20]  }
0x14c: {  	[tilespmem:$0x3280] =	vst v0  }
0x14d: {  	v0 =	vld.idx.msk [tilespmem:v57+s16+$0x0], $0xffff;
	_ =	sdelay $0x3  }
0x14e: {  	v59 =	vld [tilespmem:$0x2E30]  }
0x14f: {  	[tilespmem:$0x3290] =	vst v0  }
0x150: {  	v0 =	vld.idx.msk [tilespmem:v58+s16+$0x0], $0xffff;
	_ =	sdelay $0x3  }
0x151: {  	v60 =	vld [tilespmem:$0x2E40]  }
0x152: {  	[tilespmem:$0x32A0] =	vst v0  }
0x153: {  	v0 =	vld.idx.msk [tilespmem:v59+s16+$0x0], $0xffff;
	_ =	sdelay $0x3  }
0x154: {  	v61 =	vld [tilespmem:$0x2E50]  }
0x155: {  	[tilespmem:$0x32B0] =	vst v0  }
0x156: {  	v0 =	vld.idx.msk [tilespmem:v60+s16+$0x0], $0xffff;
	_ =	sdelay $0x3  }
0x157: {  	v62 =	vld [tilespmem:$0x2E60]  }
0x158: {  	[tilespmem:$0x32C0] =	vst v0  }
0x159: {  	v0 =	vld.idx.msk [tilespmem:v61+s16+$0x0], $0xffff;
	_ =	sdelay $0x3  }
0x15a: {  	v63 =	vld [tilespmem:$0x2E70]  }
0x15b: {  	[tilespmem:$0x32D0] =	vst v0  }
0x15c: {  	v0 =	vld.idx.msk [tilespmem:v62+s16+$0x0], $0xffff;
	_ =	sdelay $0x4  }
0x15d: {  	[tilespmem:$0x32E0] =	vst v0  }
0x15e: {  	v0 =	vld.idx.msk [tilespmem:v63+s16+$0x0], $0xffff;
	_ =	sdelay $0x4  }
.Ltmp5:
0x15f: {  	[tilespmem:$0x32F0] =	vst v0;
	(pc) =	sbr.rel .LBB2_4-.Ltmp5, $4  }
0x160: {  	[spmem:s3] =	stream.indirect.scatter.add.f32 [tilespmem:s0], [sflag:$0x5], $0x1, s5, s31, $0xb8;
	[tilespmem:$0x3300] =	vst v63  }
0x161: {  	_ =	swait.ge [sflag:s17], $0x80  }
0x162: {  	[sflag:s17] =	ssyncset.done $0x0  }
0x163: {  	[sflag:s17] =	ssyncadd.s32 $0xFFFFFF80  }
.LBB2_6:
0x164: {  	_ =	sfence.sel $0x180000  }
0x165: {  	[bflag:$0x0] =	sbarrier.arrive $0xFFFF  }
0x166: {  	_ =	strace $0x9000004A  }
0x167: {  	s0 =	stileid.u32;
	[bflag:$0x2] =	sbarrier.arrive $0xFFFF  }
0x168: {  	p0 =	sne.s32 s0, $0x0;
	s0 =	rddreg [dreg:$0x3]  }
0x169: {  	s0 =	sadd.s32 @!p0 $0x100000, s0  }
0x16a: {  	[sflag:s0] =	ssyncadd.tile.s32 @!p0 $0x1;
	_ =	shalt  }
.Lfunc_end2:
_tile_overlayer_lowered:
.L_overlay_start_2:
0x16b: {  	(tag) =	ssettag $0x2  }
0x16c: {  	s0 =	rddreg [dreg:$0x0];
	s2 =	stileid.u32  }
0x16d: {  	s1 =	rddreg [dreg:$0x1];
	p0 =	sne.s32 s2, $0x0  }
0x16e: {  	s3 =	rddreg [dreg:$0x2];
	[bflag:$0x3] =	sbarrier.arrive $0xFFFF;
	s2 =	simm.s32 @!p0 $0x1C05  }
0x16f: {  	[timem:s3], [sflag:s2] =	dma.local @!p0 [hbm:s0], s1  }
0x170: {  	s0 =	simm.s32 @!p0 $0x5  }
0x171: {  	_ =	swait.ge @!p0 [sflag:s0], s1  }
0x172: {  	s1 =	ssub.s32 @!p0 $0x0, s1;
	[sflag:s0] =	ssyncset.done @!p0 $0x0  }
0x173: {  	[sflag:s0] =	ssyncadd.s32 @!p0 s1  }
0x174: {  	[bflag:$0x3] =	sbarrier.arrive $0xFFFF  }
0x175: {  	_ =	shalt  }

// kernel: kernel.7.cloned.1.call-start
scs
__scs_entry_jumppad:
0x0: {  	(pc) =	sbr.rel $0x88, $3  }
0x1: {  	(tag) =	ssettag $0x0;
	lr =	simm.s32 $0x1  }
0x2: {  	[smem:$0x3F99] =	sst lr;
	_ =	strace $0xD0000000  }
0x3: {  	_ = 	snop  }
0x4: {  	_ = 	snop  }
0x5: {  	_ = 	snop  }
0x6: {  	_ = 	snop  }
0x7: {  	_ = 	snop  }
__scs_overlays_trampoline_lowered:
0x8: {  	[smem:$0x3FA8] =	sst s0  }
0x9: {  	[smem:$0x3FA9] =	sst s1  }
0xa: {  	[smem:$0x3FAA] =	sst s2  }
0xb: {  	[smem:$0x3FAB] =	sst s3  }
0xc: {  	[smem:$0x3FAC] =	sst s4  }
0xd: {  	[smem:$0x3FAD] =	sst s5  }
0xe: {  	[smem:$0x3FAE] =	sst s6  }
0xf: {  	[smem:$0x3FAF] =	sst s7  }
0x10: {  	[smem:$0x3FB0] =	sst s8  }
0x11: {  	[smem:$0x3FB1] =	sst s9;
	s0 =	simm.s32 @!p0 $0x0  }
0x12: {  	s1 =	sld [smem:$0x3F97];
	s0 =	simm.s32 @p0 $0x1  }
0x13: {  	[smem:$0x3FB2] =	sst s0;
	s0 =	simm.s32 @!p1 $0x0  }
0x14: {  	s2 =	sld [smem:$0x3F96];
	s0 =	simm.s32 @p1 $0x1  }
0x15: {  	[smem:$0x3FB3] =	sst s0;
	s0 =	simm.s32 @!p2 $0x0  }
0x16: {  	s3 =	sld [smem:$0x3FDB];
	s0 =	simm.s32 @p2 $0x1  }
0x17: {  	s4 =	simm.s32 $0x1BF5;
	[smem:$0x3FB5] =	sst s0  }
0x18: {  	s0 =	sld [smem:$0x3F98];
	_ =	swait.ge [sflag:s4], $0x0  }
0x19: {  	s7 =	sld [smem:$0x3F99]  }
0x1a: {  	s8 =	sadd.s32 $0xFFFFE003, lr  }
0x1b: {  	s9 =	sadd.s32 $0xFFFFFEF7, lr;
	s5 =	simm.s32 $0xFFFFFFFF;
	p2 =	slt.u32 s8, $0xFFFFF086  }
0x1c: {  	p1 =	slt.u32 s9, $0xF7A;
	s5 =	simm.s32 @!p2 $0x0  }
0x1d: {  	s5 =	simm.s32 @p1 $0x1;
	p0 =	seq.s32 s7, s2  }
0x1e: {  	s7 =	smul.u32 @!p0 $0xF7A, s2;
	p2 =	seq.s32 @!p0 s5, $0x0  }
0x1f: {  	s9 =	smul.u32 $0xF7A, s1;
	s8 =	simm.s32 @!p0 $0x1BF5;
	p2 =	por !p2, p0  }
0x20: {  	[sflag:s8] =	ssyncset.s32 @!p0 $0xFFFFF086;
	s6 =	sadd.s32 @!p0 s3, s7;
	s7 =	simm.s32 @!p0 $0x108  }
0x21: {  	s3 =	sadd.s32 s3, s9;
	s6 =	sadd.s32 @!p0 $0x88, s6;
	s7 =	simm.s32 @p2 $0x1082  }
0x22: {  	[simem:s7], [sflag:s8] =	dma.local @!p0 [hbm:s6], $0xF7A  }
0x23: {  	s9 =	sor.u32 $0xD0000000, s2;
	s6 =	simm.s32 $0x108;
	_ =	swait.ge @!p0 [sflag:s8], $0x0  }
0x24: {  	s3 =	sadd.s32 $0x88, s3;
	s6 =	simm.s32 @!p1 $0x1082;
	[sflag:s4] =	ssyncset.s32 $0xFFFFF086  }
0x25: {  	[simem:s6], [sflag:s4] =	dma.local [hbm:s3], $0xF7A  }
0x26: {  	[smem:$0x3F99] =	sst s1;
	(tag) =	ssettag s2;
	_ =	strace s9  }
0x27: {  	s1 =	sld [smem:$0x3FA9]  }
0x28: {  	s2 =	sld [smem:$0x3FAA]  }
0x29: {  	s4 =	sld [smem:$0x3FAC]  }
0x2a: {  	p0 =	seq.s32 s5, $0x0;
	s5 =	sld [smem:$0x3FAD]  }
0x2b: {  	s6 =	sld [smem:$0x3FAE]  }
0x2c: {  	s7 =	sld [smem:$0x3FAF]  }
0x2d: {  	s3 =	simm.s32 $0x108;
	s8 =	sld [smem:$0x3FB0]  }
0x2e: {  	s3 =	simm.s32 @!p0 $0x1082;
	s9 =	sld [smem:$0x3FB1]  }
0x2f: {  	lr =	sadd.s32 s0, s3;
	s0 =	sld [smem:$0x3FA8]  }
0x30: {  	s3 =	sld [smem:$0x3FAB]  }
0x31: {  	[smem:$0x3FB4] =	sst s10  }
0x32: {  	s10 =	sld [smem:$0x3FB2];
	_ =	sdelay $0x3  }
0x33: {  	p0 =	seq.s32 s10, $0x1;
	s10 =	sld [smem:$0x3FB4];
	_ =	sdelay $0x3  }
0x34: {  	[smem:$0x3FB4] =	sst s10  }
0x35: {  	s10 =	sld [smem:$0x3FB3];
	_ =	sdelay $0x3  }
0x36: {  	p1 =	seq.s32 s10, $0x1;
	s10 =	sld [smem:$0x3FB4];
	_ =	sdelay $0x3  }
0x37: {  	[smem:$0x3FB4] =	sst s10  }
0x38: {  	s10 =	sld [smem:$0x3FB5]  }
0x39: {  	_ = 	snop;
	(pc) =	sbr.ind lr, $3  }
0x3a: {  	_ = 	snop  }
0x3b: {  	_ = 	snop  }
0x3c: {  	p2 =	seq.s32 s10, $0x1;
	s10 =	sld [smem:$0x3FB4]  }
0x3d: {  	_ =	shalt  }
0x3e: {  	_ =	shalt  }
0x3f: {  	_ =	shalt  }
0x40: {  	_ =	shalt  }
0x41: {  	_ =	shalt  }
0x42: {  	_ =	shalt  }
0x43: {  	_ =	shalt  }
0x44: {  	_ =	shalt  }
0x45: {  	_ =	shalt  }
0x46: {  	_ =	shalt  }
0x47: {  	_ =	shalt  }
0x48: {  	_ =	shalt  }
0x49: {  	_ =	shalt  }
0x4a: {  	_ =	shalt  }
0x4b: {  	_ =	shalt  }
0x4c: {  	_ =	shalt  }
0x4d: {  	_ =	shalt  }
0x4e: {  	_ =	shalt  }
0x4f: {  	_ =	shalt  }
0x50: {  	_ =	shalt  }
0x51: {  	_ =	shalt  }
0x52: {  	_ =	shalt  }
0x53: {  	_ =	shalt  }
0x54: {  	_ =	shalt  }
0x55: {  	_ =	shalt  }
0x56: {  	_ =	shalt  }
0x57: {  	_ =	shalt  }
0x58: {  	_ =	shalt  }
0x59: {  	_ =	shalt  }
0x5a: {  	_ =	shalt  }
0x5b: {  	_ =	shalt  }
0x5c: {  	_ =	shalt  }
0x5d: {  	_ =	shalt  }
0x5e: {  	_ =	shalt  }
0x5f: {  	_ =	shalt  }
0x60: {  	_ =	shalt  }
0x61: {  	_ =	shalt  }
0x62: {  	_ =	shalt  }
0x63: {  	_ =	shalt  }
0x64: {  	_ =	shalt  }
0x65: {  	_ =	shalt  }
0x66: {  	_ =	shalt  }
0x67: {  	_ =	shalt  }
0x68: {  	_ =	shalt  }
0x69: {  	_ =	shalt  }
0x6a: {  	_ =	shalt  }
0x6b: {  	_ =	shalt  }
0x6c: {  	_ =	shalt  }
0x6d: {  	_ =	shalt  }
0x6e: {  	_ =	shalt  }
0x6f: {  	_ =	shalt  }
0x70: {  	_ =	shalt  }
0x71: {  	_ =	shalt  }
0x72: {  	_ =	shalt  }
0x73: {  	_ =	shalt  }
0x74: {  	_ =	shalt  }
0x75: {  	_ =	shalt  }
0x76: {  	_ =	shalt  }
0x77: {  	_ =	shalt  }
0x78: {  	_ =	shalt  }
0x79: {  	_ =	shalt  }
0x7a: {  	_ =	shalt  }
0x7b: {  	_ =	shalt  }
0x7c: {  	_ =	shalt  }
0x7d: {  	_ =	shalt  }
0x7e: {  	_ =	shalt  }
0x7f: {  	_ =	shalt  }
0x80: {  	_ =	shalt  }
0x81: {  	_ =	shalt  }
0x82: {  	_ =	shalt  }
0x83: {  	_ =	shalt  }
0x84: {  	_ =	shalt  }
0x85: {  	_ =	shalt  }
0x86: {  	_ =	shalt  }
0x87: {  	_ =	shalt  }
.Lfunc_end0:
.L_simem_size_0:
called_computation_lowered:
.L_overlay_start_0:
0x88: {  	s2 =	sld [smem:$0x3FD9]  }
0x89: {  	s3 =	sld [smem:$0x3FFE];
	_ =	sdelay $0x1  }
0x8a: {  	s1 =	srdreg.scid  }
0x8b: {  	s0 =	sand.u32 $0x1, s1  }
0x8c: {  	s14 =	sshll.u32 s0, $0xA;
	s2 =	sadd.s32 s3, s2  }
0x8d: {  	s2 =	sadd.s32 s2, s14  }
0x8e: {  	[smem:$0x3FC0] =	sst s2  }
0x8f: {  	_ = 	snop  }
0x90: {  	s2 =	sld [smem:$0x3FD0];
	_ =	sdelay $0x2  }
0x91: {  	s15 =	simm.s32 $0xA;
	s4 =	simm.s32 $0x10  }
0x92: {  	[smem:s4], [sflag:s15] =	dma.local [hbm:s2], $0x1  }
0x93: {  	_ =	swait.eq [sflag:s15], $0x1  }
0x94: {  	[sflag:s15] =	ssyncset.done $0x0  }
0x95: {  	[sflag:s15] =	ssyncadd.s32 $0xFFFFFFFF  }
0x96: {  	s16 =	sld [smem:$0x11];
	(tm) =	ssettm $0x1  }
0x97: {  	s17 =	sld [smem:$0x3FFB];
	_ =	sdelay $0x3  }
0x98: {  	_ =	strace s17  }
0x99: {  	s3 =	sld [smem:$0x3FFC];
	_ =	sdelay $0x3  }
0x9a: {  	_ =	strace s3  }
0x9b: {  	s3 =	sld [smem:$0x3FFD];
	_ =	sdelay $0x3  }
0x9c: {  	_ =	strace s3  }
0x9d: {  	_ =	strace $0x8FFFFFFF  }
0x9e: {  	s18 =	sld [smem:$0x3FDB];
	_ =	sdelay $0x1  }
0x9f: {  	s19 =	simm.s32 $_scs_section_size  }
0xa0: {  	s5 =	simm.s32 $_size__tile_overlayer_lowered;
	s6 =	simm.s32 $_tile_overlayer_lowered  }
0xa1: {  	s22 =	simm.s32 $0x1BFF;
	s21 =	sshll.u32 s6, $0x1;
	s3 =	sadd.s32 s19, s18  }
0xa2: {  	s7 =	simm.s32 $0x0;
	s20 =	sshll.u32 s5, $0x1;
	s5 =	sadd.s32 s21, s3  }
0xa3: {  	[timem:s7], [sflag:s22] =	dma.local [hbm:s5], s20  }
0xa4: {  	_ =	swait.ge [sflag:s22], s20  }
0xa5: {  	s4 =	ssub.s32 $0x0, s20;
	[sflag:s22] =	ssyncset.done $0x0  }
0xa6: {  	[sflag:s22] =	ssyncadd.s32 s4;
	_ =	sdelay $0x1  }
0xa7: {  	s23 =	simm.s32 $0x1B8B  }
0xa8: {  	_ =	swait.ge [sflag:s23], $0x1  }
0xa9: {  	[sflag:s23] =	ssyncset.done $0x0  }
0xaa: {  	s25 =	simm.s32 $0x1B8E;
	s24 =	sld [smem:$0x3FFE];
	[sflag:s23] =	ssyncadd.s32 $0xFFFFFFFF  }
0xab: {  	s26 =	simm.s32 $execute0_lowered;
	[smem:$0x3FD2] =	sst s25  }
0xac: {  	s5 =	sshll.u32 s26, $0x1;
	_ =	strace $0x80000046;
	[dreg:$0x1] =	wrdreg $0xFFFFFFFF  }
0xad: {  	s28 =	simm.s32 $_size_execute0_lowered;
	s3 =	sadd.s32 s3, s5;
	[dreg:$0x0] =	wrdreg $0x0  }
0xae: {  	s5 =	sshll.u32 s28, $0x1;
	[dreg:$0x2] =	wrdreg s3  }
0xaf: {  	[dreg:$0x3] =	wrdreg s5  }
0xb0: {  	[dreg:$0x4] =	wrdreg $0xC0  }
0xb1: {  	_ =	task [dreg:s7], $0x5FFFF  }
0xb2: {  	[dreg:$0x1] =	wrdreg $0xFFFFFFFF  }
0xb3: {  	[dreg:$0x0] =	wrdreg $0x60  }
0xb4: {  	[dreg:$0x2] =	wrdreg s24  }
0xb5: {  	[dreg:$0x3] =	wrdreg s16  }
0xb6: {  	[dreg:$0x4] =	wrdreg $0x0  }
0xb7: {  	[dreg:$0x5] =	wrdreg $0x9  }
0xb8: {  	_ =	task.clear_ibuf [dreg:s7], $0x6FFFF;
	_ =	strace $0x90000046  }
0xb9: {  	s29 =	simm.s32 $0x9;
	_ =	strace $0x80000048  }
0xba: {  	_ =	swait.ge [sflag:s29], $0x1  }
0xbb: {  	[sflag:s29] =	ssyncadd.s32 $0xFFFFFFFF  }
0xbc: {  	_ =	strace $0x90000048  }
0xbd: {  	_ =	sfence  }
0xbe: {  	s30 =	sld [smem:$0x0];
	_ =	sdelay $0x2  }
0xbf: {  	s31 =	sshll.u32 s1, $0xD;
	s1 =	sshrl.u32 s1, $0x2  }
0xc0: {  	s3 =	sand.u32 $0x4000, s31;
	s1 =	sadd.s32 s1, s30  }
0xc1: {  	s0 =	sor.u32 s3, s0;
	s1 =	sshll.u32 s1, $0x11  }
0xc2: {  	s0 =	sor.u32 s1, s0  }
0xc3: {  	s0 =	sadd.s32 $0x8F2B, s0  }
0xc4: {  	[sflag:s0] =	ssyncadd.remote.s32 $0x1  }
0xc5: {  	_ =	sfence.sel $0xFFFF  }
0xc6: {  	[dreg:$0x0] =	wrdreg $0xFFFFFFFF;
	(pc) =	sbr.abs _section_cstart, $3  }
0xc7: {  	[dreg:$0x1] =	wrdreg $0xFFFFFFFF  }
0xc8: {  	_ =	task.clear_ibuf [dreg:s7], $0x2FFFF;
	_ =	strace $0x9FFFFFFF  }
0xc9: {  	(tm) =	ssettm $0x7FFFFFFF  }
tec
execute0_lowered:
.L_overlay_start_1:
0x0: {  	(tag) =	ssettag $0x1  }
0x1: {  	s7 =	rddreg [dreg:$0x0]  }
0x2: {  	s12 =	rddreg [dreg:$0x1]  }
0x3: {  	s1 =	rddreg [dreg:$0x2];
	s3 =	simm.s32 $0x0;
	s5 =	srdreg.scid  }
0x4: {  	s2 =	stileid.u32;
	s21 =	simm.s32 $0x0;
	[smem:$0x7FF] =	sst s3  }
0x5: {  	s4 =	sadd.s32 $0x14000, s7;
	s14 =	sand.u32 $0x1, s5;
	s8 =	smul.u32 $0x2800, s2  }
0x6: {  	s15 =	sadd.s32 $0xA200, s7;
	s16 =	sadd.s32 $0x400, s7;
	s5 =	sadd.s32 $0x64000, s7  }
0x7: {  	s6 =	sadd.s32 $0x66800, s7;
	s11 =	smul.u32 $0x50000, s2;
	s23 =	sshll.u32 s2, $0x1  }
0x8: {  	s25 =	sshll.u32 s2, $0x6;
	s30 =	sshll.u32 s2, $0x5;
	_ =	strace $0x80000047  }
0x9: {  	s9 =	smul.u32 $0x28000, s14;
	s10 =	ssub.s32 $0x2, s14;
	s19 =	ssub.s32 $0x9C4, s23  }
0xa: {  	s31 =	sshll.u32 s14, $0x4;
	s22 =	sshrl.u32 s10, $0x1;
	s24 =	sshrl.u32 s11, $0x2  }
0xb: {  	[dreg:$0x5] =	wrdreg s19;
	s19 =	simm.s32 $0x14000;
	s8 =	sadd.s32 s8, s9  }
0xc: {  	s17 =	ssub.s32 s10, s22;
	s13 =	sadd.s32 s8, s7;
	s7 =	sor.u32 s14, s23  }
0xd: {  	s18 =	sadd.s32 s24, s1;
	s8 =	sor.u32 $0x1C0B, s25;
	s26 =	sshll.u32 s7, $0x4  }
0xe: {  	s20 =	smul.u32 $0x500, s7;
	s11 =	sadd.s32 $0x66E00, s13;
	s13 =	smax.u32 s17, $0x1  }
0xf: {  	s28 =	ssub.s32 $0xA04, s7;
	s29 =	ssub.s32 $0x9E4, s7;
	s17 =	simm.s32 $0xB  }
0x10: {  	s9 =	sadd.s32 s15, s26;
	s10 =	sadd.s32 s16, s26;
	[dreg:$0x4] =	wrdreg s28  }
0x11: {  	s16 =	sadd.s32 s30, s16;
	s15 =	sadd.s32 s30, s15;
	[dreg:$0x6] =	wrdreg s29  }
0x12: {  	s12 =	sadd.s32 s12, s20;
	s14 =	sadd.s32 s31, s16;
	s15 =	sadd.s32 s31, s15  }
0x13: {  	s16 =	sshrl.u32 s18, $0x3;
	s18 =	simm.s32 $0x1C300;
	s20 =	simm.s32 $0x14100  }
.LBB2_1:
0x14: {  	[spmem:s16], [sflag:s8] =	dma.local [hbm:s5], $0x2800  }
0x15: {  	_ =	swait.ge [sflag:s17], $0x2800  }
0x16: {  	[sflag:s17] =	ssyncset.done $0x0  }
0x17: {  	[sflag:s17] =	ssyncadd.s32 $0xFFFFD800  }
0x18: {  	[tilespmem:s18], [sflag:$0xB] =	stream.linear.gather [hbm4b:s6+s3], $0x2800, $0x38;
	[tilespmem:$0x1EB00] =	vst v63  }
0x19: {  	_ =	swait.ge [sflag:s17], $0x2800  }
0x1a: {  	[sflag:s17] =	ssyncset.done $0x0  }
0x1b: {  	[sflag:s17] =	ssyncadd.s32 $0xFFFFD800  }
0x1c: {  	[bflag:$0x0] =	sbarrier.arrive $0xFFFF  }
0x1d: {  	[tilespmem:s19], [sflag:$0x1] =	stream.linear.gather [hbm4b:s9+s3], $0x80, $0x38;
	[tilespmem:$0x1EB00] =	vst v63  }
0x1e: {  	s22 =	simm.s32 $0x0;
	s23 =	simm.s32 $0x0  }
0x1f: {  	[tilespmem:s20], [sflag:$0x3] =	stream.linear.gather [hbm4b:s10+s3], $0x80, $0x38;
	[tilespmem:$0x1EB00] =	vst v63  }
.LBB2_2:
0x20: {  	s24 =	rddreg [dreg:$0x4];
	p0 =	seq.s32 s23, $0x0  }
0x21: {  	p1 =	sge.u32 @!p0 s22, s24  }
0x22: {  	p0 =	por p1, p0  }
0x23: {  	s24 =	simm.s32 @!p0 $0x9  }
0x24: {  	_ =	swait.ge @!p0 [sflag:s24], $0x4000  }
0x25: {  	s25 =	rddreg [dreg:$0x5]  }
0x26: {  	[sflag:s24] =	ssyncset.done @!p0 $0x0;
	p1 =	sge.u32 s22, s25  }
0x27: {  	[sflag:s24] =	ssyncadd.s32 @!p0 $0xFFFFC000;
	s24 =	simm.s32 @!p1 $0x1  }
0x28: {  	p6 =	sne.s32 s23, $0x0;
	s26 =	simm.s32 @!p1 $0x80;
	_ =	swait.ge @!p1 [sflag:s24], $0x80  }
0x29: {  	s25 =	simm.s32 @!p1 $0x14000;
	[sflag:s24] =	ssyncset.done @!p1 $0x0;
	s31 =	rddreg [dreg:$0x6]  }
0x2a: {  	s28 =	simm.s32 @!p1 $0x14300;
	[sflag:s24] =	ssyncadd.s32 @!p1 $0xFFFFFF80;
	p2 =	slt.u32 s22, s31  }
0x2b: {  	[tilespmem:s28], [sflag:$0x7] =	stream.indirect.gather @!p1 [hbm4b:s4+s26], $0x80, s25, s26, $0xb8;
	[tilespmem:$0x1EB00] =	vst v63  }
0x2c: {  	p0 =	por !p6, !p2  }
0x2d: {  	p2 =	por !p0, !p0  }
0x2e: {  	s24 =	simm.s32 @p2 $0x8  }
0x2f: {  	_ =	swait.ge @p2 [sflag:s24], $0x4000  }
0x30: {  	[sflag:s24] =	ssyncset.done @p2 $0x0  }
0x31: {  	[sflag:s24] =	ssyncadd.s32 @p2 $0xFFFFC000;
	s24 =	simm.s32 @p2 $0x6  }
0x32: {  	_ =	swait.ge @p2 [sflag:s24], $0x80  }
0x33: {  	s25 =	simm.s32 @p2 $0x14280;
	[sflag:s24] =	ssyncset.done @p2 $0x0  }
0x34: {  	s29 =	simm.s32 @p2 $0x18300;
	[sflag:s24] =	ssyncadd.s32 @p2 $0xFFFFFF80;
	s24 =	simm.s32 @p2 $0x80  }
0x35: {  	[spmem:s1] =	stream.indirect.scatter.add.f32 @p2 [tilespmem:s29], [sflag:$0xA], $0x80, s25, s24, $0xb8;
	[tilespmem:$0x1EB00] =	vst v63  }
0x36: {  	v0 =	vld @p2 [tilespmem:$0x14280];
	_ =	sdelay $0x6  }
0x37: {  	v1 =	vimm.f32 @p2 $1.000000000e+00;
	s25 =	simm.s32 @p2 $0x1C300  }
0x38: {  	[tilespmem:v0+s25+$0x0] =	vst.idx.add.f32.msk @p2 $0xffff, v1  }
0x39: {  	v0 =	vld @p2 [tilespmem:$0x14290];
	_ =	sdelay $0x7  }
0x3a: {  	[tilespmem:v0+s25+$0x0] =	vst.idx.add.f32.msk @p2 $0xffff, v1  }
0x3b: {  	v0 =	vld @p2 [tilespmem:$0x142A0];
	_ =	sdelay $0x7  }
0x3c: {  	[tilespmem:v0+s25+$0x0] =	vst.idx.add.f32.msk @p2 $0xffff, v1  }
0x3d: {  	v0 =	vld @p2 [tilespmem:$0x142B0];
	_ =	sdelay $0x7  }
0x3e: {  	[tilespmem:v0+s25+$0x0] =	vst.idx.add.f32.msk @p2 $0xffff, v1  }
0x3f: {  	v0 =	vld @p2 [tilespmem:$0x142C0];
	_ =	sdelay $0x7  }
0x40: {  	[tilespmem:v0+s25+$0x0] =	vst.idx.add.f32.msk @p2 $0xffff, v1  }
0x41: {  	v0 =	vld @p2 [tilespmem:$0x142D0];
	_ =	sdelay $0x7  }
0x42: {  	[tilespmem:v0+s25+$0x0] =	vst.idx.add.f32.msk @p2 $0xffff, v1  }
0x43: {  	v0 =	vld @p2 [tilespmem:$0x142E0];
	_ =	sdelay $0x7  }
0x44: {  	[tilespmem:v0+s25+$0x0] =	vst.idx.add.f32.msk @p2 $0xffff, v1  }
0x45: {  	v0 =	vld @p2 [tilespmem:$0x142F0];
	_ =	sdelay $0x3  }
0x46: {  	s24 =	sadd.s32 s22, s7  }
0x47: {  	s0 =	sadd.s32 $0x20, s24  }
0x48: {  	p0 =	sgt.u32 s0, $0x9C3  }
0x49: {  	s29 =	sadd.s32 @!p0 s23, s15  }
0x4a: {  	s30 =	simm.s32 @!p0 $0x14080;
	[tilespmem:v0+s25+$0x0] =	vst.idx.add.f32.msk @p2 $0xffff, v1;
	s25 =	sadd.s32 @!p0 $0x200, s29;
	s29 =	simm.s32 @!p0 $0x0  }
0x4b: {  	[tilespmem:s30], [sflag:$0x2] =	stream.linear.gather @!p0 [hbm4b:s25+s29], $0x80, $0x38;
	[tilespmem:$0x1EB00] =	vst v63  }
0x4c: {  	s25 =	sadd.s32 @!p0 s23, s14  }
0x4d: {  	s31 =	sadd.s32 @!p0 $0x200, s25;
	s25 =	simm.s32 @!p0 $0x14180  }
0x4e: {  	[tilespmem:s25], [sflag:$0x4] =	stream.linear.gather @!p0 [hbm4b:s31+s29], $0x80, $0x38;
	[tilespmem:$0x1EB00] =	vst v63  }
0x4f: {  	s29 =	simm.s32 @p2 $0xA  }
0x50: {  	_ =	swait.ge @p2 [sflag:s29], $0x4000  }
0x51: {  	[sflag:s29] =	ssyncset.done @p2 $0x0  }
0x52: {  	[sflag:s29] =	ssyncadd.s32 @p2 $0xFFFFC000;
	s29 =	simm.s32 @!p0 $0x2  }
0x53: {  	_ =	swait.ge @!p0 [sflag:s29], $0x80  }
0x54: {  	[sflag:s29] =	ssyncset.done @!p0 $0x0  }
0x55: {  	s31 =	simm.s32 @!p0 $0x18300;
	[sflag:s29] =	ssyncadd.s32 @!p0 $0xFFFFFF80;
	s29 =	simm.s32 @!p0 $0x80  }
0x56: {  	[tilespmem:s31], [sflag:$0x8] =	stream.indirect.gather @!p0 [hbm4b:s4+s29], $0x80, s30, s29, $0xb8;
	[tilespmem:$0x1EB00] =	vst v63  }
0x57: {  	s30 =	simm.s32 @!p1 $0x7  }
0x58: {  	_ =	swait.ge @!p1 [sflag:s30], $0x4000  }
0x59: {  	[sflag:s30] =	ssyncset.done @!p1 $0x0  }
0x5a: {  	[sflag:s30] =	ssyncadd.s32 @!p1 $0xFFFFC000;
	s30 =	simm.s32 @!p1 $0x3  }
0x5b: {  	_ =	swait.ge @!p1 [sflag:s30], $0x80  }
0x5c: {  	[sflag:s30] =	ssyncset.done @!p1 $0x0  }
0x5d: {  	[sflag:s30] =	ssyncadd.s32 @!p1 $0xFFFFFF80;
	s30 =	simm.s32 @!p1 $0x14100  }
0x5e: {  	[spmem:s1] =	stream.indirect.scatter.add.f32 @!p1 [tilespmem:s28], [sflag:$0x9], $0x80, s30, s26, $0xb8;
	[tilespmem:$0x1EB00] =	vst v63  }
0x5f: {  	v0 =	vld @!p1 [tilespmem:$0x14100];
	_ =	sdelay $0x6  }
0x60: {  	v1 =	vimm.f32 @!p1 $1.000000000e+00;
	s26 =	simm.s32 @!p1 $0x1C300  }
0x61: {  	[tilespmem:v0+s26+$0x0] =	vst.idx.add.f32.msk @!p1 $0xffff, v1  }
0x62: {  	v0 =	vld @!p1 [tilespmem:$0x14110];
	_ =	sdelay $0x7  }
0x63: {  	[tilespmem:v0+s26+$0x0] =	vst.idx.add.f32.msk @!p1 $0xffff, v1  }
0x64: {  	v0 =	vld @!p1 [tilespmem:$0x14120];
	_ =	sdelay $0x7  }
0x65: {  	[tilespmem:v0+s26+$0x0] =	vst.idx.add.f32.msk @!p1 $0xffff, v1  }
0x66: {  	v0 =	vld @!p1 [tilespmem:$0x14130];
	_ =	sdelay $0x7  }
0x67: {  	[tilespmem:v0+s26+$0x0] =	vst.idx.add.f32.msk @!p1 $0xffff, v1  }
0x68: {  	v0 =	vld @!p1 [tilespmem:$0x14140];
	_ =	sdelay $0x7  }
0x69: {  	[tilespmem:v0+s26+$0x0] =	vst.idx.add.f32.msk @!p1 $0xffff, v1  }
0x6a: {  	v0 =	vld @!p1 [tilespmem:$0x14150];
	_ =	sdelay $0x7  }
0x6b: {  	[tilespmem:v0+s26+$0x0] =	vst.idx.add.f32.msk @!p1 $0xffff, v1  }
0x6c: {  	v0 =	vld @!p1 [tilespmem:$0x14160];
	_ =	sdelay $0x7  }
0x6d: {  	[tilespmem:v0+s26+$0x0] =	vst.idx.add.f32.msk @!p1 $0xffff, v1  }
0x6e: {  	v0 =	vld @!p1 [tilespmem:$0x14170];
	_ =	sdelay $0x4  }
0x6f: {  	s30 =	sadd.s32 $0x40, s24  }
0x70: {  	p2 =	sgt.u32 s30, $0x9C3  }
0x71: {  	s28 =	sadd.s32 @!p2 s23, s15  }
0x72: {  	s30 =	simm.s32 @!p2 $0x14000;
	[tilespmem:v0+s26+$0x0] =	vst.idx.add.f32.msk @!p1 $0xffff, v1;
	s26 =	sadd.s32 @!p2 $0x400, s28;
	s28 =	simm.s32 @!p2 $0x0  }
0x73: {  	[tilespmem:s30], [sflag:$0x1] =	stream.linear.gather @!p2 [hbm4b:s26+s28], $0x80, $0x38;
	[tilespmem:$0x1EB00] =	vst v63  }
0x74: {  	s26 =	sadd.s32 @!p2 s23, s14  }
0x75: {  	s0 =	sadd.s32 @!p2 $0x400, s26;
	s26 =	simm.s32 @!p2 $0x14200  }
0x76: {  	[tilespmem:s26], [sflag:$0x5] =	stream.linear.gather @!p2 [hbm4b:s0+s28], $0x80, $0x38;
	[tilespmem:$0x1EB00] =	vst v63  }
0x77: {  	s0 =	simm.s32 @!p1 $0x9  }
0x78: {  	_ =	swait.ge @!p1 [sflag:s0], $0x4000  }
0x79: {  	[sflag:s0] =	ssyncset.done @!p1 $0x0  }
0x7a: {  	[sflag:s0] =	ssyncadd.s32 @!p1 $0xFFFFC000;
	s0 =	simm.s32 @!p2 $0x1  }
0x7b: {  	_ =	swait.ge @!p2 [sflag:s0], $0x80  }
0x7c: {  	[sflag:s0] =	ssyncset.done @!p2 $0x0  }
0x7d: {  	s28 =	simm.s32 @!p2 $0x14300;
	[sflag:s0] =	ssyncadd.s32 @!p2 $0xFFFFFF80;
	s0 =	simm.s32 @!p2 $0x80  }
0x7e: {  	[tilespmem:s28], [sflag:$0x7] =	stream.indirect.gather @!p2 [hbm4b:s4+s0], $0x80, s30, s0, $0xb8;
	[tilespmem:$0x1EB00] =	vst v63  }
0x7f: {  	s30 =	simm.s32 @!p0 $0x8  }
0x80: {  	_ =	swait.ge @!p0 [sflag:s30], $0x4000  }
0x81: {  	[sflag:s30] =	ssyncset.done @!p0 $0x0  }
0x82: {  	[sflag:s30] =	ssyncadd.s32 @!p0 $0xFFFFC000;
	s30 =	simm.s32 @!p0 $0x4  }
0x83: {  	_ =	swait.ge @!p0 [sflag:s30], $0x80  }
0x84: {  	[sflag:s30] =	ssyncset.done @!p0 $0x0  }
0x85: {  	[sflag:s30] =	ssyncadd.s32 @!p0 $0xFFFFFF80  }
0x86: {  	[spmem:s1] =	stream.indirect.scatter.add.f32 @!p0 [tilespmem:s31], [sflag:$0xA], $0x80, s25, s29, $0xb8;
	[tilespmem:$0x1EB00] =	vst v63  }
0x87: {  	v0 =	vld @!p0 [tilespmem:$0x14180];
	_ =	sdelay $0x6  }
0x88: {  	v1 =	vimm.f32 @!p0 $1.000000000e+00;
	s25 =	simm.s32 @!p0 $0x1C300  }
0x89: {  	[tilespmem:v0+s25+$0x0] =	vst.idx.add.f32.msk @!p0 $0xffff, v1  }
0x8a: {  	v0 =	vld @!p0 [tilespmem:$0x14190];
	_ =	sdelay $0x7  }
0x8b: {  	[tilespmem:v0+s25+$0x0] =	vst.idx.add.f32.msk @!p0 $0xffff, v1  }
0x8c: {  	v0 =	vld @!p0 [tilespmem:$0x141A0];
	_ =	sdelay $0x7  }
0x8d: {  	[tilespmem:v0+s25+$0x0] =	vst.idx.add.f32.msk @!p0 $0xffff, v1  }
0x8e: {  	v0 =	vld @!p0 [tilespmem:$0x141B0];
	_ =	sdelay $0x7  }
0x8f: {  	[tilespmem:v0+s25+$0x0] =	vst.idx.add.f32.msk @!p0 $0xffff, v1  }
0x90: {  	v0 =	vld @!p0 [tilespmem:$0x141C0];
	_ =	sdelay $0x7  }
0x91: {  	[tilespmem:v0+s25+$0x0] =	vst.idx.add.f32.msk @!p0 $0xffff, v1  }
0x92: {  	v0 =	vld @!p0 [tilespmem:$0x141D0];
	_ =	sdelay $0x7  }
0x93: {  	[tilespmem:v0+s25+$0x0] =	vst.idx.add.f32.msk @!p0 $0xffff, v1  }
0x94: {  	v0 =	vld @!p0 [tilespmem:$0x141E0];
	_ =	sdelay $0x7  }
0x95: {  	[tilespmem:v0+s25+$0x0] =	vst.idx.add.f32.msk @!p0 $0xffff, v1  }
0x96: {  	v0 =	vld @!p0 [tilespmem:$0x141F0];
	_ =	sdelay $0x4  }
0x97: {  	s31 =	sadd.s32 $0x60, s24  }
0x98: {  	p1 =	sgt.u32 s31, $0x9C3  }
0x99: {  	s29 =	sadd.s32 @!p1 s23, s15  }
0x9a: {  	s30 =	simm.s32 @!p1 $0x14080;
	[tilespmem:v0+s25+$0x0] =	vst.idx.add.f32.msk @!p0 $0xffff, v1;
	s25 =	sadd.s32 @!p1 $0x600, s29;
	s29 =	simm.s32 @!p1 $0x0  }
0x9b: {  	[tilespmem:s30], [sflag:$0x2] =	stream.linear.gather @!p1 [hbm4b:s25+s29], $0x80, $0x38;
	[tilespmem:$0x1EB00] =	vst v63  }
0x9c: {  	s25 =	sadd.s32 @!p1 s23, s14  }
0x9d: {  	s31 =	simm.s32 @!p1 $0x14280;
	s25 =	sadd.s32 @!p1 $0x600, s25  }
0x9e: {  	[tilespmem:s31], [sflag:$0x6] =	stream.linear.gather @!p1 [hbm4b:s25+s29], $0x80, $0x38;
	[tilespmem:$0x1EB00] =	vst v63  }
0x9f: {  	s25 =	simm.s32 @!p0 $0xA  }
0xa0: {  	_ =	swait.ge @!p0 [sflag:s25], $0x4000  }
0xa1: {  	[sflag:s25] =	ssyncset.done @!p0 $0x0  }
0xa2: {  	[sflag:s25] =	ssyncadd.s32 @!p0 $0xFFFFC000;
	s25 =	simm.s32 @!p1 $0x2  }
0xa3: {  	_ =	swait.ge @!p1 [sflag:s25], $0x80  }
0xa4: {  	[sflag:s25] =	ssyncset.done @!p1 $0x0  }
0xa5: {  	s29 =	simm.s32 @!p1 $0x18300;
	[sflag:s25] =	ssyncadd.s32 @!p1 $0xFFFFFF80;
	s25 =	simm.s32 @!p1 $0x80  }
0xa6: {  	[tilespmem:s29], [sflag:$0x8] =	stream.indirect.gather @!p1 [hbm4b:s4+s25], $0x80, s30, s25, $0xb8;
	[tilespmem:$0x1EB00] =	vst v63  }
0xa7: {  	s25 =	simm.s32 @!p2 $0x7  }
0xa8: {  	_ =	swait.ge @!p2 [sflag:s25], $0x4000  }
0xa9: {  	[sflag:s25] =	ssyncset.done @!p2 $0x0  }
0xaa: {  	[sflag:s25] =	ssyncadd.s32 @!p2 $0xFFFFC000;
	s25 =	simm.s32 @!p2 $0x5  }
0xab: {  	_ =	swait.ge @!p2 [sflag:s25], $0x80  }
0xac: {  	[sflag:s25] =	ssyncset.done @!p2 $0x0  }
0xad: {  	[sflag:s25] =	ssyncadd.s32 @!p2 $0xFFFFFF80  }
0xae: {  	[spmem:s1] =	stream.indirect.scatter.add.f32 @!p2 [tilespmem:s28], [sflag:$0x9], $0x80, s26, s0, $0xb8;
	[tilespmem:$0x1EB00] =	vst v63  }
0xaf: {  	v0 =	vld @!p2 [tilespmem:$0x14200];
	_ =	sdelay $0x6  }
0xb0: {  	v1 =	vimm.f32 @!p2 $1.000000000e+00;
	s0 =	simm.s32 @!p2 $0x1C300  }
0xb1: {  	[tilespmem:v0+s0+$0x0] =	vst.idx.add.f32.msk @!p2 $0xffff, v1  }
0xb2: {  	v0 =	vld @!p2 [tilespmem:$0x14210];
	_ =	sdelay $0x7  }
0xb3: {  	[tilespmem:v0+s0+$0x0] =	vst.idx.add.f32.msk @!p2 $0xffff, v1  }
0xb4: {  	v0 =	vld @!p2 [tilespmem:$0x14220];
	_ =	sdelay $0x7  }
0xb5: {  	[tilespmem:v0+s0+$0x0] =	vst.idx.add.f32.msk @!p2 $0xffff, v1  }
0xb6: {  	v0 =	vld @!p2 [tilespmem:$0x14230];
	_ =	sdelay $0x7  }
0xb7: {  	[tilespmem:v0+s0+$0x0] =	vst.idx.add.f32.msk @!p2 $0xffff, v1  }
0xb8: {  	v0 =	vld @!p2 [tilespmem:$0x14240];
	_ =	sdelay $0x7  }
0xb9: {  	[tilespmem:v0+s0+$0x0] =	vst.idx.add.f32.msk @!p2 $0xffff, v1  }
0xba: {  	v0 =	vld @!p2 [tilespmem:$0x14250];
	_ =	sdelay $0x7  }
0xbb: {  	[tilespmem:v0+s0+$0x0] =	vst.idx.add.f32.msk @!p2 $0xffff, v1  }
0xbc: {  	v0 =	vld @!p2 [tilespmem:$0x14260];
	_ =	sdelay $0x7  }
0xbd: {  	[tilespmem:v0+s0+$0x0] =	vst.idx.add.f32.msk @!p2 $0xffff, v1  }
0xbe: {  	v0 =	vld @!p2 [tilespmem:$0x14270];
	_ =	sdelay $0x4  }
0xbf: {  	s24 =	sadd.s32 $0x80, s24  }
0xc0: {  	p0 =	sgt.u32 s24, $0x9C3  }
0xc1: {  	s24 =	sadd.s32 @!p0 s23, s15  }
0xc2: {  	s25 =	simm.s32 @!p0 $0x14000;
	[tilespmem:v0+s0+$0x0] =	vst.idx.add.f32.msk @!p2 $0xffff, v1;
	s0 =	sadd.s32 @!p0 $0x800, s24;
	s24 =	simm.s32 @!p0 $0x0  }
0xc3: {  	[tilespmem:s25], [sflag:$0x1] =	stream.linear.gather @!p0 [hbm4b:s0+s24], $0x80, $0x38;
	[tilespmem:$0x1EB00] =	vst v63  }
0xc4: {  	s0 =	sadd.s32 @!p0 s23, s14  }
0xc5: {  	s25 =	simm.s32 @!p0 $0x14100;
	s23 =	sadd.s32 $0x800, s23;
	s0 =	sadd.s32 @!p0 $0x800, s0  }
0xc6: {  	[tilespmem:s25], [sflag:$0x3] =	stream.linear.gather @!p0 [hbm4b:s0+s24], $0x80, $0x38;
	[tilespmem:$0x1EB00] =	vst v63  }
0xc7: {  	p0 =	sne.s32 s23, $0xA800  }
.Ltmp0:
0xc8: {  	_ = 	snop;
	(pc) =	sbr.rel @p0 .LBB2_2-.Ltmp0, $2  }
0xc9: {  	_ =	sdelay $0x2  }
0xca: {  	s22 =	sadd.s32 $0x80, s22  }
0xcb: {  	[bflag:$0x0] =	sbarrier.arrive $0xFFFF  }
0xcc: {  	[hbm:s11], [sflag:s8] =	dma.local [spmem:s16], $0x2800  }
0xcd: {  	s21 =	sadd.s32 $0x1, s21;
	_ =	swait.ge [sflag:s17], $0x2800  }
0xce: {  	p0 =	sne.s32 s21, s13;
	[sflag:s17] =	ssyncset.done $0x0  }
.Ltmp1:
0xcf: {  	[sflag:s17] =	ssyncadd.s32 $0xFFFFD800;
	(pc) =	sbr.rel @p0 .LBB2_1-.Ltmp1, $4  }
0xd0: {  	[hbm4b:s12+s3] =	stream.linear.scatter [tilespmem:s18], [sflag:$0xB], $0x2800, $0x38;
	[tilespmem:$0x1EB00] =	vst v63  }
0xd1: {  	_ =	swait.ge [sflag:s17], $0x2800  }
0xd2: {  	[sflag:s17] =	ssyncset.done $0x0  }
0xd3: {  	[sflag:s17] =	ssyncadd.s32 $0xFFFFD800  }
0xd4: {  	_ =	sfence.sel $0x180000  }
0xd5: {  	[bflag:$0x0] =	sbarrier.arrive $0xFFFF  }
0xd6: {  	_ =	strace $0x90000047  }
0xd7: {  	[bflag:$0x2] =	sbarrier.arrive $0xFFFF  }
0xd8: {  	p0 =	sne.s32 s2, $0x0;
	s0 =	rddreg [dreg:$0x3]  }
0xd9: {  	s0 =	sadd.s32 @!p0 $0x100000, s0  }
0xda: {  	[sflag:s0] =	ssyncadd.tile.s32 @!p0 $0x1;
	_ =	shalt  }
.Lfunc_end2:
_tile_overlayer_lowered:
.L_overlay_start_2:
0xdb: {  	(tag) =	ssettag $0x2  }
0xdc: {  	s0 =	rddreg [dreg:$0x0];
	s2 =	stileid.u32  }
0xdd: {  	s1 =	rddreg [dreg:$0x1];
	p0 =	sne.s32 s2, $0x0  }
0xde: {  	s3 =	rddreg [dreg:$0x2];
	[bflag:$0x3] =	sbarrier.arrive $0xFFFF;
	s2 =	simm.s32 @!p0 $0x1C0B  }
0xdf: {  	[timem:s3], [sflag:s2] =	dma.local @!p0 [hbm:s0], s1  }
0xe0: {  	s0 =	simm.s32 @!p0 $0xB  }
0xe1: {  	_ =	swait.ge @!p0 [sflag:s0], s1  }
0xe2: {  	s1 =	ssub.s32 @!p0 $0x0, s1;
	[sflag:s0] =	ssyncset.done @!p0 $0x0  }
0xe3: {  	[sflag:s0] =	ssyncadd.s32 @!p0 s1  }
0xe4: {  	[bflag:$0x3] =	sbarrier.arrive $0xFFFF  }
0xe5: {  	_ =	shalt  }

</sc_bundles>
